<compile_context>
chip_gen: v7x
topology: tpu7x:2x2x1
jax: 0.10.2.dev20260603
libtpu: 0.0.44.dev20260713+nightly
codegen_flags: <defaults>
</compile_context>

<pallas_src>
import functools

import jax
import jax.numpy as jnp
from jax import lax
from jax.experimental import pallas as pl
from jax.experimental.pallas import tpu as pltpu
from jax.experimental.pallas import tpu_sc as plsc

B, L, D = 16384, 200, 10
NC, NS, LANES = 2, 16, 16
NW = NC * NS
BW = B // NW
NL = 8
NWAVES = L // NL
GROUPS = BW // LANES
NPAIRS = (NWAVES - 1) // 2


def _make_emb():
    mesh = plsc.VectorSubcoreMesh(core_axis_name="c", subcore_axis_name="s")

    @functools.partial(
        pl.kernel,
        mesh=mesh,
        out_type=jax.ShapeDtypeStruct((D, L, B), jnp.float32),
        scratch_types=[
            pltpu.VMEM((D, 100), jnp.float32),
            pltpu.VMEM((2, NL, BW), jnp.int32),
            pltpu.VMEM((2, D, NL, BW), jnp.float32),
            pltpu.SemaphoreType.DMA,
            pltpu.SemaphoreType.DMA,
            pltpu.SemaphoreType.DMA,
            pltpu.SemaphoreType.DMA,
        ],
        compiler_params=pltpu.CompilerParams(needs_layout_passes=False),
    )
    def emb(ids_hbm, tabt_hbm, out_hbm, tabt_v, idx_v, rows_v,
            in0, in1, out0, out1):
        wid = lax.axis_index("s") * NC + lax.axis_index("c")
        b0 = wid * BW
        pltpu.sync_copy(tabt_hbm, tabt_v)
        dsplat = [jnp.full((LANES,), d, jnp.int32) for d in range(D)]
        in_sems = [in0, in1]
        out_sems = [out0, out1]

        def in_dma(slot, w):
            return pltpu.make_async_copy(
                ids_hbm.at[pl.ds(w * NL, NL), pl.ds(b0, BW)],
                idx_v.at[slot], in_sems[slot])

        def out_dma_start(slot, w):
            for d in range(D):
                pltpu.make_async_copy(
                    rows_v.at[slot, d],
                    out_hbm.at[d, pl.ds(w * NL, NL), pl.ds(b0, BW)],
                    out_sems[slot]).start()

        def out_dma_wait(slot, w):
            for d in range(D):
                pltpu.make_async_copy(
                    rows_v.at[slot, d],
                    out_hbm.at[d, pl.ds(w * NL, NL), pl.ds(b0, BW)],
                    out_sems[slot]).wait()

        def compute(slot):
            def group_body(gg, carry):
                offs = [(gg * 2 + u) * LANES for u in range(2)]
                all_ids = [[idx_v[slot, l, pl.ds(off, LANES)]
                            for l in range(NL)] for off in offs]
                for u, off in enumerate(offs):
                    for l in range(0, NL, 2):
                        cols = [[plsc.load_gather(tabt_v, [dsplat[d],
                                                           all_ids[u][l + j]])
                                 for d in range(D)] for j in range(2)]
                        for j in range(2):
                            for d in range(D):
                                rows_v[slot, d, l + j,
                                       pl.ds(off, LANES)] = cols[j][d]
                return carry

            lax.fori_loop(0, GROUPS // 2, group_body, 0)

        def wave_body(w, carry):
            pltpu.sync_copy(ids_hbm.at[pl.ds(w * NL, NL), pl.ds(b0, BW)],
                            idx_v.at[0])
            compute(0)
            for d in range(D):
                pltpu.sync_copy(
                    rows_v.at[0, d],
                    out_hbm.at[d, pl.ds(w * NL, NL), pl.ds(b0, BW)])
            return carry

        lax.fori_loop(0, NWAVES, wave_body, 0)

    return emb


_emb = _make_emb()


def kernel(input_ids, table):
    idsT = input_ids.T.astype(jnp.int32)
    tabT = table.T
    out = _emb(idsT, tabT)
    return out.transpose(2, 1, 0)

# --- scband reference (transcript-rebuilt; emitter-appended) ---
"""Pipeline reference for scband-dummy-embeddings-38190849196067 (READ-ONLY COPY).

The authoritative reference and input builder live on the scoring server;
editing this copy changes nothing except your own understanding.
"""

import jax, jax.numpy as jnp
import numpy as np

NUM_EMBEDDINGS = 100
EMBED_DIM = 10

def setup_inputs(seed: int = 0) -> dict:
    key = jax.random.key(seed)
    k_idx, k_tab = jax.random.split(key)
    input_ids = jax.random.randint(k_idx, (16384, 200), 0, NUM_EMBEDDINGS, dtype=jnp.int64 if jax.config.jax_enable_x64 else jnp.int32)
    # nn.Embedding default init: N(0, 1)
    table = jax.random.normal(k_tab, (NUM_EMBEDDINGS, EMBED_DIM), dtype=jnp.float32)
    return {"input_ids": input_ids, "table": table}

def reference(input_ids, table):
    # nn.Embedding lookup: table[input_ids] -> [B, L, D]
    return jnp.take(table, input_ids, axis=0)

if __name__ == "__main__":
    import jax
    _d = setup_inputs()
    print(jax.jit(kernel)(*tuple(_d.values())))

</pallas_src>

<mosaic_0001>
#map = affine_map<(d0, d1) -> (0, 0)>
#map1 = affine_map<(d0, d1) -> (0, 0, 0)>
module attributes {stable_mosaic.version = 14 : i64} {
  func.func @emb(%arg0: i32, %arg1: i32, %arg2: memref<200x16384xi32, #tpu.memory_space<hbm>>, %arg3: memref<10x100xf32, #tpu.memory_space<hbm>>, %arg4: memref<10x200x16384xf32, #tpu.memory_space<hbm>>, %arg5: memref<10x100xf32, #tpu.memory_space<vmem>>, %arg6: memref<2x8x512xi32, #tpu.memory_space<vmem>>, %arg7: memref<2x10x8x512xf32, #tpu.memory_space<vmem>>, %arg8: memref<!tpu.dma_semaphore, #tpu.memory_space<semaphore_mem>>, %arg9: memref<!tpu.dma_semaphore, #tpu.memory_space<semaphore_mem>>, %arg10: memref<!tpu.dma_semaphore, #tpu.memory_space<semaphore_mem>>, %arg11: memref<!tpu.dma_semaphore, #tpu.memory_space<semaphore_mem>>) attributes {dimension_semantics = [#tpu.dimension_semantics<core_parallel>, #tpu.dimension_semantics<subcore_parallel>], iteration_bounds = array<i64: 2, 16>, scalar_prefetch = 0 : i64, scratch_operands = 7 : i64, tpu.core_type = #tpu.core_type<sc_vector_subcore>, window_params = [{transform_indices = #map}, {transform_indices = #map}, {transform_indices = #map1}]} {
    %mul3A = arith.constant 2 : i32
    %mul3A_0 = arith.muli %arg1, %mul3A : i32
    %add3A = arith.addi %mul3A_0, %arg0 : i32
    %mul3A_1 = arith.constant 512 : i32
    %mul3A_2 = arith.muli %add3A, %mul3A_1 : i32
    "tpu.region"() ({
      %run_scoped3A = tpu.sem_alloc : memref<!tpu.dma_semaphore, #tpu.memory_space<semaphore_mem>>
      tpu.enqueue_dma source(%arg3 : memref<10x100xf32, #tpu.memory_space<hbm>>) target(%arg5 : memref<10x100xf32, #tpu.memory_space<vmem>>) target_semaphore(%run_scoped3A : memref<!tpu.dma_semaphore, #tpu.memory_space<semaphore_mem>>)
      tpu.wait_dma2 semaphore(%run_scoped3A : memref<!tpu.dma_semaphore, #tpu.memory_space<semaphore_mem>>) src(%arg3 : memref<10x100xf32, #tpu.memory_space<hbm>>) dst(%arg5 : memref<10x100xf32, #tpu.memory_space<vmem>>)
      tpu.yield
    }) : () -> ()
    %broadcast_in_dim3A = arith.constant 0 : i32
    %broadcast_in_dim3A_3 = vector.broadcast %broadcast_in_dim3A : i32 to vector<16xi32>
    %broadcast_in_dim3A_4 = arith.constant 1 : i32
    %broadcast_in_dim3A_5 = vector.broadcast %broadcast_in_dim3A_4 : i32 to vector<16xi32>
    %broadcast_in_dim3A_6 = arith.constant 2 : i32
    %broadcast_in_dim3A_7 = vector.broadcast %broadcast_in_dim3A_6 : i32 to vector<16xi32>
    %broadcast_in_dim3A_8 = arith.constant 3 : i32
    %broadcast_in_dim3A_9 = vector.broadcast %broadcast_in_dim3A_8 : i32 to vector<16xi32>
    %broadcast_in_dim3A_10 = arith.constant 4 : i32
    %broadcast_in_dim3A_11 = vector.broadcast %broadcast_in_dim3A_10 : i32 to vector<16xi32>
    %broadcast_in_dim3A_12 = arith.constant 5 : i32
    %broadcast_in_dim3A_13 = vector.broadcast %broadcast_in_dim3A_12 : i32 to vector<16xi32>
    %broadcast_in_dim3A_14 = arith.constant 6 : i32
    %broadcast_in_dim3A_15 = vector.broadcast %broadcast_in_dim3A_14 : i32 to vector<16xi32>
    %broadcast_in_dim3A_16 = arith.constant 7 : i32
    %broadcast_in_dim3A_17 = vector.broadcast %broadcast_in_dim3A_16 : i32 to vector<16xi32>
    %broadcast_in_dim3A_18 = arith.constant 8 : i32
    %broadcast_in_dim3A_19 = vector.broadcast %broadcast_in_dim3A_18 : i32 to vector<16xi32>
    %broadcast_in_dim3A_20 = arith.constant 9 : i32
    %broadcast_in_dim3A_21 = vector.broadcast %broadcast_in_dim3A_20 : i32 to vector<16xi32>
    %scan3A = arith.constant 0 : i32
    %scan3A_22 = arith.constant 0 : i32
    %scan3A_23 = arith.constant 25 : i32
    %scan3A_24 = arith.addi %scan3A_22, %scan3A_23 : i32
    %scan3A_25 = arith.constant 1 : i32
    scf.for %scan3A_27 = %scan3A_22 to %scan3A_24 step %scan3A_25  : i32 {
      %mul3A_28 = arith.constant 8 : i32
      %mul3A_29 = arith.muli %scan3A_27, %mul3A_28 : i32
      %run_scoped3A = arith.constant 0 : i32
      "tpu.region"() ({
        %run_scoped3A_86 = tpu.sem_alloc : memref<!tpu.dma_semaphore, #tpu.memory_space<semaphore_mem>>
        %dma_start3A = arith.constant 0 : i32
        %dma_start3A_87 = arith.constant 0 : i32
        %dma_start3A_88 = tpu.memref_slice %arg6[%run_scoped3A, %dma_start3A, %dma_start3A_87] : memref<2x8x512xi32, #tpu.memory_space<vmem>> -> memref<1x8x512xi32, #tpu.memory_space<vmem>>
        %dma_start3A_89 = tpu.memref_squeeze %dma_start3A_88 : memref<1x8x512xi32, #tpu.memory_space<vmem>> -> memref<8x512xi32, #tpu.memory_space<vmem>>
        %dma_start3A_90 = tpu.memref_slice %arg2[%mul3A_29, %mul3A_2] : memref<200x16384xi32, #tpu.memory_space<hbm>> -> memref<8x512xi32, #tpu.memory_space<hbm>>
        %dma_start3A_91 = arith.constant 0 : i32
        %dma_start3A_92 = arith.constant 0 : i32
        %dma_start3A_93 = tpu.memref_slice %arg6[%run_scoped3A, %dma_start3A_91, %dma_start3A_92] : memref<2x8x512xi32, #tpu.memory_space<vmem>> -> memref<1x8x512xi32, #tpu.memory_space<vmem>>
        %dma_start3A_94 = tpu.memref_squeeze %dma_start3A_93 : memref<1x8x512xi32, #tpu.memory_space<vmem>> -> memref<8x512xi32, #tpu.memory_space<vmem>>
        %dma_start3A_95 = tpu.memref_slice %arg2[%mul3A_29, %mul3A_2] : memref<200x16384xi32, #tpu.memory_space<hbm>> -> memref<8x512xi32, #tpu.memory_space<hbm>>
        tpu.enqueue_dma source(%dma_start3A_95 : memref<8x512xi32, #tpu.memory_space<hbm>>) target(%dma_start3A_94 : memref<8x512xi32, #tpu.memory_space<vmem>>) target_semaphore(%run_scoped3A_86 : memref<!tpu.dma_semaphore, #tpu.memory_space<semaphore_mem>>)
        %dma_wait3A = arith.constant 0 : i32
        %dma_wait3A_96 = arith.constant 0 : i32
        %dma_wait3A_97 = tpu.memref_slice %arg6[%run_scoped3A, %dma_wait3A, %dma_wait3A_96] : memref<2x8x512xi32, #tpu.memory_space<vmem>> -> memref<1x8x512xi32, #tpu.memory_space<vmem>>
        %dma_wait3A_98 = tpu.memref_squeeze %dma_wait3A_97 : memref<1x8x512xi32, #tpu.memory_space<vmem>> -> memref<8x512xi32, #tpu.memory_space<vmem>>
        %dma_wait3A_99 = tpu.memref_slice %arg2[%mul3A_29, %mul3A_2] : memref<200x16384xi32, #tpu.memory_space<hbm>> -> memref<8x512xi32, #tpu.memory_space<hbm>>
        %dma_wait3A_100 = arith.constant 0 : i32
        %dma_wait3A_101 = arith.constant 0 : i32
        %dma_wait3A_102 = tpu.memref_slice %arg6[%run_scoped3A, %dma_wait3A_100, %dma_wait3A_101] : memref<2x8x512xi32, #tpu.memory_space<vmem>> -> memref<1x8x512xi32, #tpu.memory_space<vmem>>
        %dma_wait3A_103 = tpu.memref_squeeze %dma_wait3A_102 : memref<1x8x512xi32, #tpu.memory_space<vmem>> -> memref<8x512xi32, #tpu.memory_space<vmem>>
        %dma_wait3A_104 = tpu.memref_slice %arg2[%mul3A_29, %mul3A_2] : memref<200x16384xi32, #tpu.memory_space<hbm>> -> memref<8x512xi32, #tpu.memory_space<hbm>>
        tpu.wait_dma2 semaphore(%run_scoped3A_86 : memref<!tpu.dma_semaphore, #tpu.memory_space<semaphore_mem>>) src(%dma_wait3A_104 : memref<8x512xi32, #tpu.memory_space<hbm>>) dst(%dma_wait3A_103 : memref<8x512xi32, #tpu.memory_space<vmem>>)
        tpu.yield
      }) : () -> ()
      %scan3A_30 = arith.constant 0 : i32
      %scan3A_31 = arith.constant 0 : i32
      %scan3A_32 = arith.constant 16 : i32
      %scan3A_33 = arith.addi %scan3A_31, %scan3A_32 : i32
      %scan3A_34 = arith.constant 1 : i32
      scf.for %scan3A_86 = %scan3A_31 to %scan3A_33 step %scan3A_34  : i32 {
        %mul3A_87 = arith.constant 2 : i32
        %mul3A_88 = arith.muli %scan3A_86, %mul3A_87 : i32
        %add3A_89 = arith.constant 0 : i32
        %add3A_90 = arith.addi %mul3A_88, %add3A_89 : i32
        %mul3A_91 = arith.constant 16 : i32
        %mul3A_92 = arith.muli %add3A_90, %mul3A_91 : i32
        %mul3A_93 = arith.constant 2 : i32
        %mul3A_94 = arith.muli %scan3A_86, %mul3A_93 : i32
        %add3A_95 = arith.constant 1 : i32
        %add3A_96 = arith.addi %mul3A_94, %add3A_95 : i32
        %mul3A_97 = arith.constant 16 : i32
        %mul3A_98 = arith.muli %add3A_96, %mul3A_97 : i32
        %get3A = arith.constant 0 : i32
        %get3A_99 = arith.constant 0 : i32
        %get3A_100 = arith.index_cast %get3A : i32 to index
        %get3A_101 = arith.index_cast %get3A_99 : i32 to index
        %get3A_102 = arith.index_cast %mul3A_92 : i32 to index
        %get3A_103 = tpu.vector_load %arg6[%get3A_100, %get3A_101, %get3A_102] {strides = array<i32>} : memref<2x8x512xi32, #tpu.memory_space<vmem>>, vector<16xi32>,
        %get3A_104 = arith.constant 0 : i32
        %get3A_105 = arith.constant 1 : i32
        %get3A_106 = arith.index_cast %get3A_104 : i32 to index
        %get3A_107 = arith.index_cast %get3A_105 : i32 to index
        %get3A_108 = arith.index_cast %mul3A_92 : i32 to index
        %get3A_109 = tpu.vector_load %arg6[%get3A_106, %get3A_107, %get3A_108] {strides = array<i32>} : memref<2x8x512xi32, #tpu.memory_space<vmem>>, vector<16xi32>,
        %get3A_110 = arith.constant 0 : i32
        %get3A_111 = arith.constant 2 : i32
        %get3A_112 = arith.index_cast %get3A_110 : i32 to index
        %get3A_113 = arith.index_cast %get3A_111 : i32 to index
        %get3A_114 = arith.index_cast %mul3A_92 : i32 to index
        %get3A_115 = tpu.vector_load %arg6[%get3A_112, %get3A_113, %get3A_114] {strides = array<i32>} : memref<2x8x512xi32, #tpu.memory_space<vmem>>, vector<16xi32>,
        %get3A_116 = arith.constant 0 : i32
        %get3A_117 = arith.constant 3 : i32
        %get3A_118 = arith.index_cast %get3A_116 : i32 to index
        %get3A_119 = arith.index_cast %get3A_117 : i32 to index
        %get3A_120 = arith.index_cast %mul3A_92 : i32 to index
        %get3A_121 = tpu.vector_load %arg6[%get3A_118, %get3A_119, %get3A_120] {strides = array<i32>} : memref<2x8x512xi32, #tpu.memory_space<vmem>>, vector<16xi32>,
        %get3A_122 = arith.constant 0 : i32
        %get3A_123 = arith.constant 4 : i32
        %get3A_124 = arith.index_cast %get3A_122 : i32 to index
        %get3A_125 = arith.index_cast %get3A_123 : i32 to index
        %get3A_126 = arith.index_cast %mul3A_92 : i32 to index
        %get3A_127 = tpu.vector_load %arg6[%get3A_124, %get3A_125, %get3A_126] {strides = array<i32>} : memref<2x8x512xi32, #tpu.memory_space<vmem>>, vector<16xi32>,
        %get3A_128 = arith.constant 0 : i32
        %get3A_129 = arith.constant 5 : i32
        %get3A_130 = arith.index_cast %get3A_128 : i32 to index
        %get3A_131 = arith.index_cast %get3A_129 : i32 to index
        %get3A_132 = arith.index_cast %mul3A_92 : i32 to index
        %get3A_133 = tpu.vector_load %arg6[%get3A_130, %get3A_131, %get3A_132] {strides = array<i32>} : memref<2x8x512xi32, #tpu.memory_space<vmem>>, vector<16xi32>,
        %get3A_134 = arith.constant 0 : i32
        %get3A_135 = arith.constant 6 : i32
        %get3A_136 = arith.index_cast %get3A_134 : i32 to index
        %get3A_137 = arith.index_cast %get3A_135 : i32 to index
        %get3A_138 = arith.index_cast %mul3A_92 : i32 to index
        %get3A_139 = tpu.vector_load %arg6[%get3A_136, %get3A_137, %get3A_138] {strides = array<i32>} : memref<2x8x512xi32, #tpu.memory_space<vmem>>, vector<16xi32>,
        %get3A_140 = arith.constant 0 : i32
        %get3A_141 = arith.constant 7 : i32
        %get3A_142 = arith.index_cast %get3A_140 : i32 to index
        %get3A_143 = arith.index_cast %get3A_141 : i32 to index
        %get3A_144 = arith.index_cast %mul3A_92 : i32 to index
        %get3A_145 = tpu.vector_load %arg6[%get3A_142, %get3A_143, %get3A_144] {strides = array<i32>} : memref<2x8x512xi32, #tpu.memory_space<vmem>>, vector<16xi32>,
        %get3A_146 = arith.constant 0 : i32
        %get3A_147 = arith.constant 0 : i32
        %get3A_148 = arith.index_cast %get3A_146 : i32 to index
        %get3A_149 = arith.index_cast %get3A_147 : i32 to index
        %get3A_150 = arith.index_cast %mul3A_98 : i32 to index
        %get3A_151 = tpu.vector_load %arg6[%get3A_148, %get3A_149, %get3A_150] {strides = array<i32>} : memref<2x8x512xi32, #tpu.memory_space<vmem>>, vector<16xi32>,
        %get3A_152 = arith.constant 0 : i32
        %get3A_153 = arith.constant 1 : i32
        %get3A_154 = arith.index_cast %get3A_152 : i32 to index
        %get3A_155 = arith.index_cast %get3A_153 : i32 to index
        %get3A_156 = arith.index_cast %mul3A_98 : i32 to index
        %get3A_157 = tpu.vector_load %arg6[%get3A_154, %get3A_155, %get3A_156] {strides = array<i32>} : memref<2x8x512xi32, #tpu.memory_space<vmem>>, vector<16xi32>,
        %get3A_158 = arith.constant 0 : i32
        %get3A_159 = arith.constant 2 : i32
        %get3A_160 = arith.index_cast %get3A_158 : i32 to index
        %get3A_161 = arith.index_cast %get3A_159 : i32 to index
        %get3A_162 = arith.index_cast %mul3A_98 : i32 to index
        %get3A_163 = tpu.vector_load %arg6[%get3A_160, %get3A_161, %get3A_162] {strides = array<i32>} : memref<2x8x512xi32, #tpu.memory_space<vmem>>, vector<16xi32>,
        %get3A_164 = arith.constant 0 : i32
        %get3A_165 = arith.constant 3 : i32
        %get3A_166 = arith.index_cast %get3A_164 : i32 to index
        %get3A_167 = arith.index_cast %get3A_165 : i32 to index
        %get3A_168 = arith.index_cast %mul3A_98 : i32 to index
        %get3A_169 = tpu.vector_load %arg6[%get3A_166, %get3A_167, %get3A_168] {strides = array<i32>} : memref<2x8x512xi32, #tpu.memory_space<vmem>>, vector<16xi32>,
        %get3A_170 = arith.constant 0 : i32
        %get3A_171 = arith.constant 4 : i32
        %get3A_172 = arith.index_cast %get3A_170 : i32 to index
        %get3A_173 = arith.index_cast %get3A_171 : i32 to index
        %get3A_174 = arith.index_cast %mul3A_98 : i32 to index
        %get3A_175 = tpu.vector_load %arg6[%get3A_172, %get3A_173, %get3A_174] {strides = array<i32>} : memref<2x8x512xi32, #tpu.memory_space<vmem>>, vector<16xi32>,
        %get3A_176 = arith.constant 0 : i32
        %get3A_177 = arith.constant 5 : i32
        %get3A_178 = arith.index_cast %get3A_176 : i32 to index
        %get3A_179 = arith.index_cast %get3A_177 : i32 to index
        %get3A_180 = arith.index_cast %mul3A_98 : i32 to index
        %get3A_181 = tpu.vector_load %arg6[%get3A_178, %get3A_179, %get3A_180] {strides = array<i32>} : memref<2x8x512xi32, #tpu.memory_space<vmem>>, vector<16xi32>,
        %get3A_182 = arith.constant 0 : i32
        %get3A_183 = arith.constant 6 : i32
        %get3A_184 = arith.index_cast %get3A_182 : i32 to index
        %get3A_185 = arith.index_cast %get3A_183 : i32 to index
        %get3A_186 = arith.index_cast %mul3A_98 : i32 to index
        %get3A_187 = tpu.vector_load %arg6[%get3A_184, %get3A_185, %get3A_186] {strides = array<i32>} : memref<2x8x512xi32, #tpu.memory_space<vmem>>, vector<16xi32>,
        %get3A_188 = arith.constant 0 : i32
        %get3A_189 = arith.constant 7 : i32
        %get3A_190 = arith.index_cast %get3A_188 : i32 to index
        %get3A_191 = arith.index_cast %get3A_189 : i32 to index
        %get3A_192 = arith.index_cast %mul3A_98 : i32 to index
        %get3A_193 = tpu.vector_load %arg6[%get3A_190, %get3A_191, %get3A_192] {strides = array<i32>} : memref<2x8x512xi32, #tpu.memory_space<vmem>>, vector<16xi32>,
        %gather3A = tpu.vector_load_idx %arg5[%broadcast_in_dim3A_3, %get3A_103] : memref<10x100xf32, #tpu.memory_space<vmem>>[vector<16xi32>, vector<16xi32>], vector<16xf32>,
        %gather3A_194 = tpu.vector_load_idx %arg5[%broadcast_in_dim3A_5, %get3A_103] : memref<10x100xf32, #tpu.memory_space<vmem>>[vector<16xi32>, vector<16xi32>], vector<16xf32>,
        %gather3A_195 = tpu.vector_load_idx %arg5[%broadcast_in_dim3A_7, %get3A_103] : memref<10x100xf32, #tpu.memory_space<vmem>>[vector<16xi32>, vector<16xi32>], vector<16xf32>,
        %gather3A_196 = tpu.vector_load_idx %arg5[%broadcast_in_dim3A_9, %get3A_103] : memref<10x100xf32, #tpu.memory_space<vmem>>[vector<16xi32>, vector<16xi32>], vector<16xf32>,
        %gather3A_197 = tpu.vector_load_idx %arg5[%broadcast_in_dim3A_11, %get3A_103] : memref<10x100xf32, #tpu.memory_space<vmem>>[vector<16xi32>, vector<16xi32>], vector<16xf32>,
        %gather3A_198 = tpu.vector_load_idx %arg5[%broadcast_in_dim3A_13, %get3A_103] : memref<10x100xf32, #tpu.memory_space<vmem>>[vector<16xi32>, vector<16xi32>], vector<16xf32>,
        %gather3A_199 = tpu.vector_load_idx %arg5[%broadcast_in_dim3A_15, %get3A_103] : memref<10x100xf32, #tpu.memory_space<vmem>>[vector<16xi32>, vector<16xi32>], vector<16xf32>,
        %gather3A_200 = tpu.vector_load_idx %arg5[%broadcast_in_dim3A_17, %get3A_103] : memref<10x100xf32, #tpu.memory_space<vmem>>[vector<16xi32>, vector<16xi32>], vector<16xf32>,
        %gather3A_201 = tpu.vector_load_idx %arg5[%broadcast_in_dim3A_19, %get3A_103] : memref<10x100xf32, #tpu.memory_space<vmem>>[vector<16xi32>, vector<16xi32>], vector<16xf32>,
        %gather3A_202 = tpu.vector_load_idx %arg5[%broadcast_in_dim3A_21, %get3A_103] : memref<10x100xf32, #tpu.memory_space<vmem>>[vector<16xi32>, vector<16xi32>], vector<16xf32>,
        %gather3A_203 = tpu.vector_load_idx %arg5[%broadcast_in_dim3A_3, %get3A_109] : memref<10x100xf32, #tpu.memory_space<vmem>>[vector<16xi32>, vector<16xi32>], vector<16xf32>,
        %gather3A_204 = tpu.vector_load_idx %arg5[%broadcast_in_dim3A_5, %get3A_109] : memref<10x100xf32, #tpu.memory_space<vmem>>[vector<16xi32>, vector<16xi32>], vector<16xf32>,
        %gather3A_205 = tpu.vector_load_idx %arg5[%broadcast_in_dim3A_7, %get3A_109] : memref<10x100xf32, #tpu.memory_space<vmem>>[vector<16xi32>, vector<16xi32>], vector<16xf32>,
        %gather3A_206 = tpu.vector_load_idx %arg5[%broadcast_in_dim3A_9, %get3A_109] : memref<10x100xf32, #tpu.memory_space<vmem>>[vector<16xi32>, vector<16xi32>], vector<16xf32>,
        %gather3A_207 = tpu.vector_load_idx %arg5[%broadcast_in_dim3A_11, %get3A_109] : memref<10x100xf32, #tpu.memory_space<vmem>>[vector<16xi32>, vector<16xi32>], vector<16xf32>,
        %gather3A_208 = tpu.vector_load_idx %arg5[%broadcast_in_dim3A_13, %get3A_109] : memref<10x100xf32, #tpu.memory_space<vmem>>[vector<16xi32>, vector<16xi32>], vector<16xf32>,
        %gather3A_209 = tpu.vector_load_idx %arg5[%broadcast_in_dim3A_15, %get3A_109] : memref<10x100xf32, #tpu.memory_space<vmem>>[vector<16xi32>, vector<16xi32>], vector<16xf32>,
        %gather3A_210 = tpu.vector_load_idx %arg5[%broadcast_in_dim3A_17, %get3A_109] : memref<10x100xf32, #tpu.memory_space<vmem>>[vector<16xi32>, vector<16xi32>], vector<16xf32>,
        %gather3A_211 = tpu.vector_load_idx %arg5[%broadcast_in_dim3A_19, %get3A_109] : memref<10x100xf32, #tpu.memory_space<vmem>>[vector<16xi32>, vector<16xi32>], vector<16xf32>,
        %gather3A_212 = tpu.vector_load_idx %arg5[%broadcast_in_dim3A_21, %get3A_109] : memref<10x100xf32, #tpu.memory_space<vmem>>[vector<16xi32>, vector<16xi32>], vector<16xf32>,
        %swap3A = arith.constant 0 : i32
        %swap3A_213 = arith.constant 0 : i32
        %swap3A_214 = arith.constant 0 : i32
        %swap3A_215 = arith.index_cast %swap3A : i32 to index
        %swap3A_216 = arith.index_cast %swap3A_213 : i32 to index
        %swap3A_217 = arith.index_cast %swap3A_214 : i32 to index
        %swap3A_218 = arith.index_cast %mul3A_92 : i32 to index
        %swap3A_219 = tpu.vector_load %arg7[%swap3A_215, %swap3A_216, %swap3A_217, %swap3A_218] {strides = array<i32>} : memref<2x10x8x512xf32, #tpu.memory_space<vmem>>, vector<16xf32>,
        tpu.vector_store %arg7[%swap3A_215, %swap3A_216, %swap3A_217, %swap3A_218], %gather3A {strides = array<i32>} : memref<2x10x8x512xf32, #tpu.memory_space<vmem>>, vector<16xf32>,
        %swap3A_220 = arith.constant 0 : i32
        %swap3A_221 = arith.constant 1 : i32
        %swap3A_222 = arith.constant 0 : i32
        %swap3A_223 = arith.index_cast %swap3A_220 : i32 to index
        %swap3A_224 = arith.index_cast %swap3A_221 : i32 to index
        %swap3A_225 = arith.index_cast %swap3A_222 : i32 to index
        %swap3A_226 = arith.index_cast %mul3A_92 : i32 to index
        %swap3A_227 = tpu.vector_load %arg7[%swap3A_223, %swap3A_224, %swap3A_225, %swap3A_226] {strides = array<i32>} : memref<2x10x8x512xf32, #tpu.memory_space<vmem>>, vector<16xf32>,
        tpu.vector_store %arg7[%swap3A_223, %swap3A_224, %swap3A_225, %swap3A_226], %gather3A_194 {strides = array<i32>} : memref<2x10x8x512xf32, #tpu.memory_space<vmem>>, vector<16xf32>,
        %swap3A_228 = arith.constant 0 : i32
        %swap3A_229 = arith.constant 2 : i32
        %swap3A_230 = arith.constant 0 : i32
        %swap3A_231 = arith.index_cast %swap3A_228 : i32 to index
        %swap3A_232 = arith.index_cast %swap3A_229 : i32 to index
        %swap3A_233 = arith.index_cast %swap3A_230 : i32 to index
        %swap3A_234 = arith.index_cast %mul3A_92 : i32 to index
        %swap3A_235 = tpu.vector_load %arg7[%swap3A_231, %swap3A_232, %swap3A_233, %swap3A_234] {strides = array<i32>} : memref<2x10x8x512xf32, #tpu.memory_space<vmem>>, vector<16xf32>,
        tpu.vector_store %arg7[%swap3A_231, %swap3A_232, %swap3A_233, %swap3A_234], %gather3A_195 {strides = array<i32>} : memref<2x10x8x512xf32, #tpu.memory_space<vmem>>, vector<16xf32>,
        %swap3A_236 = arith.constant 0 : i32
        %swap3A_237 = arith.constant 3 : i32
        %swap3A_238 = arith.constant 0 : i32
        %swap3A_239 = arith.index_cast %swap3A_236 : i32 to index
        %swap3A_240 = arith.index_cast %swap3A_237 : i32 to index
        %swap3A_241 = arith.index_cast %swap3A_238 : i32 to index
        %swap3A_242 = arith.index_cast %mul3A_92 : i32 to index
        %swap3A_243 = tpu.vector_load %arg7[%swap3A_239, %swap3A_240, %swap3A_241, %swap3A_242] {strides = array<i32>} : memref<2x10x8x512xf32, #tpu.memory_space<vmem>>, vector<16xf32>,
        tpu.vector_store %arg7[%swap3A_239, %swap3A_240, %swap3A_241, %swap3A_242], %gather3A_196 {strides = array<i32>} : memref<2x10x8x512xf32, #tpu.memory_space<vmem>>, vector<16xf32>,
        %swap3A_244 = arith.constant 0 : i32
        %swap3A_245 = arith.constant 4 : i32
        %swap3A_246 = arith.constant 0 : i32
        %swap3A_247 = arith.index_cast %swap3A_244 : i32 to index
        %swap3A_248 = arith.index_cast %swap3A_245 : i32 to index
        %swap3A_249 = arith.index_cast %swap3A_246 : i32 to index
        %swap3A_250 = arith.index_cast %mul3A_92 : i32 to index
        %swap3A_251 = tpu.vector_load %arg7[%swap3A_247, %swap3A_248, %swap3A_249, %swap3A_250] {strides = array<i32>} : memref<2x10x8x512xf32, #tpu.memory_space<vmem>>, vector<16xf32>,
        tpu.vector_store %arg7[%swap3A_247, %swap3A_248, %swap3A_249, %swap3A_250], %gather3A_197 {strides = array<i32>} : memref<2x10x8x512xf32, #tpu.memory_space<vmem>>, vector<16xf32>,
        %swap3A_252 = arith.constant 0 : i32
        %swap3A_253 = arith.constant 5 : i32
        %swap3A_254 = arith.constant 0 : i32
        %swap3A_255 = arith.index_cast %swap3A_252 : i32 to index
        %swap3A_256 = arith.index_cast %swap3A_253 : i32 to index
        %swap3A_257 = arith.index_cast %swap3A_254 : i32 to index
        %swap3A_258 = arith.index_cast %mul3A_92 : i32 to index
        %swap3A_259 = tpu.vector_load %arg7[%swap3A_255, %swap3A_256, %swap3A_257, %swap3A_258] {strides = array<i32>} : memref<2x10x8x512xf32, #tpu.memory_space<vmem>>, vector<16xf32>,
        tpu.vector_store %arg7[%swap3A_255, %swap3A_256, %swap3A_257, %swap3A_258], %gather3A_198 {strides = array<i32>} : memref<2x10x8x512xf32, #tpu.memory_space<vmem>>, vector<16xf32>,
        %swap3A_260 = arith.constant 0 : i32
        %swap3A_261 = arith.constant 6 : i32
        %swap3A_262 = arith.constant 0 : i32
        %swap3A_263 = arith.index_cast %swap3A_260 : i32 to index
        %swap3A_264 = arith.index_cast %swap3A_261 : i32 to index
        %swap3A_265 = arith.index_cast %swap3A_262 : i32 to index
        %swap3A_266 = arith.index_cast %mul3A_92 : i32 to index
        %swap3A_267 = tpu.vector_load %arg7[%swap3A_263, %swap3A_264, %swap3A_265, %swap3A_266] {strides = array<i32>} : memref<2x10x8x512xf32, #tpu.memory_space<vmem>>, vector<16xf32>,
        tpu.vector_store %arg7[%swap3A_263, %swap3A_264, %swap3A_265, %swap3A_266], %gather3A_199 {strides = array<i32>} : memref<2x10x8x512xf32, #tpu.memory_space<vmem>>, vector<16xf32>,
        %swap3A_268 = arith.constant 0 : i32
        %swap3A_269 = arith.constant 7 : i32
        %swap3A_270 = arith.constant 0 : i32
        %swap3A_271 = arith.index_cast %swap3A_268 : i32 to index
        %swap3A_272 = arith.index_cast %swap3A_269 : i32 to index
        %swap3A_273 = arith.index_cast %swap3A_270 : i32 to index
        %swap3A_274 = arith.index_cast %mul3A_92 : i32 to index
        %swap3A_275 = tpu.vector_load %arg7[%swap3A_271, %swap3A_272, %swap3A_273, %swap3A_274] {strides = array<i32>} : memref<2x10x8x512xf32, #tpu.memory_space<vmem>>, vector<16xf32>,
        tpu.vector_store %arg7[%swap3A_271, %swap3A_272, %swap3A_273, %swap3A_274], %gather3A_200 {strides = array<i32>} : memref<2x10x8x512xf32, #tpu.memory_space<vmem>>, vector<16xf32>,
        %swap3A_276 = arith.constant 0 : i32
        %swap3A_277 = arith.constant 8 : i32
        %swap3A_278 = arith.constant 0 : i32
        %swap3A_279 = arith.index_cast %swap3A_276 : i32 to index
        %swap3A_280 = arith.index_cast %swap3A_277 : i32 to index
        %swap3A_281 = arith.index_cast %swap3A_278 : i32 to index
        %swap3A_282 = arith.index_cast %mul3A_92 : i32 to index
        %swap3A_283 = tpu.vector_load %arg7[%swap3A_279, %swap3A_280, %swap3A_281, %swap3A_282] {strides = array<i32>} : memref<2x10x8x512xf32, #tpu.memory_space<vmem>>, vector<16xf32>,
        tpu.vector_store %arg7[%swap3A_279, %swap3A_280, %swap3A_281, %swap3A_282], %gather3A_201 {strides = array<i32>} : memref<2x10x8x512xf32, #tpu.memory_space<vmem>>, vector<16xf32>,
        %swap3A_284 = arith.constant 0 : i32
        %swap3A_285 = arith.constant 9 : i32
        %swap3A_286 = arith.constant 0 : i32
        %swap3A_287 = arith.index_cast %swap3A_284 : i32 to index
        %swap3A_288 = arith.index_cast %swap3A_285 : i32 to index
        %swap3A_289 = arith.index_cast %swap3A_286 : i32 to index
        %swap3A_290 = arith.index_cast %mul3A_92 : i32 to index
        %swap3A_291 = tpu.vector_load %arg7[%swap3A_287, %swap3A_288, %swap3A_289, %swap3A_290] {strides = array<i32>} : memref<2x10x8x512xf32, #tpu.memory_space<vmem>>, vector<16xf32>,
        tpu.vector_store %arg7[%swap3A_287, %swap3A_288, %swap3A_289, %swap3A_290], %gather3A_202 {strides = array<i32>} : memref<2x10x8x512xf32, #tpu.memory_space<vmem>>, vector<16xf32>,
        %swap3A_292 = arith.constant 0 : i32
        %swap3A_293 = arith.constant 0 : i32
        %swap3A_294 = arith.constant 1 : i32
        %swap3A_295 = arith.index_cast %swap3A_292 : i32 to index
        %swap3A_296 = arith.index_cast %swap3A_293 : i32 to index
        %swap3A_297 = arith.index_cast %swap3A_294 : i32 to index
        %swap3A_298 = arith.index_cast %mul3A_92 : i32 to index
        %swap3A_299 = tpu.vector_load %arg7[%swap3A_295, %swap3A_296, %swap3A_297, %swap3A_298] {strides = array<i32>} : memref<2x10x8x512xf32, #tpu.memory_space<vmem>>, vector<16xf32>,
        tpu.vector_store %arg7[%swap3A_295, %swap3A_296, %swap3A_297, %swap3A_298], %gather3A_203 {strides = array<i32>} : memref<2x10x8x512xf32, #tpu.memory_space<vmem>>, vector<16xf32>,
        %swap3A_300 = arith.constant 0 : i32
        %swap3A_301 = arith.constant 1 : i32
        %swap3A_302 = arith.constant 1 : i32
        %swap3A_303 = arith.index_cast %swap3A_300 : i32 to index
        %swap3A_304 = arith.index_cast %swap3A_301 : i32 to index
        %swap3A_305 = arith.index_cast %swap3A_302 : i32 to index
        %swap3A_306 = arith.index_cast %mul3A_92 : i32 to index
        %swap3A_307 = tpu.vector_load %arg7[%swap3A_303, %swap3A_304, %swap3A_305, %swap3A_306] {strides = array<i32>} : memref<2x10x8x512xf32, #tpu.memory_space<vmem>>, vector<16xf32>,
        tpu.vector_store %arg7[%swap3A_303, %swap3A_304, %swap3A_305, %swap3A_306], %gather3A_204 {strides = array<i32>} : memref<2x10x8x512xf32, #tpu.memory_space<vmem>>, vector<16xf32>,
        %swap3A_308 = arith.constant 0 : i32
        %swap3A_309 = arith.constant 2 : i32
        %swap3A_310 = arith.constant 1 : i32
        %swap3A_311 = arith.index_cast %swap3A_308 : i32 to index
        %swap3A_312 = arith.index_cast %swap3A_309 : i32 to index
        %swap3A_313 = arith.index_cast %swap3A_310 : i32 to index
        %swap3A_314 = arith.index_cast %mul3A_92 : i32 to index
        %swap3A_315 = tpu.vector_load %arg7[%swap3A_311, %swap3A_312, %swap3A_313, %swap3A_314] {strides = array<i32>} : memref<2x10x8x512xf32, #tpu.memory_space<vmem>>, vector<16xf32>,
        tpu.vector_store %arg7[%swap3A_311, %swap3A_312, %swap3A_313, %swap3A_314], %gather3A_205 {strides = array<i32>} : memref<2x10x8x512xf32, #tpu.memory_space<vmem>>, vector<16xf32>,
        %swap3A_316 = arith.constant 0 : i32
        %swap3A_317 = arith.constant 3 : i32
        %swap3A_318 = arith.constant 1 : i32
        %swap3A_319 = arith.index_cast %swap3A_316 : i32 to index
        %swap3A_320 = arith.index_cast %swap3A_317 : i32 to index
        %swap3A_321 = arith.index_cast %swap3A_318 : i32 to index
        %swap3A_322 = arith.index_cast %mul3A_92 : i32 to index
        %swap3A_323 = tpu.vector_load %arg7[%swap3A_319, %swap3A_320, %swap3A_321, %swap3A_322] {strides = array<i32>} : memref<2x10x8x512xf32, #tpu.memory_space<vmem>>, vector<16xf32>,
        tpu.vector_store %arg7[%swap3A_319, %swap3A_320, %swap3A_321, %swap3A_322], %gather3A_206 {strides = array<i32>} : memref<2x10x8x512xf32, #tpu.memory_space<vmem>>, vector<16xf32>,
        %swap3A_324 = arith.constant 0 : i32
        %swap3A_325 = arith.constant 4 : i32
        %swap3A_326 = arith.constant 1 : i32
        %swap3A_327 = arith.index_cast %swap3A_324 : i32 to index
        %swap3A_328 = arith.index_cast %swap3A_325 : i32 to index
        %swap3A_329 = arith.index_cast %swap3A_326 : i32 to index
        %swap3A_330 = arith.index_cast %mul3A_92 : i32 to index
        %swap3A_331 = tpu.vector_load %arg7[%swap3A_327, %swap3A_328, %swap3A_329, %swap3A_330] {strides = array<i32>} : memref<2x10x8x512xf32, #tpu.memory_space<vmem>>, vector<16xf32>,
        tpu.vector_store %arg7[%swap3A_327, %swap3A_328, %swap3A_329, %swap3A_330], %gather3A_207 {strides = array<i32>} : memref<2x10x8x512xf32, #tpu.memory_space<vmem>>, vector<16xf32>,
        %swap3A_332 = arith.constant 0 : i32
        %swap3A_333 = arith.constant 5 : i32
        %swap3A_334 = arith.constant 1 : i32
        %swap3A_335 = arith.index_cast %swap3A_332 : i32 to index
        %swap3A_336 = arith.index_cast %swap3A_333 : i32 to index
        %swap3A_337 = arith.index_cast %swap3A_334 : i32 to index
        %swap3A_338 = arith.index_cast %mul3A_92 : i32 to index
        %swap3A_339 = tpu.vector_load %arg7[%swap3A_335, %swap3A_336, %swap3A_337, %swap3A_338] {strides = array<i32>} : memref<2x10x8x512xf32, #tpu.memory_space<vmem>>, vector<16xf32>,
        tpu.vector_store %arg7[%swap3A_335, %swap3A_336, %swap3A_337, %swap3A_338], %gather3A_208 {strides = array<i32>} : memref<2x10x8x512xf32, #tpu.memory_space<vmem>>, vector<16xf32>,
        %swap3A_340 = arith.constant 0 : i32
        %swap3A_341 = arith.constant 6 : i32
        %swap3A_342 = arith.constant 1 : i32
        %swap3A_343 = arith.index_cast %swap3A_340 : i32 to index
        %swap3A_344 = arith.index_cast %swap3A_341 : i32 to index
        %swap3A_345 = arith.index_cast %swap3A_342 : i32 to index
        %swap3A_346 = arith.index_cast %mul3A_92 : i32 to index
        %swap3A_347 = tpu.vector_load %arg7[%swap3A_343, %swap3A_344, %swap3A_345, %swap3A_346] {strides = array<i32>} : memref<2x10x8x512xf32, #tpu.memory_space<vmem>>, vector<16xf32>,
        tpu.vector_store %arg7[%swap3A_343, %swap3A_344, %swap3A_345, %swap3A_346], %gather3A_209 {strides = array<i32>} : memref<2x10x8x512xf32, #tpu.memory_space<vmem>>, vector<16xf32>,
        %swap3A_348 = arith.constant 0 : i32
        %swap3A_349 = arith.constant 7 : i32
        %swap3A_350 = arith.constant 1 : i32
        %swap3A_351 = arith.index_cast %swap3A_348 : i32 to index
        %swap3A_352 = arith.index_cast %swap3A_349 : i32 to index
        %swap3A_353 = arith.index_cast %swap3A_350 : i32 to index
        %swap3A_354 = arith.index_cast %mul3A_92 : i32 to index
        %swap3A_355 = tpu.vector_load %arg7[%swap3A_351, %swap3A_352, %swap3A_353, %swap3A_354] {strides = array<i32>} : memref<2x10x8x512xf32, #tpu.memory_space<vmem>>, vector<16xf32>,
        tpu.vector_store %arg7[%swap3A_351, %swap3A_352, %swap3A_353, %swap3A_354], %gather3A_210 {strides = array<i32>} : memref<2x10x8x512xf32, #tpu.memory_space<vmem>>, vector<16xf32>,
        %swap3A_356 = arith.constant 0 : i32
        %swap3A_357 = arith.constant 8 : i32
        %swap3A_358 = arith.constant 1 : i32
        %swap3A_359 = arith.index_cast %swap3A_356 : i32 to index
        %swap3A_360 = arith.index_cast %swap3A_357 : i32 to index
        %swap3A_361 = arith.index_cast %swap3A_358 : i32 to index
        %swap3A_362 = arith.index_cast %mul3A_92 : i32 to index
        %swap3A_363 = tpu.vector_load %arg7[%swap3A_359, %swap3A_360, %swap3A_361, %swap3A_362] {strides = array<i32>} : memref<2x10x8x512xf32, #tpu.memory_space<vmem>>, vector<16xf32>,
        tpu.vector_store %arg7[%swap3A_359, %swap3A_360, %swap3A_361, %swap3A_362], %gather3A_211 {strides = array<i32>} : memref<2x10x8x512xf32, #tpu.memory_space<vmem>>, vector<16xf32>,
        %swap3A_364 = arith.constant 0 : i32
        %swap3A_365 = arith.constant 9 : i32
        %swap3A_366 = arith.constant 1 : i32
        %swap3A_367 = arith.index_cast %swap3A_364 : i32 to index
        %swap3A_368 = arith.index_cast %swap3A_365 : i32 to index
        %swap3A_369 = arith.index_cast %swap3A_366 : i32 to index
        %swap3A_370 = arith.index_cast %mul3A_92 : i32 to index
        %swap3A_371 = tpu.vector_load %arg7[%swap3A_367, %swap3A_368, %swap3A_369, %swap3A_370] {strides = array<i32>} : memref<2x10x8x512xf32, #tpu.memory_space<vmem>>, vector<16xf32>,
        tpu.vector_store %arg7[%swap3A_367, %swap3A_368, %swap3A_369, %swap3A_370], %gather3A_212 {strides = array<i32>} : memref<2x10x8x512xf32, #tpu.memory_space<vmem>>, vector<16xf32>,
        %gather3A_372 = tpu.vector_load_idx %arg5[%broadcast_in_dim3A_3, %get3A_115] : memref<10x100xf32, #tpu.memory_space<vmem>>[vector<16xi32>, vector<16xi32>], vector<16xf32>,
        %gather3A_373 = tpu.vector_load_idx %arg5[%broadcast_in_dim3A_5, %get3A_115] : memref<10x100xf32, #tpu.memory_space<vmem>>[vector<16xi32>, vector<16xi32>], vector<16xf32>,
        %gather3A_374 = tpu.vector_load_idx %arg5[%broadcast_in_dim3A_7, %get3A_115] : memref<10x100xf32, #tpu.memory_space<vmem>>[vector<16xi32>, vector<16xi32>], vector<16xf32>,
        %gather3A_375 = tpu.vector_load_idx %arg5[%broadcast_in_dim3A_9, %get3A_115] : memref<10x100xf32, #tpu.memory_space<vmem>>[vector<16xi32>, vector<16xi32>], vector<16xf32>,
        %gather3A_376 = tpu.vector_load_idx %arg5[%broadcast_in_dim3A_11, %get3A_115] : memref<10x100xf32, #tpu.memory_space<vmem>>[vector<16xi32>, vector<16xi32>], vector<16xf32>,
        %gather3A_377 = tpu.vector_load_idx %arg5[%broadcast_in_dim3A_13, %get3A_115] : memref<10x100xf32, #tpu.memory_space<vmem>>[vector<16xi32>, vector<16xi32>], vector<16xf32>,
        %gather3A_378 = tpu.vector_load_idx %arg5[%broadcast_in_dim3A_15, %get3A_115] : memref<10x100xf32, #tpu.memory_space<vmem>>[vector<16xi32>, vector<16xi32>], vector<16xf32>,
        %gather3A_379 = tpu.vector_load_idx %arg5[%broadcast_in_dim3A_17, %get3A_115] : memref<10x100xf32, #tpu.memory_space<vmem>>[vector<16xi32>, vector<16xi32>], vector<16xf32>,
        %gather3A_380 = tpu.vector_load_idx %arg5[%broadcast_in_dim3A_19, %get3A_115] : memref<10x100xf32, #tpu.memory_space<vmem>>[vector<16xi32>, vector<16xi32>], vector<16xf32>,
        %gather3A_381 = tpu.vector_load_idx %arg5[%broadcast_in_dim3A_21, %get3A_115] : memref<10x100xf32, #tpu.memory_space<vmem>>[vector<16xi32>, vector<16xi32>], vector<16xf32>,
        %gather3A_382 = tpu.vector_load_idx %arg5[%broadcast_in_dim3A_3, %get3A_121] : memref<10x100xf32, #tpu.memory_space<vmem>>[vector<16xi32>, vector<16xi32>], vector<16xf32>,
        %gather3A_383 = tpu.vector_load_idx %arg5[%broadcast_in_dim3A_5, %get3A_121] : memref<10x100xf32, #tpu.memory_space<vmem>>[vector<16xi32>, vector<16xi32>], vector<16xf32>,
        %gather3A_384 = tpu.vector_load_idx %arg5[%broadcast_in_dim3A_7, %get3A_121] : memref<10x100xf32, #tpu.memory_space<vmem>>[vector<16xi32>, vector<16xi32>], vector<16xf32>,
        %gather3A_385 = tpu.vector_load_idx %arg5[%broadcast_in_dim3A_9, %get3A_121] : memref<10x100xf32, #tpu.memory_space<vmem>>[vector<16xi32>, vector<16xi32>], vector<16xf32>,
        %gather3A_386 = tpu.vector_load_idx %arg5[%broadcast_in_dim3A_11, %get3A_121] : memref<10x100xf32, #tpu.memory_space<vmem>>[vector<16xi32>, vector<16xi32>], vector<16xf32>,
        %gather3A_387 = tpu.vector_load_idx %arg5[%broadcast_in_dim3A_13, %get3A_121] : memref<10x100xf32, #tpu.memory_space<vmem>>[vector<16xi32>, vector<16xi32>], vector<16xf32>,
        %gather3A_388 = tpu.vector_load_idx %arg5[%broadcast_in_dim3A_15, %get3A_121] : memref<10x100xf32, #tpu.memory_space<vmem>>[vector<16xi32>, vector<16xi32>], vector<16xf32>,
        %gather3A_389 = tpu.vector_load_idx %arg5[%broadcast_in_dim3A_17, %get3A_121] : memref<10x100xf32, #tpu.memory_space<vmem>>[vector<16xi32>, vector<16xi32>], vector<16xf32>,
        %gather3A_390 = tpu.vector_load_idx %arg5[%broadcast_in_dim3A_19, %get3A_121] : memref<10x100xf32, #tpu.memory_space<vmem>>[vector<16xi32>, vector<16xi32>], vector<16xf32>,
        %gather3A_391 = tpu.vector_load_idx %arg5[%broadcast_in_dim3A_21, %get3A_121] : memref<10x100xf32, #tpu.memory_space<vmem>>[vector<16xi32>, vector<16xi32>], vector<16xf32>,
        %swap3A_392 = arith.constant 0 : i32
        %swap3A_393 = arith.constant 0 : i32
        %swap3A_394 = arith.constant 2 : i32
        %swap3A_395 = arith.index_cast %swap3A_392 : i32 to index
        %swap3A_396 = arith.index_cast %swap3A_393 : i32 to index
        %swap3A_397 = arith.index_cast %swap3A_394 : i32 to index
        %swap3A_398 = arith.index_cast %mul3A_92 : i32 to index
        %swap3A_399 = tpu.vector_load %arg7[%swap3A_395, %swap3A_396, %swap3A_397, %swap3A_398] {strides = array<i32>} : memref<2x10x8x512xf32, #tpu.memory_space<vmem>>, vector<16xf32>,
        tpu.vector_store %arg7[%swap3A_395, %swap3A_396, %swap3A_397, %swap3A_398], %gather3A_372 {strides = array<i32>} : memref<2x10x8x512xf32, #tpu.memory_space<vmem>>, vector<16xf32>,
        %swap3A_400 = arith.constant 0 : i32
        %swap3A_401 = arith.constant 1 : i32
        %swap3A_402 = arith.constant 2 : i32
        %swap3A_403 = arith.index_cast %swap3A_400 : i32 to index
        %swap3A_404 = arith.index_cast %swap3A_401 : i32 to index
        %swap3A_405 = arith.index_cast %swap3A_402 : i32 to index
        %swap3A_406 = arith.index_cast %mul3A_92 : i32 to index
        %swap3A_407 = tpu.vector_load %arg7[%swap3A_403, %swap3A_404, %swap3A_405, %swap3A_406] {strides = array<i32>} : memref<2x10x8x512xf32, #tpu.memory_space<vmem>>, vector<16xf32>,
        tpu.vector_store %arg7[%swap3A_403, %swap3A_404, %swap3A_405, %swap3A_406], %gather3A_373 {strides = array<i32>} : memref<2x10x8x512xf32, #tpu.memory_space<vmem>>, vector<16xf32>,
        %swap3A_408 = arith.constant 0 : i32
        %swap3A_409 = arith.constant 2 : i32
        %swap3A_410 = arith.constant 2 : i32
        %swap3A_411 = arith.index_cast %swap3A_408 : i32 to index
        %swap3A_412 = arith.index_cast %swap3A_409 : i32 to index
        %swap3A_413 = arith.index_cast %swap3A_410 : i32 to index
        %swap3A_414 = arith.index_cast %mul3A_92 : i32 to index
        %swap3A_415 = tpu.vector_load %arg7[%swap3A_411, %swap3A_412, %swap3A_413, %swap3A_414] {strides = array<i32>} : memref<2x10x8x512xf32, #tpu.memory_space<vmem>>, vector<16xf32>,
        tpu.vector_store %arg7[%swap3A_411, %swap3A_412, %swap3A_413, %swap3A_414], %gather3A_374 {strides = array<i32>} : memref<2x10x8x512xf32, #tpu.memory_space<vmem>>, vector<16xf32>,
        %swap3A_416 = arith.constant 0 : i32
        %swap3A_417 = arith.constant 3 : i32
        %swap3A_418 = arith.constant 2 : i32
        %swap3A_419 = arith.index_cast %swap3A_416 : i32 to index
        %swap3A_420 = arith.index_cast %swap3A_417 : i32 to index
        %swap3A_421 = arith.index_cast %swap3A_418 : i32 to index
        %swap3A_422 = arith.index_cast %mul3A_92 : i32 to index
        %swap3A_423 = tpu.vector_load %arg7[%swap3A_419, %swap3A_420, %swap3A_421, %swap3A_422] {strides = array<i32>} : memref<2x10x8x512xf32, #tpu.memory_space<vmem>>, vector<16xf32>,
        tpu.vector_store %arg7[%swap3A_419, %swap3A_420, %swap3A_421, %swap3A_422], %gather3A_375 {strides = array<i32>} : memref<2x10x8x512xf32, #tpu.memory_space<vmem>>, vector<16xf32>,
        %swap3A_424 = arith.constant 0 : i32
        %swap3A_425 = arith.constant 4 : i32
        %swap3A_426 = arith.constant 2 : i32
        %swap3A_427 = arith.index_cast %swap3A_424 : i32 to index
        %swap3A_428 = arith.index_cast %swap3A_425 : i32 to index
        %swap3A_429 = arith.index_cast %swap3A_426 : i32 to index
        %swap3A_430 = arith.index_cast %mul3A_92 : i32 to index
        %swap3A_431 = tpu.vector_load %arg7[%swap3A_427, %swap3A_428, %swap3A_429, %swap3A_430] {strides = array<i32>} : memref<2x10x8x512xf32, #tpu.memory_space<vmem>>, vector<16xf32>,
        tpu.vector_store %arg7[%swap3A_427, %swap3A_428, %swap3A_429, %swap3A_430], %gather3A_376 {strides = array<i32>} : memref<2x10x8x512xf32, #tpu.memory_space<vmem>>, vector<16xf32>,
        %swap3A_432 = arith.constant 0 : i32
        %swap3A_433 = arith.constant 5 : i32
        %swap3A_434 = arith.constant 2 : i32
        %swap3A_435 = arith.index_cast %swap3A_432 : i32 to index
        %swap3A_436 = arith.index_cast %swap3A_433 : i32 to index
        %swap3A_437 = arith.index_cast %swap3A_434 : i32 to index
        %swap3A_438 = arith.index_cast %mul3A_92 : i32 to index
        %swap3A_439 = tpu.vector_load %arg7[%swap3A_435, %swap3A_436, %swap3A_437, %swap3A_438] {strides = array<i32>} : memref<2x10x8x512xf32, #tpu.memory_space<vmem>>, vector<16xf32>,
        tpu.vector_store %arg7[%swap3A_435, %swap3A_436, %swap3A_437, %swap3A_438], %gather3A_377 {strides = array<i32>} : memref<2x10x8x512xf32, #tpu.memory_space<vmem>>, vector<16xf32>,
        %swap3A_440 = arith.constant 0 : i32
        %swap3A_441 = arith.constant 6 : i32
        %swap3A_442 = arith.constant 2 : i32
        %swap3A_443 = arith.index_cast %swap3A_440 : i32 to index
        %swap3A_444 = arith.index_cast %swap3A_441 : i32 to index
        %swap3A_445 = arith.index_cast %swap3A_442 : i32 to index
        %swap3A_446 = arith.index_cast %mul3A_92 : i32 to index
        %swap3A_447 = tpu.vector_load %arg7[%swap3A_443, %swap3A_444, %swap3A_445, %swap3A_446] {strides = array<i32>} : memref<2x10x8x512xf32, #tpu.memory_space<vmem>>, vector<16xf32>,
        tpu.vector_store %arg7[%swap3A_443, %swap3A_444, %swap3A_445, %swap3A_446], %gather3A_378 {strides = array<i32>} : memref<2x10x8x512xf32, #tpu.memory_space<vmem>>, vector<16xf32>,
        %swap3A_448 = arith.constant 0 : i32
        %swap3A_449 = arith.constant 7 : i32
        %swap3A_450 = arith.constant 2 : i32
        %swap3A_451 = arith.index_cast %swap3A_448 : i32 to index
        %swap3A_452 = arith.index_cast %swap3A_449 : i32 to index
        %swap3A_453 = arith.index_cast %swap3A_450 : i32 to index
        %swap3A_454 = arith.index_cast %mul3A_92 : i32 to index
        %swap3A_455 = tpu.vector_load %arg7[%swap3A_451, %swap3A_452, %swap3A_453, %swap3A_454] {strides = array<i32>} : memref<2x10x8x512xf32, #tpu.memory_space<vmem>>, vector<16xf32>,
        tpu.vector_store %arg7[%swap3A_451, %swap3A_452, %swap3A_453, %swap3A_454], %gather3A_379 {strides = array<i32>} : memref<2x10x8x512xf32, #tpu.memory_space<vmem>>, vector<16xf32>,
        %swap3A_456 = arith.constant 0 : i32
        %swap3A_457 = arith.constant 8 : i32
        %swap3A_458 = arith.constant 2 : i32
        %swap3A_459 = arith.index_cast %swap3A_456 : i32 to index
        %swap3A_460 = arith.index_cast %swap3A_457 : i32 to index
        %swap3A_461 = arith.index_cast %swap3A_458 : i32 to index
        %swap3A_462 = arith.index_cast %mul3A_92 : i32 to index
        %swap3A_463 = tpu.vector_load %arg7[%swap3A_459, %swap3A_460, %swap3A_461, %swap3A_462] {strides = array<i32>} : memref<2x10x8x512xf32, #tpu.memory_space<vmem>>, vector<16xf32>,
        tpu.vector_store %arg7[%swap3A_459, %swap3A_460, %swap3A_461, %swap3A_462], %gather3A_380 {strides = array<i32>} : memref<2x10x8x512xf32, #tpu.memory_space<vmem>>, vector<16xf32>,
        %swap3A_464 = arith.constant 0 : i32
        %swap3A_465 = arith.constant 9 : i32
        %swap3A_466 = arith.constant 2 : i32
        %swap3A_467 = arith.index_cast %swap3A_464 : i32 to index
        %swap3A_468 = arith.index_cast %swap3A_465 : i32 to index
        %swap3A_469 = arith.index_cast %swap3A_466 : i32 to index
        %swap3A_470 = arith.index_cast %mul3A_92 : i32 to index
        %swap3A_471 = tpu.vector_load %arg7[%swap3A_467, %swap3A_468, %swap3A_469, %swap3A_470] {strides = array<i32>} : memref<2x10x8x512xf32, #tpu.memory_space<vmem>>, vector<16xf32>,
        tpu.vector_store %arg7[%swap3A_467, %swap3A_468, %swap3A_469, %swap3A_470], %gather3A_381 {strides = array<i32>} : memref<2x10x8x512xf32, #tpu.memory_space<vmem>>, vector<16xf32>,
        %swap3A_472 = arith.constant 0 : i32
        %swap3A_473 = arith.constant 0 : i32
        %swap3A_474 = arith.constant 3 : i32
        %swap3A_475 = arith.index_cast %swap3A_472 : i32 to index
        %swap3A_476 = arith.index_cast %swap3A_473 : i32 to index
        %swap3A_477 = arith.index_cast %swap3A_474 : i32 to index
        %swap3A_478 = arith.index_cast %mul3A_92 : i32 to index
        %swap3A_479 = tpu.vector_load %arg7[%swap3A_475, %swap3A_476, %swap3A_477, %swap3A_478] {strides = array<i32>} : memref<2x10x8x512xf32, #tpu.memory_space<vmem>>, vector<16xf32>,
        tpu.vector_store %arg7[%swap3A_475, %swap3A_476, %swap3A_477, %swap3A_478], %gather3A_382 {strides = array<i32>} : memref<2x10x8x512xf32, #tpu.memory_space<vmem>>, vector<16xf32>,
        %swap3A_480 = arith.constant 0 : i32
        %swap3A_481 = arith.constant 1 : i32
        %swap3A_482 = arith.constant 3 : i32
        %swap3A_483 = arith.index_cast %swap3A_480 : i32 to index
        %swap3A_484 = arith.index_cast %swap3A_481 : i32 to index
        %swap3A_485 = arith.index_cast %swap3A_482 : i32 to index
        %swap3A_486 = arith.index_cast %mul3A_92 : i32 to index
        %swap3A_487 = tpu.vector_load %arg7[%swap3A_483, %swap3A_484, %swap3A_485, %swap3A_486] {strides = array<i32>} : memref<2x10x8x512xf32, #tpu.memory_space<vmem>>, vector<16xf32>,
        tpu.vector_store %arg7[%swap3A_483, %swap3A_484, %swap3A_485, %swap3A_486], %gather3A_383 {strides = array<i32>} : memref<2x10x8x512xf32, #tpu.memory_space<vmem>>, vector<16xf32>,
        %swap3A_488 = arith.constant 0 : i32
        %swap3A_489 = arith.constant 2 : i32
        %swap3A_490 = arith.constant 3 : i32
        %swap3A_491 = arith.index_cast %swap3A_488 : i32 to index
        %swap3A_492 = arith.index_cast %swap3A_489 : i32 to index
        %swap3A_493 = arith.index_cast %swap3A_490 : i32 to index
        %swap3A_494 = arith.index_cast %mul3A_92 : i32 to index
        %swap3A_495 = tpu.vector_load %arg7[%swap3A_491, %swap3A_492, %swap3A_493, %swap3A_494] {strides = array<i32>} : memref<2x10x8x512xf32, #tpu.memory_space<vmem>>, vector<16xf32>,
        tpu.vector_store %arg7[%swap3A_491, %swap3A_492, %swap3A_493, %swap3A_494], %gather3A_384 {strides = array<i32>} : memref<2x10x8x512xf32, #tpu.memory_space<vmem>>, vector<16xf32>,
        %swap3A_496 = arith.constant 0 : i32
        %swap3A_497 = arith.constant 3 : i32
        %swap3A_498 = arith.constant 3 : i32
        %swap3A_499 = arith.index_cast %swap3A_496 : i32 to index
        %swap3A_500 = arith.index_cast %swap3A_497 : i32 to index
        %swap3A_501 = arith.index_cast %swap3A_498 : i32 to index
        %swap3A_502 = arith.index_cast %mul3A_92 : i32 to index
        %swap3A_503 = tpu.vector_load %arg7[%swap3A_499, %swap3A_500, %swap3A_501, %swap3A_502] {strides = array<i32>} : memref<2x10x8x512xf32, #tpu.memory_space<vmem>>, vector<16xf32>,
        tpu.vector_store %arg7[%swap3A_499, %swap3A_500, %swap3A_501, %swap3A_502], %gather3A_385 {strides = array<i32>} : memref<2x10x8x512xf32, #tpu.memory_space<vmem>>, vector<16xf32>,
        %swap3A_504 = arith.constant 0 : i32
        %swap3A_505 = arith.constant 4 : i32
        %swap3A_506 = arith.constant 3 : i32
        %swap3A_507 = arith.index_cast %swap3A_504 : i32 to index
        %swap3A_508 = arith.index_cast %swap3A_505 : i32 to index
        %swap3A_509 = arith.index_cast %swap3A_506 : i32 to index
        %swap3A_510 = arith.index_cast %mul3A_92 : i32 to index
        %swap3A_511 = tpu.vector_load %arg7[%swap3A_507, %swap3A_508, %swap3A_509, %swap3A_510] {strides = array<i32>} : memref<2x10x8x512xf32, #tpu.memory_space<vmem>>, vector<16xf32>,
        tpu.vector_store %arg7[%swap3A_507, %swap3A_508, %swap3A_509, %swap3A_510], %gather3A_386 {strides = array<i32>} : memref<2x10x8x512xf32, #tpu.memory_space<vmem>>, vector<16xf32>,
        %swap3A_512 = arith.constant 0 : i32
        %swap3A_513 = arith.constant 5 : i32
        %swap3A_514 = arith.constant 3 : i32
        %swap3A_515 = arith.index_cast %swap3A_512 : i32 to index
        %swap3A_516 = arith.index_cast %swap3A_513 : i32 to index
        %swap3A_517 = arith.index_cast %swap3A_514 : i32 to index
        %swap3A_518 = arith.index_cast %mul3A_92 : i32 to index
        %swap3A_519 = tpu.vector_load %arg7[%swap3A_515, %swap3A_516, %swap3A_517, %swap3A_518] {strides = array<i32>} : memref<2x10x8x512xf32, #tpu.memory_space<vmem>>, vector<16xf32>,
        tpu.vector_store %arg7[%swap3A_515, %swap3A_516, %swap3A_517, %swap3A_518], %gather3A_387 {strides = array<i32>} : memref<2x10x8x512xf32, #tpu.memory_space<vmem>>, vector<16xf32>,
        %swap3A_520 = arith.constant 0 : i32
        %swap3A_521 = arith.constant 6 : i32
        %swap3A_522 = arith.constant 3 : i32
        %swap3A_523 = arith.index_cast %swap3A_520 : i32 to index
        %swap3A_524 = arith.index_cast %swap3A_521 : i32 to index
        %swap3A_525 = arith.index_cast %swap3A_522 : i32 to index
        %swap3A_526 = arith.index_cast %mul3A_92 : i32 to index
        %swap3A_527 = tpu.vector_load %arg7[%swap3A_523, %swap3A_524, %swap3A_525, %swap3A_526] {strides = array<i32>} : memref<2x10x8x512xf32, #tpu.memory_space<vmem>>, vector<16xf32>,
        tpu.vector_store %arg7[%swap3A_523, %swap3A_524, %swap3A_525, %swap3A_526], %gather3A_388 {strides = array<i32>} : memref<2x10x8x512xf32, #tpu.memory_space<vmem>>, vector<16xf32>,
        %swap3A_528 = arith.constant 0 : i32
        %swap3A_529 = arith.constant 7 : i32
        %swap3A_530 = arith.constant 3 : i32
        %swap3A_531 = arith.index_cast %swap3A_528 : i32 to index
        %swap3A_532 = arith.index_cast %swap3A_529 : i32 to index
        %swap3A_533 = arith.index_cast %swap3A_530 : i32 to index
        %swap3A_534 = arith.index_cast %mul3A_92 : i32 to index
        %swap3A_535 = tpu.vector_load %arg7[%swap3A_531, %swap3A_532, %swap3A_533, %swap3A_534] {strides = array<i32>} : memref<2x10x8x512xf32, #tpu.memory_space<vmem>>, vector<16xf32>,
        tpu.vector_store %arg7[%swap3A_531, %swap3A_532, %swap3A_533, %swap3A_534], %gather3A_389 {strides = array<i32>} : memref<2x10x8x512xf32, #tpu.memory_space<vmem>>, vector<16xf32>,
        %swap3A_536 = arith.constant 0 : i32
        %swap3A_537 = arith.constant 8 : i32
        %swap3A_538 = arith.constant 3 : i32
        %swap3A_539 = arith.index_cast %swap3A_536 : i32 to index
        %swap3A_540 = arith.index_cast %swap3A_537 : i32 to index
        %swap3A_541 = arith.index_cast %swap3A_538 : i32 to index
        %swap3A_542 = arith.index_cast %mul3A_92 : i32 to index
        %swap3A_543 = tpu.vector_load %arg7[%swap3A_539, %swap3A_540, %swap3A_541, %swap3A_542] {strides = array<i32>} : memref<2x10x8x512xf32, #tpu.memory_space<vmem>>, vector<16xf32>,
        tpu.vector_store %arg7[%swap3A_539, %swap3A_540, %swap3A_541, %swap3A_542], %gather3A_390 {strides = array<i32>} : memref<2x10x8x512xf32, #tpu.memory_space<vmem>>, vector<16xf32>,
        %swap3A_544 = arith.constant 0 : i32
        %swap3A_545 = arith.constant 9 : i32
        %swap3A_546 = arith.constant 3 : i32
        %swap3A_547 = arith.index_cast %swap3A_544 : i32 to index
        %swap3A_548 = arith.index_cast %swap3A_545 : i32 to index
        %swap3A_549 = arith.index_cast %swap3A_546 : i32 to index
        %swap3A_550 = arith.index_cast %mul3A_92 : i32 to index
        %swap3A_551 = tpu.vector_load %arg7[%swap3A_547, %swap3A_548, %swap3A_549, %swap3A_550] {strides = array<i32>} : memref<2x10x8x512xf32, #tpu.memory_space<vmem>>, vector<16xf32>,
        tpu.vector_store %arg7[%swap3A_547, %swap3A_548, %swap3A_549, %swap3A_550], %gather3A_391 {strides = array<i32>} : memref<2x10x8x512xf32, #tpu.memory_space<vmem>>, vector<16xf32>,
        %gather3A_552 = tpu.vector_load_idx %arg5[%broadcast_in_dim3A_3, %get3A_127] : memref<10x100xf32, #tpu.memory_space<vmem>>[vector<16xi32>, vector<16xi32>], vector<16xf32>,
        %gather3A_553 = tpu.vector_load_idx %arg5[%broadcast_in_dim3A_5, %get3A_127] : memref<10x100xf32, #tpu.memory_space<vmem>>[vector<16xi32>, vector<16xi32>], vector<16xf32>,
        %gather3A_554 = tpu.vector_load_idx %arg5[%broadcast_in_dim3A_7, %get3A_127] : memref<10x100xf32, #tpu.memory_space<vmem>>[vector<16xi32>, vector<16xi32>], vector<16xf32>,
        %gather3A_555 = tpu.vector_load_idx %arg5[%broadcast_in_dim3A_9, %get3A_127] : memref<10x100xf32, #tpu.memory_space<vmem>>[vector<16xi32>, vector<16xi32>], vector<16xf32>,
        %gather3A_556 = tpu.vector_load_idx %arg5[%broadcast_in_dim3A_11, %get3A_127] : memref<10x100xf32, #tpu.memory_space<vmem>>[vector<16xi32>, vector<16xi32>], vector<16xf32>,
        %gather3A_557 = tpu.vector_load_idx %arg5[%broadcast_in_dim3A_13, %get3A_127] : memref<10x100xf32, #tpu.memory_space<vmem>>[vector<16xi32>, vector<16xi32>], vector<16xf32>,
        %gather3A_558 = tpu.vector_load_idx %arg5[%broadcast_in_dim3A_15, %get3A_127] : memref<10x100xf32, #tpu.memory_space<vmem>>[vector<16xi32>, vector<16xi32>], vector<16xf32>,
        %gather3A_559 = tpu.vector_load_idx %arg5[%broadcast_in_dim3A_17, %get3A_127] : memref<10x100xf32, #tpu.memory_space<vmem>>[vector<16xi32>, vector<16xi32>], vector<16xf32>,
        %gather3A_560 = tpu.vector_load_idx %arg5[%broadcast_in_dim3A_19, %get3A_127] : memref<10x100xf32, #tpu.memory_space<vmem>>[vector<16xi32>, vector<16xi32>], vector<16xf32>,
        %gather3A_561 = tpu.vector_load_idx %arg5[%broadcast_in_dim3A_21, %get3A_127] : memref<10x100xf32, #tpu.memory_space<vmem>>[vector<16xi32>, vector<16xi32>], vector<16xf32>,
        %gather3A_562 = tpu.vector_load_idx %arg5[%broadcast_in_dim3A_3, %get3A_133] : memref<10x100xf32, #tpu.memory_space<vmem>>[vector<16xi32>, vector<16xi32>], vector<16xf32>,
        %gather3A_563 = tpu.vector_load_idx %arg5[%broadcast_in_dim3A_5, %get3A_133] : memref<10x100xf32, #tpu.memory_space<vmem>>[vector<16xi32>, vector<16xi32>], vector<16xf32>,
        %gather3A_564 = tpu.vector_load_idx %arg5[%broadcast_in_dim3A_7, %get3A_133] : memref<10x100xf32, #tpu.memory_space<vmem>>[vector<16xi32>, vector<16xi32>], vector<16xf32>,
        %gather3A_565 = tpu.vector_load_idx %arg5[%broadcast_in_dim3A_9, %get3A_133] : memref<10x100xf32, #tpu.memory_space<vmem>>[vector<16xi32>, vector<16xi32>], vector<16xf32>,
        %gather3A_566 = tpu.vector_load_idx %arg5[%broadcast_in_dim3A_11, %get3A_133] : memref<10x100xf32, #tpu.memory_space<vmem>>[vector<16xi32>, vector<16xi32>], vector<16xf32>,
        %gather3A_567 = tpu.vector_load_idx %arg5[%broadcast_in_dim3A_13, %get3A_133] : memref<10x100xf32, #tpu.memory_space<vmem>>[vector<16xi32>, vector<16xi32>], vector<16xf32>,
        %gather3A_568 = tpu.vector_load_idx %arg5[%broadcast_in_dim3A_15, %get3A_133] : memref<10x100xf32, #tpu.memory_space<vmem>>[vector<16xi32>, vector<16xi32>], vector<16xf32>,
        %gather3A_569 = tpu.vector_load_idx %arg5[%broadcast_in_dim3A_17, %get3A_133] : memref<10x100xf32, #tpu.memory_space<vmem>>[vector<16xi32>, vector<16xi32>], vector<16xf32>,
        %gather3A_570 = tpu.vector_load_idx %arg5[%broadcast_in_dim3A_19, %get3A_133] : memref<10x100xf32, #tpu.memory_space<vmem>>[vector<16xi32>, vector<16xi32>], vector<16xf32>,
        %gather3A_571 = tpu.vector_load_idx %arg5[%broadcast_in_dim3A_21, %get3A_133] : memref<10x100xf32, #tpu.memory_space<vmem>>[vector<16xi32>, vector<16xi32>], vector<16xf32>,
        %swap3A_572 = arith.constant 0 : i32
        %swap3A_573 = arith.constant 0 : i32
        %swap3A_574 = arith.constant 4 : i32
        %swap3A_575 = arith.index_cast %swap3A_572 : i32 to index
        %swap3A_576 = arith.index_cast %swap3A_573 : i32 to index
        %swap3A_577 = arith.index_cast %swap3A_574 : i32 to index
        %swap3A_578 = arith.index_cast %mul3A_92 : i32 to index
        %swap3A_579 = tpu.vector_load %arg7[%swap3A_575, %swap3A_576, %swap3A_577, %swap3A_578] {strides = array<i32>} : memref<2x10x8x512xf32, #tpu.memory_space<vmem>>, vector<16xf32>,
        tpu.vector_store %arg7[%swap3A_575, %swap3A_576, %swap3A_577, %swap3A_578], %gather3A_552 {strides = array<i32>} : memref<2x10x8x512xf32, #tpu.memory_space<vmem>>, vector<16xf32>,
        %swap3A_580 = arith.constant 0 : i32
        %swap3A_581 = arith.constant 1 : i32
        %swap3A_582 = arith.constant 4 : i32
        %swap3A_583 = arith.index_cast %swap3A_580 : i32 to index
        %swap3A_584 = arith.index_cast %swap3A_581 : i32 to index
        %swap3A_585 = arith.index_cast %swap3A_582 : i32 to index
        %swap3A_586 = arith.index_cast %mul3A_92 : i32 to index
        %swap3A_587 = tpu.vector_load %arg7[%swap3A_583, %swap3A_584, %swap3A_585, %swap3A_586] {strides = array<i32>} : memref<2x10x8x512xf32, #tpu.memory_space<vmem>>, vector<16xf32>,
        tpu.vector_store %arg7[%swap3A_583, %swap3A_584, %swap3A_585, %swap3A_586], %gather3A_553 {strides = array<i32>} : memref<2x10x8x512xf32, #tpu.memory_space<vmem>>, vector<16xf32>,
        %swap3A_588 = arith.constant 0 : i32
        %swap3A_589 = arith.constant 2 : i32
        %swap3A_590 = arith.constant 4 : i32
        %swap3A_591 = arith.index_cast %swap3A_588 : i32 to index
        %swap3A_592 = arith.index_cast %swap3A_589 : i32 to index
        %swap3A_593 = arith.index_cast %swap3A_590 : i32 to index
        %swap3A_594 = arith.index_cast %mul3A_92 : i32 to index
        %swap3A_595 = tpu.vector_load %arg7[%swap3A_591, %swap3A_592, %swap3A_593, %swap3A_594] {strides = array<i32>} : memref<2x10x8x512xf32, #tpu.memory_space<vmem>>, vector<16xf32>,
        tpu.vector_store %arg7[%swap3A_591, %swap3A_592, %swap3A_593, %swap3A_594], %gather3A_554 {strides = array<i32>} : memref<2x10x8x512xf32, #tpu.memory_space<vmem>>, vector<16xf32>,
        %swap3A_596 = arith.constant 0 : i32
        %swap3A_597 = arith.constant 3 : i32
        %swap3A_598 = arith.constant 4 : i32
        %swap3A_599 = arith.index_cast %swap3A_596 : i32 to index
        %swap3A_600 = arith.index_cast %swap3A_597 : i32 to index
        %swap3A_601 = arith.index_cast %swap3A_598 : i32 to index
        %swap3A_602 = arith.index_cast %mul3A_92 : i32 to index
        %swap3A_603 = tpu.vector_load %arg7[%swap3A_599, %swap3A_600, %swap3A_601, %swap3A_602] {strides = array<i32>} : memref<2x10x8x512xf32, #tpu.memory_space<vmem>>, vector<16xf32>,
        tpu.vector_store %arg7[%swap3A_599, %swap3A_600, %swap3A_601, %swap3A_602], %gather3A_555 {strides = array<i32>} : memref<2x10x8x512xf32, #tpu.memory_space<vmem>>, vector<16xf32>,
        %swap3A_604 = arith.constant 0 : i32
        %swap3A_605 = arith.constant 4 : i32
        %swap3A_606 = arith.constant 4 : i32
        %swap3A_607 = arith.index_cast %swap3A_604 : i32 to index
        %swap3A_608 = arith.index_cast %swap3A_605 : i32 to index
        %swap3A_609 = arith.index_cast %swap3A_606 : i32 to index
        %swap3A_610 = arith.index_cast %mul3A_92 : i32 to index
        %swap3A_611 = tpu.vector_load %arg7[%swap3A_607, %swap3A_608, %swap3A_609, %swap3A_610] {strides = array<i32>} : memref<2x10x8x512xf32, #tpu.memory_space<vmem>>, vector<16xf32>,
        tpu.vector_store %arg7[%swap3A_607, %swap3A_608, %swap3A_609, %swap3A_610], %gather3A_556 {strides = array<i32>} : memref<2x10x8x512xf32, #tpu.memory_space<vmem>>, vector<16xf32>,
        %swap3A_612 = arith.constant 0 : i32
        %swap3A_613 = arith.constant 5 : i32
        %swap3A_614 = arith.constant 4 : i32
        %swap3A_615 = arith.index_cast %swap3A_612 : i32 to index
        %swap3A_616 = arith.index_cast %swap3A_613 : i32 to index
        %swap3A_617 = arith.index_cast %swap3A_614 : i32 to index
        %swap3A_618 = arith.index_cast %mul3A_92 : i32 to index
        %swap3A_619 = tpu.vector_load %arg7[%swap3A_615, %swap3A_616, %swap3A_617, %swap3A_618] {strides = array<i32>} : memref<2x10x8x512xf32, #tpu.memory_space<vmem>>, vector<16xf32>,
        tpu.vector_store %arg7[%swap3A_615, %swap3A_616, %swap3A_617, %swap3A_618], %gather3A_557 {strides = array<i32>} : memref<2x10x8x512xf32, #tpu.memory_space<vmem>>, vector<16xf32>,
        %swap3A_620 = arith.constant 0 : i32
        %swap3A_621 = arith.constant 6 : i32
        %swap3A_622 = arith.constant 4 : i32
        %swap3A_623 = arith.index_cast %swap3A_620 : i32 to index
        %swap3A_624 = arith.index_cast %swap3A_621 : i32 to index
        %swap3A_625 = arith.index_cast %swap3A_622 : i32 to index
        %swap3A_626 = arith.index_cast %mul3A_92 : i32 to index
        %swap3A_627 = tpu.vector_load %arg7[%swap3A_623, %swap3A_624, %swap3A_625, %swap3A_626] {strides = array<i32>} : memref<2x10x8x512xf32, #tpu.memory_space<vmem>>, vector<16xf32>,
        tpu.vector_store %arg7[%swap3A_623, %swap3A_624, %swap3A_625, %swap3A_626], %gather3A_558 {strides = array<i32>} : memref<2x10x8x512xf32, #tpu.memory_space<vmem>>, vector<16xf32>,
        %swap3A_628 = arith.constant 0 : i32
        %swap3A_629 = arith.constant 7 : i32
        %swap3A_630 = arith.constant 4 : i32
        %swap3A_631 = arith.index_cast %swap3A_628 : i32 to index
        %swap3A_632 = arith.index_cast %swap3A_629 : i32 to index
        %swap3A_633 = arith.index_cast %swap3A_630 : i32 to index
        %swap3A_634 = arith.index_cast %mul3A_92 : i32 to index
        %swap3A_635 = tpu.vector_load %arg7[%swap3A_631, %swap3A_632, %swap3A_633, %swap3A_634] {strides = array<i32>} : memref<2x10x8x512xf32, #tpu.memory_space<vmem>>, vector<16xf32>,
        tpu.vector_store %arg7[%swap3A_631, %swap3A_632, %swap3A_633, %swap3A_634], %gather3A_559 {strides = array<i32>} : memref<2x10x8x512xf32, #tpu.memory_space<vmem>>, vector<16xf32>,
        %swap3A_636 = arith.constant 0 : i32
        %swap3A_637 = arith.constant 8 : i32
        %swap3A_638 = arith.constant 4 : i32
        %swap3A_639 = arith.index_cast %swap3A_636 : i32 to index
        %swap3A_640 = arith.index_cast %swap3A_637 : i32 to index
        %swap3A_641 = arith.index_cast %swap3A_638 : i32 to index
        %swap3A_642 = arith.index_cast %mul3A_92 : i32 to index
        %swap3A_643 = tpu.vector_load %arg7[%swap3A_639, %swap3A_640, %swap3A_641, %swap3A_642] {strides = array<i32>} : memref<2x10x8x512xf32, #tpu.memory_space<vmem>>, vector<16xf32>,
        tpu.vector_store %arg7[%swap3A_639, %swap3A_640, %swap3A_641, %swap3A_642], %gather3A_560 {strides = array<i32>} : memref<2x10x8x512xf32, #tpu.memory_space<vmem>>, vector<16xf32>,
        %swap3A_644 = arith.constant 0 : i32
        %swap3A_645 = arith.constant 9 : i32
        %swap3A_646 = arith.constant 4 : i32
        %swap3A_647 = arith.index_cast %swap3A_644 : i32 to index
        %swap3A_648 = arith.index_cast %swap3A_645 : i32 to index
        %swap3A_649 = arith.index_cast %swap3A_646 : i32 to index
        %swap3A_650 = arith.index_cast %mul3A_92 : i32 to index
        %swap3A_651 = tpu.vector_load %arg7[%swap3A_647, %swap3A_648, %swap3A_649, %swap3A_650] {strides = array<i32>} : memref<2x10x8x512xf32, #tpu.memory_space<vmem>>, vector<16xf32>,
        tpu.vector_store %arg7[%swap3A_647, %swap3A_648, %swap3A_649, %swap3A_650], %gather3A_561 {strides = array<i32>} : memref<2x10x8x512xf32, #tpu.memory_space<vmem>>, vector<16xf32>,
        %swap3A_652 = arith.constant 0 : i32
        %swap3A_653 = arith.constant 0 : i32
        %swap3A_654 = arith.constant 5 : i32
        %swap3A_655 = arith.index_cast %swap3A_652 : i32 to index
        %swap3A_656 = arith.index_cast %swap3A_653 : i32 to index
        %swap3A_657 = arith.index_cast %swap3A_654 : i32 to index
        %swap3A_658 = arith.index_cast %mul3A_92 : i32 to index
        %swap3A_659 = tpu.vector_load %arg7[%swap3A_655, %swap3A_656, %swap3A_657, %swap3A_658] {strides = array<i32>} : memref<2x10x8x512xf32, #tpu.memory_space<vmem>>, vector<16xf32>,
        tpu.vector_store %arg7[%swap3A_655, %swap3A_656, %swap3A_657, %swap3A_658], %gather3A_562 {strides = array<i32>} : memref<2x10x8x512xf32, #tpu.memory_space<vmem>>, vector<16xf32>,
        %swap3A_660 = arith.constant 0 : i32
        %swap3A_661 = arith.constant 1 : i32
        %swap3A_662 = arith.constant 5 : i32
        %swap3A_663 = arith.index_cast %swap3A_660 : i32 to index
        %swap3A_664 = arith.index_cast %swap3A_661 : i32 to index
        %swap3A_665 = arith.index_cast %swap3A_662 : i32 to index
        %swap3A_666 = arith.index_cast %mul3A_92 : i32 to index
        %swap3A_667 = tpu.vector_load %arg7[%swap3A_663, %swap3A_664, %swap3A_665, %swap3A_666] {strides = array<i32>} : memref<2x10x8x512xf32, #tpu.memory_space<vmem>>, vector<16xf32>,
        tpu.vector_store %arg7[%swap3A_663, %swap3A_664, %swap3A_665, %swap3A_666], %gather3A_563 {strides = array<i32>} : memref<2x10x8x512xf32, #tpu.memory_space<vmem>>, vector<16xf32>,
        %swap3A_668 = arith.constant 0 : i32
        %swap3A_669 = arith.constant 2 : i32
        %swap3A_670 = arith.constant 5 : i32
        %swap3A_671 = arith.index_cast %swap3A_668 : i32 to index
        %swap3A_672 = arith.index_cast %swap3A_669 : i32 to index
        %swap3A_673 = arith.index_cast %swap3A_670 : i32 to index
        %swap3A_674 = arith.index_cast %mul3A_92 : i32 to index
        %swap3A_675 = tpu.vector_load %arg7[%swap3A_671, %swap3A_672, %swap3A_673, %swap3A_674] {strides = array<i32>} : memref<2x10x8x512xf32, #tpu.memory_space<vmem>>, vector<16xf32>,
        tpu.vector_store %arg7[%swap3A_671, %swap3A_672, %swap3A_673, %swap3A_674], %gather3A_564 {strides = array<i32>} : memref<2x10x8x512xf32, #tpu.memory_space<vmem>>, vector<16xf32>,
        %swap3A_676 = arith.constant 0 : i32
        %swap3A_677 = arith.constant 3 : i32
        %swap3A_678 = arith.constant 5 : i32
        %swap3A_679 = arith.index_cast %swap3A_676 : i32 to index
        %swap3A_680 = arith.index_cast %swap3A_677 : i32 to index
        %swap3A_681 = arith.index_cast %swap3A_678 : i32 to index
        %swap3A_682 = arith.index_cast %mul3A_92 : i32 to index
        %swap3A_683 = tpu.vector_load %arg7[%swap3A_679, %swap3A_680, %swap3A_681, %swap3A_682] {strides = array<i32>} : memref<2x10x8x512xf32, #tpu.memory_space<vmem>>, vector<16xf32>,
        tpu.vector_store %arg7[%swap3A_679, %swap3A_680, %swap3A_681, %swap3A_682], %gather3A_565 {strides = array<i32>} : memref<2x10x8x512xf32, #tpu.memory_space<vmem>>, vector<16xf32>,
        %swap3A_684 = arith.constant 0 : i32
        %swap3A_685 = arith.constant 4 : i32
        %swap3A_686 = arith.constant 5 : i32
        %swap3A_687 = arith.index_cast %swap3A_684 : i32 to index
        %swap3A_688 = arith.index_cast %swap3A_685 : i32 to index
        %swap3A_689 = arith.index_cast %swap3A_686 : i32 to index
        %swap3A_690 = arith.index_cast %mul3A_92 : i32 to index
        %swap3A_691 = tpu.vector_load %arg7[%swap3A_687, %swap3A_688, %swap3A_689, %swap3A_690] {strides = array<i32>} : memref<2x10x8x512xf32, #tpu.memory_space<vmem>>, vector<16xf32>,
        tpu.vector_store %arg7[%swap3A_687, %swap3A_688, %swap3A_689, %swap3A_690], %gather3A_566 {strides = array<i32>} : memref<2x10x8x512xf32, #tpu.memory_space<vmem>>, vector<16xf32>,
        %swap3A_692 = arith.constant 0 : i32
        %swap3A_693 = arith.constant 5 : i32
        %swap3A_694 = arith.constant 5 : i32
        %swap3A_695 = arith.index_cast %swap3A_692 : i32 to index
        %swap3A_696 = arith.index_cast %swap3A_693 : i32 to index
        %swap3A_697 = arith.index_cast %swap3A_694 : i32 to index
        %swap3A_698 = arith.index_cast %mul3A_92 : i32 to index
        %swap3A_699 = tpu.vector_load %arg7[%swap3A_695, %swap3A_696, %swap3A_697, %swap3A_698] {strides = array<i32>} : memref<2x10x8x512xf32, #tpu.memory_space<vmem>>, vector<16xf32>,
        tpu.vector_store %arg7[%swap3A_695, %swap3A_696, %swap3A_697, %swap3A_698], %gather3A_567 {strides = array<i32>} : memref<2x10x8x512xf32, #tpu.memory_space<vmem>>, vector<16xf32>,
        %swap3A_700 = arith.constant 0 : i32
        %swap3A_701 = arith.constant 6 : i32
        %swap3A_702 = arith.constant 5 : i32
        %swap3A_703 = arith.index_cast %swap3A_700 : i32 to index
        %swap3A_704 = arith.index_cast %swap3A_701 : i32 to index
        %swap3A_705 = arith.index_cast %swap3A_702 : i32 to index
        %swap3A_706 = arith.index_cast %mul3A_92 : i32 to index
        %swap3A_707 = tpu.vector_load %arg7[%swap3A_703, %swap3A_704, %swap3A_705, %swap3A_706] {strides = array<i32>} : memref<2x10x8x512xf32, #tpu.memory_space<vmem>>, vector<16xf32>,
        tpu.vector_store %arg7[%swap3A_703, %swap3A_704, %swap3A_705, %swap3A_706], %gather3A_568 {strides = array<i32>} : memref<2x10x8x512xf32, #tpu.memory_space<vmem>>, vector<16xf32>,
        %swap3A_708 = arith.constant 0 : i32
        %swap3A_709 = arith.constant 7 : i32
        %swap3A_710 = arith.constant 5 : i32
        %swap3A_711 = arith.index_cast %swap3A_708 : i32 to index
        %swap3A_712 = arith.index_cast %swap3A_709 : i32 to index
        %swap3A_713 = arith.index_cast %swap3A_710 : i32 to index
        %swap3A_714 = arith.index_cast %mul3A_92 : i32 to index
        %swap3A_715 = tpu.vector_load %arg7[%swap3A_711, %swap3A_712, %swap3A_713, %swap3A_714] {strides = array<i32>} : memref<2x10x8x512xf32, #tpu.memory_space<vmem>>, vector<16xf32>,
        tpu.vector_store %arg7[%swap3A_711, %swap3A_712, %swap3A_713, %swap3A_714], %gather3A_569 {strides = array<i32>} : memref<2x10x8x512xf32, #tpu.memory_space<vmem>>, vector<16xf32>,
        %swap3A_716 = arith.constant 0 : i32
        %swap3A_717 = arith.constant 8 : i32
        %swap3A_718 = arith.constant 5 : i32
        %swap3A_719 = arith.index_cast %swap3A_716 : i32 to index
        %swap3A_720 = arith.index_cast %swap3A_717 : i32 to index
        %swap3A_721 = arith.index_cast %swap3A_718 : i32 to index
        %swap3A_722 = arith.index_cast %mul3A_92 : i32 to index
        %swap3A_723 = tpu.vector_load %arg7[%swap3A_719, %swap3A_720, %swap3A_721, %swap3A_722] {strides = array<i32>} : memref<2x10x8x512xf32, #tpu.memory_space<vmem>>, vector<16xf32>,
        tpu.vector_store %arg7[%swap3A_719, %swap3A_720, %swap3A_721, %swap3A_722], %gather3A_570 {strides = array<i32>} : memref<2x10x8x512xf32, #tpu.memory_space<vmem>>, vector<16xf32>,
        %swap3A_724 = arith.constant 0 : i32
        %swap3A_725 = arith.constant 9 : i32
        %swap3A_726 = arith.constant 5 : i32
        %swap3A_727 = arith.index_cast %swap3A_724 : i32 to index
        %swap3A_728 = arith.index_cast %swap3A_725 : i32 to index
        %swap3A_729 = arith.index_cast %swap3A_726 : i32 to index
        %swap3A_730 = arith.index_cast %mul3A_92 : i32 to index
        %swap3A_731 = tpu.vector_load %arg7[%swap3A_727, %swap3A_728, %swap3A_729, %swap3A_730] {strides = array<i32>} : memref<2x10x8x512xf32, #tpu.memory_space<vmem>>, vector<16xf32>,
        tpu.vector_store %arg7[%swap3A_727, %swap3A_728, %swap3A_729, %swap3A_730], %gather3A_571 {strides = array<i32>} : memref<2x10x8x512xf32, #tpu.memory_space<vmem>>, vector<16xf32>,
        %gather3A_732 = tpu.vector_load_idx %arg5[%broadcast_in_dim3A_3, %get3A_139] : memref<10x100xf32, #tpu.memory_space<vmem>>[vector<16xi32>, vector<16xi32>], vector<16xf32>,
        %gather3A_733 = tpu.vector_load_idx %arg5[%broadcast_in_dim3A_5, %get3A_139] : memref<10x100xf32, #tpu.memory_space<vmem>>[vector<16xi32>, vector<16xi32>], vector<16xf32>,
        %gather3A_734 = tpu.vector_load_idx %arg5[%broadcast_in_dim3A_7, %get3A_139] : memref<10x100xf32, #tpu.memory_space<vmem>>[vector<16xi32>, vector<16xi32>], vector<16xf32>,
        %gather3A_735 = tpu.vector_load_idx %arg5[%broadcast_in_dim3A_9, %get3A_139] : memref<10x100xf32, #tpu.memory_space<vmem>>[vector<16xi32>, vector<16xi32>], vector<16xf32>,
        %gather3A_736 = tpu.vector_load_idx %arg5[%broadcast_in_dim3A_11, %get3A_139] : memref<10x100xf32, #tpu.memory_space<vmem>>[vector<16xi32>, vector<16xi32>], vector<16xf32>,
        %gather3A_737 = tpu.vector_load_idx %arg5[%broadcast_in_dim3A_13, %get3A_139] : memref<10x100xf32, #tpu.memory_space<vmem>>[vector<16xi32>, vector<16xi32>], vector<16xf32>,
        %gather3A_738 = tpu.vector_load_idx %arg5[%broadcast_in_dim3A_15, %get3A_139] : memref<10x100xf32, #tpu.memory_space<vmem>>[vector<16xi32>, vector<16xi32>], vector<16xf32>,
        %gather3A_739 = tpu.vector_load_idx %arg5[%broadcast_in_dim3A_17, %get3A_139] : memref<10x100xf32, #tpu.memory_space<vmem>>[vector<16xi32>, vector<16xi32>], vector<16xf32>,
        %gather3A_740 = tpu.vector_load_idx %arg5[%broadcast_in_dim3A_19, %get3A_139] : memref<10x100xf32, #tpu.memory_space<vmem>>[vector<16xi32>, vector<16xi32>], vector<16xf32>,
        %gather3A_741 = tpu.vector_load_idx %arg5[%broadcast_in_dim3A_21, %get3A_139] : memref<10x100xf32, #tpu.memory_space<vmem>>[vector<16xi32>, vector<16xi32>], vector<16xf32>,
        %gather3A_742 = tpu.vector_load_idx %arg5[%broadcast_in_dim3A_3, %get3A_145] : memref<10x100xf32, #tpu.memory_space<vmem>>[vector<16xi32>, vector<16xi32>], vector<16xf32>,
        %gather3A_743 = tpu.vector_load_idx %arg5[%broadcast_in_dim3A_5, %get3A_145] : memref<10x100xf32, #tpu.memory_space<vmem>>[vector<16xi32>, vector<16xi32>], vector<16xf32>,
        %gather3A_744 = tpu.vector_load_idx %arg5[%broadcast_in_dim3A_7, %get3A_145] : memref<10x100xf32, #tpu.memory_space<vmem>>[vector<16xi32>, vector<16xi32>], vector<16xf32>,
        %gather3A_745 = tpu.vector_load_idx %arg5[%broadcast_in_dim3A_9, %get3A_145] : memref<10x100xf32, #tpu.memory_space<vmem>>[vector<16xi32>, vector<16xi32>], vector<16xf32>,
        %gather3A_746 = tpu.vector_load_idx %arg5[%broadcast_in_dim3A_11, %get3A_145] : memref<10x100xf32, #tpu.memory_space<vmem>>[vector<16xi32>, vector<16xi32>], vector<16xf32>,
        %gather3A_747 = tpu.vector_load_idx %arg5[%broadcast_in_dim3A_13, %get3A_145] : memref<10x100xf32, #tpu.memory_space<vmem>>[vector<16xi32>, vector<16xi32>], vector<16xf32>,
        %gather3A_748 = tpu.vector_load_idx %arg5[%broadcast_in_dim3A_15, %get3A_145] : memref<10x100xf32, #tpu.memory_space<vmem>>[vector<16xi32>, vector<16xi32>], vector<16xf32>,
        %gather3A_749 = tpu.vector_load_idx %arg5[%broadcast_in_dim3A_17, %get3A_145] : memref<10x100xf32, #tpu.memory_space<vmem>>[vector<16xi32>, vector<16xi32>], vector<16xf32>,
        %gather3A_750 = tpu.vector_load_idx %arg5[%broadcast_in_dim3A_19, %get3A_145] : memref<10x100xf32, #tpu.memory_space<vmem>>[vector<16xi32>, vector<16xi32>], vector<16xf32>,
        %gather3A_751 = tpu.vector_load_idx %arg5[%broadcast_in_dim3A_21, %get3A_145] : memref<10x100xf32, #tpu.memory_space<vmem>>[vector<16xi32>, vector<16xi32>], vector<16xf32>,
        %swap3A_752 = arith.constant 0 : i32
        %swap3A_753 = arith.constant 0 : i32
        %swap3A_754 = arith.constant 6 : i32
        %swap3A_755 = arith.index_cast %swap3A_752 : i32 to index
        %swap3A_756 = arith.index_cast %swap3A_753 : i32 to index
        %swap3A_757 = arith.index_cast %swap3A_754 : i32 to index
        %swap3A_758 = arith.index_cast %mul3A_92 : i32 to index
        %swap3A_759 = tpu.vector_load %arg7[%swap3A_755, %swap3A_756, %swap3A_757, %swap3A_758] {strides = array<i32>} : memref<2x10x8x512xf32, #tpu.memory_space<vmem>>, vector<16xf32>,
        tpu.vector_store %arg7[%swap3A_755, %swap3A_756, %swap3A_757, %swap3A_758], %gather3A_732 {strides = array<i32>} : memref<2x10x8x512xf32, #tpu.memory_space<vmem>>, vector<16xf32>,
        %swap3A_760 = arith.constant 0 : i32
        %swap3A_761 = arith.constant 1 : i32
        %swap3A_762 = arith.constant 6 : i32
        %swap3A_763 = arith.index_cast %swap3A_760 : i32 to index
        %swap3A_764 = arith.index_cast %swap3A_761 : i32 to index
        %swap3A_765 = arith.index_cast %swap3A_762 : i32 to index
        %swap3A_766 = arith.index_cast %mul3A_92 : i32 to index
        %swap3A_767 = tpu.vector_load %arg7[%swap3A_763, %swap3A_764, %swap3A_765, %swap3A_766] {strides = array<i32>} : memref<2x10x8x512xf32, #tpu.memory_space<vmem>>, vector<16xf32>,
        tpu.vector_store %arg7[%swap3A_763, %swap3A_764, %swap3A_765, %swap3A_766], %gather3A_733 {strides = array<i32>} : memref<2x10x8x512xf32, #tpu.memory_space<vmem>>, vector<16xf32>,
        %swap3A_768 = arith.constant 0 : i32
        %swap3A_769 = arith.constant 2 : i32
        %swap3A_770 = arith.constant 6 : i32
        %swap3A_771 = arith.index_cast %swap3A_768 : i32 to index
        %swap3A_772 = arith.index_cast %swap3A_769 : i32 to index
        %swap3A_773 = arith.index_cast %swap3A_770 : i32 to index
        %swap3A_774 = arith.index_cast %mul3A_92 : i32 to index
        %swap3A_775 = tpu.vector_load %arg7[%swap3A_771, %swap3A_772, %swap3A_773, %swap3A_774] {strides = array<i32>} : memref<2x10x8x512xf32, #tpu.memory_space<vmem>>, vector<16xf32>,
        tpu.vector_store %arg7[%swap3A_771, %swap3A_772, %swap3A_773, %swap3A_774], %gather3A_734 {strides = array<i32>} : memref<2x10x8x512xf32, #tpu.memory_space<vmem>>, vector<16xf32>,
        %swap3A_776 = arith.constant 0 : i32
        %swap3A_777 = arith.constant 3 : i32
        %swap3A_778 = arith.constant 6 : i32
        %swap3A_779 = arith.index_cast %swap3A_776 : i32 to index
        %swap3A_780 = arith.index_cast %swap3A_777 : i32 to index
        %swap3A_781 = arith.index_cast %swap3A_778 : i32 to index
        %swap3A_782 = arith.index_cast %mul3A_92 : i32 to index
        %swap3A_783 = tpu.vector_load %arg7[%swap3A_779, %swap3A_780, %swap3A_781, %swap3A_782] {strides = array<i32>} : memref<2x10x8x512xf32, #tpu.memory_space<vmem>>, vector<16xf32>,
        tpu.vector_store %arg7[%swap3A_779, %swap3A_780, %swap3A_781, %swap3A_782], %gather3A_735 {strides = array<i32>} : memref<2x10x8x512xf32, #tpu.memory_space<vmem>>, vector<16xf32>,
        %swap3A_784 = arith.constant 0 : i32
        %swap3A_785 = arith.constant 4 : i32
        %swap3A_786 = arith.constant 6 : i32
        %swap3A_787 = arith.index_cast %swap3A_784 : i32 to index
        %swap3A_788 = arith.index_cast %swap3A_785 : i32 to index
        %swap3A_789 = arith.index_cast %swap3A_786 : i32 to index
        %swap3A_790 = arith.index_cast %mul3A_92 : i32 to index
        %swap3A_791 = tpu.vector_load %arg7[%swap3A_787, %swap3A_788, %swap3A_789, %swap3A_790] {strides = array<i32>} : memref<2x10x8x512xf32, #tpu.memory_space<vmem>>, vector<16xf32>,
        tpu.vector_store %arg7[%swap3A_787, %swap3A_788, %swap3A_789, %swap3A_790], %gather3A_736 {strides = array<i32>} : memref<2x10x8x512xf32, #tpu.memory_space<vmem>>, vector<16xf32>,
        %swap3A_792 = arith.constant 0 : i32
        %swap3A_793 = arith.constant 5 : i32
        %swap3A_794 = arith.constant 6 : i32
        %swap3A_795 = arith.index_cast %swap3A_792 : i32 to index
        %swap3A_796 = arith.index_cast %swap3A_793 : i32 to index
        %swap3A_797 = arith.index_cast %swap3A_794 : i32 to index
        %swap3A_798 = arith.index_cast %mul3A_92 : i32 to index
        %swap3A_799 = tpu.vector_load %arg7[%swap3A_795, %swap3A_796, %swap3A_797, %swap3A_798] {strides = array<i32>} : memref<2x10x8x512xf32, #tpu.memory_space<vmem>>, vector<16xf32>,
        tpu.vector_store %arg7[%swap3A_795, %swap3A_796, %swap3A_797, %swap3A_798], %gather3A_737 {strides = array<i32>} : memref<2x10x8x512xf32, #tpu.memory_space<vmem>>, vector<16xf32>,
        %swap3A_800 = arith.constant 0 : i32
        %swap3A_801 = arith.constant 6 : i32
        %swap3A_802 = arith.constant 6 : i32
        %swap3A_803 = arith.index_cast %swap3A_800 : i32 to index
        %swap3A_804 = arith.index_cast %swap3A_801 : i32 to index
        %swap3A_805 = arith.index_cast %swap3A_802 : i32 to index
        %swap3A_806 = arith.index_cast %mul3A_92 : i32 to index
        %swap3A_807 = tpu.vector_load %arg7[%swap3A_803, %swap3A_804, %swap3A_805, %swap3A_806] {strides = array<i32>} : memref<2x10x8x512xf32, #tpu.memory_space<vmem>>, vector<16xf32>,
        tpu.vector_store %arg7[%swap3A_803, %swap3A_804, %swap3A_805, %swap3A_806], %gather3A_738 {strides = array<i32>} : memref<2x10x8x512xf32, #tpu.memory_space<vmem>>, vector<16xf32>,
        %swap3A_808 = arith.constant 0 : i32
        %swap3A_809 = arith.constant 7 : i32
        %swap3A_810 = arith.constant 6 : i32
        %swap3A_811 = arith.index_cast %swap3A_808 : i32 to index
        %swap3A_812 = arith.index_cast %swap3A_809 : i32 to index
        %swap3A_813 = arith.index_cast %swap3A_810 : i32 to index
        %swap3A_814 = arith.index_cast %mul3A_92 : i32 to index
        %swap3A_815 = tpu.vector_load %arg7[%swap3A_811, %swap3A_812, %swap3A_813, %swap3A_814] {strides = array<i32>} : memref<2x10x8x512xf32, #tpu.memory_space<vmem>>, vector<16xf32>,
        tpu.vector_store %arg7[%swap3A_811, %swap3A_812, %swap3A_813, %swap3A_814], %gather3A_739 {strides = array<i32>} : memref<2x10x8x512xf32, #tpu.memory_space<vmem>>, vector<16xf32>,
        %swap3A_816 = arith.constant 0 : i32
        %swap3A_817 = arith.constant 8 : i32
        %swap3A_818 = arith.constant 6 : i32
        %swap3A_819 = arith.index_cast %swap3A_816 : i32 to index
        %swap3A_820 = arith.index_cast %swap3A_817 : i32 to index
        %swap3A_821 = arith.index_cast %swap3A_818 : i32 to index
        %swap3A_822 = arith.index_cast %mul3A_92 : i32 to index
        %swap3A_823 = tpu.vector_load %arg7[%swap3A_819, %swap3A_820, %swap3A_821, %swap3A_822] {strides = array<i32>} : memref<2x10x8x512xf32, #tpu.memory_space<vmem>>, vector<16xf32>,
        tpu.vector_store %arg7[%swap3A_819, %swap3A_820, %swap3A_821, %swap3A_822], %gather3A_740 {strides = array<i32>} : memref<2x10x8x512xf32, #tpu.memory_space<vmem>>, vector<16xf32>,
        %swap3A_824 = arith.constant 0 : i32
        %swap3A_825 = arith.constant 9 : i32
        %swap3A_826 = arith.constant 6 : i32
        %swap3A_827 = arith.index_cast %swap3A_824 : i32 to index
        %swap3A_828 = arith.index_cast %swap3A_825 : i32 to index
        %swap3A_829 = arith.index_cast %swap3A_826 : i32 to index
        %swap3A_830 = arith.index_cast %mul3A_92 : i32 to index
        %swap3A_831 = tpu.vector_load %arg7[%swap3A_827, %swap3A_828, %swap3A_829, %swap3A_830] {strides = array<i32>} : memref<2x10x8x512xf32, #tpu.memory_space<vmem>>, vector<16xf32>,
        tpu.vector_store %arg7[%swap3A_827, %swap3A_828, %swap3A_829, %swap3A_830], %gather3A_741 {strides = array<i32>} : memref<2x10x8x512xf32, #tpu.memory_space<vmem>>, vector<16xf32>,
        %swap3A_832 = arith.constant 0 : i32
        %swap3A_833 = arith.constant 0 : i32
        %swap3A_834 = arith.constant 7 : i32
        %swap3A_835 = arith.index_cast %swap3A_832 : i32 to index
        %swap3A_836 = arith.index_cast %swap3A_833 : i32 to index
        %swap3A_837 = arith.index_cast %swap3A_834 : i32 to index
        %swap3A_838 = arith.index_cast %mul3A_92 : i32 to index
        %swap3A_839 = tpu.vector_load %arg7[%swap3A_835, %swap3A_836, %swap3A_837, %swap3A_838] {strides = array<i32>} : memref<2x10x8x512xf32, #tpu.memory_space<vmem>>, vector<16xf32>,
        tpu.vector_store %arg7[%swap3A_835, %swap3A_836, %swap3A_837, %swap3A_838], %gather3A_742 {strides = array<i32>} : memref<2x10x8x512xf32, #tpu.memory_space<vmem>>, vector<16xf32>,
        %swap3A_840 = arith.constant 0 : i32
        %swap3A_841 = arith.constant 1 : i32
        %swap3A_842 = arith.constant 7 : i32
        %swap3A_843 = arith.index_cast %swap3A_840 : i32 to index
        %swap3A_844 = arith.index_cast %swap3A_841 : i32 to index
        %swap3A_845 = arith.index_cast %swap3A_842 : i32 to index
        %swap3A_846 = arith.index_cast %mul3A_92 : i32 to index
        %swap3A_847 = tpu.vector_load %arg7[%swap3A_843, %swap3A_844, %swap3A_845, %swap3A_846] {strides = array<i32>} : memref<2x10x8x512xf32, #tpu.memory_space<vmem>>, vector<16xf32>,
        tpu.vector_store %arg7[%swap3A_843, %swap3A_844, %swap3A_845, %swap3A_846], %gather3A_743 {strides = array<i32>} : memref<2x10x8x512xf32, #tpu.memory_space<vmem>>, vector<16xf32>,
        %swap3A_848 = arith.constant 0 : i32
        %swap3A_849 = arith.constant 2 : i32
        %swap3A_850 = arith.constant 7 : i32
        %swap3A_851 = arith.index_cast %swap3A_848 : i32 to index
        %swap3A_852 = arith.index_cast %swap3A_849 : i32 to index
        %swap3A_853 = arith.index_cast %swap3A_850 : i32 to index
        %swap3A_854 = arith.index_cast %mul3A_92 : i32 to index
        %swap3A_855 = tpu.vector_load %arg7[%swap3A_851, %swap3A_852, %swap3A_853, %swap3A_854] {strides = array<i32>} : memref<2x10x8x512xf32, #tpu.memory_space<vmem>>, vector<16xf32>,
        tpu.vector_store %arg7[%swap3A_851, %swap3A_852, %swap3A_853, %swap3A_854], %gather3A_744 {strides = array<i32>} : memref<2x10x8x512xf32, #tpu.memory_space<vmem>>, vector<16xf32>,
        %swap3A_856 = arith.constant 0 : i32
        %swap3A_857 = arith.constant 3 : i32
        %swap3A_858 = arith.constant 7 : i32
        %swap3A_859 = arith.index_cast %swap3A_856 : i32 to index
        %swap3A_860 = arith.index_cast %swap3A_857 : i32 to index
        %swap3A_861 = arith.index_cast %swap3A_858 : i32 to index
        %swap3A_862 = arith.index_cast %mul3A_92 : i32 to index
        %swap3A_863 = tpu.vector_load %arg7[%swap3A_859, %swap3A_860, %swap3A_861, %swap3A_862] {strides = array<i32>} : memref<2x10x8x512xf32, #tpu.memory_space<vmem>>, vector<16xf32>,
        tpu.vector_store %arg7[%swap3A_859, %swap3A_860, %swap3A_861, %swap3A_862], %gather3A_745 {strides = array<i32>} : memref<2x10x8x512xf32, #tpu.memory_space<vmem>>, vector<16xf32>,
        %swap3A_864 = arith.constant 0 : i32
        %swap3A_865 = arith.constant 4 : i32
        %swap3A_866 = arith.constant 7 : i32
        %swap3A_867 = arith.index_cast %swap3A_864 : i32 to index
        %swap3A_868 = arith.index_cast %swap3A_865 : i32 to index
        %swap3A_869 = arith.index_cast %swap3A_866 : i32 to index
        %swap3A_870 = arith.index_cast %mul3A_92 : i32 to index
        %swap3A_871 = tpu.vector_load %arg7[%swap3A_867, %swap3A_868, %swap3A_869, %swap3A_870] {strides = array<i32>} : memref<2x10x8x512xf32, #tpu.memory_space<vmem>>, vector<16xf32>,
        tpu.vector_store %arg7[%swap3A_867, %swap3A_868, %swap3A_869, %swap3A_870], %gather3A_746 {strides = array<i32>} : memref<2x10x8x512xf32, #tpu.memory_space<vmem>>, vector<16xf32>,
        %swap3A_872 = arith.constant 0 : i32
        %swap3A_873 = arith.constant 5 : i32
        %swap3A_874 = arith.constant 7 : i32
        %swap3A_875 = arith.index_cast %swap3A_872 : i32 to index
        %swap3A_876 = arith.index_cast %swap3A_873 : i32 to index
        %swap3A_877 = arith.index_cast %swap3A_874 : i32 to index
        %swap3A_878 = arith.index_cast %mul3A_92 : i32 to index
        %swap3A_879 = tpu.vector_load %arg7[%swap3A_875, %swap3A_876, %swap3A_877, %swap3A_878] {strides = array<i32>} : memref<2x10x8x512xf32, #tpu.memory_space<vmem>>, vector<16xf32>,
        tpu.vector_store %arg7[%swap3A_875, %swap3A_876, %swap3A_877, %swap3A_878], %gather3A_747 {strides = array<i32>} : memref<2x10x8x512xf32, #tpu.memory_space<vmem>>, vector<16xf32>,
        %swap3A_880 = arith.constant 0 : i32
        %swap3A_881 = arith.constant 6 : i32
        %swap3A_882 = arith.constant 7 : i32
        %swap3A_883 = arith.index_cast %swap3A_880 : i32 to index
        %swap3A_884 = arith.index_cast %swap3A_881 : i32 to index
        %swap3A_885 = arith.index_cast %swap3A_882 : i32 to index
        %swap3A_886 = arith.index_cast %mul3A_92 : i32 to index
        %swap3A_887 = tpu.vector_load %arg7[%swap3A_883, %swap3A_884, %swap3A_885, %swap3A_886] {strides = array<i32>} : memref<2x10x8x512xf32, #tpu.memory_space<vmem>>, vector<16xf32>,
        tpu.vector_store %arg7[%swap3A_883, %swap3A_884, %swap3A_885, %swap3A_886], %gather3A_748 {strides = array<i32>} : memref<2x10x8x512xf32, #tpu.memory_space<vmem>>, vector<16xf32>,
        %swap3A_888 = arith.constant 0 : i32
        %swap3A_889 = arith.constant 7 : i32
        %swap3A_890 = arith.constant 7 : i32
        %swap3A_891 = arith.index_cast %swap3A_888 : i32 to index
        %swap3A_892 = arith.index_cast %swap3A_889 : i32 to index
        %swap3A_893 = arith.index_cast %swap3A_890 : i32 to index
        %swap3A_894 = arith.index_cast %mul3A_92 : i32 to index
        %swap3A_895 = tpu.vector_load %arg7[%swap3A_891, %swap3A_892, %swap3A_893, %swap3A_894] {strides = array<i32>} : memref<2x10x8x512xf32, #tpu.memory_space<vmem>>, vector<16xf32>,
        tpu.vector_store %arg7[%swap3A_891, %swap3A_892, %swap3A_893, %swap3A_894], %gather3A_749 {strides = array<i32>} : memref<2x10x8x512xf32, #tpu.memory_space<vmem>>, vector<16xf32>,
        %swap3A_896 = arith.constant 0 : i32
        %swap3A_897 = arith.constant 8 : i32
        %swap3A_898 = arith.constant 7 : i32
        %swap3A_899 = arith.index_cast %swap3A_896 : i32 to index
        %swap3A_900 = arith.index_cast %swap3A_897 : i32 to index
        %swap3A_901 = arith.index_cast %swap3A_898 : i32 to index
        %swap3A_902 = arith.index_cast %mul3A_92 : i32 to index
        %swap3A_903 = tpu.vector_load %arg7[%swap3A_899, %swap3A_900, %swap3A_901, %swap3A_902] {strides = array<i32>} : memref<2x10x8x512xf32, #tpu.memory_space<vmem>>, vector<16xf32>,
        tpu.vector_store %arg7[%swap3A_899, %swap3A_900, %swap3A_901, %swap3A_902], %gather3A_750 {strides = array<i32>} : memref<2x10x8x512xf32, #tpu.memory_space<vmem>>, vector<16xf32>,
        %swap3A_904 = arith.constant 0 : i32
        %swap3A_905 = arith.constant 9 : i32
        %swap3A_906 = arith.constant 7 : i32
        %swap3A_907 = arith.index_cast %swap3A_904 : i32 to index
        %swap3A_908 = arith.index_cast %swap3A_905 : i32 to index
        %swap3A_909 = arith.index_cast %swap3A_906 : i32 to index
        %swap3A_910 = arith.index_cast %mul3A_92 : i32 to index
        %swap3A_911 = tpu.vector_load %arg7[%swap3A_907, %swap3A_908, %swap3A_909, %swap3A_910] {strides = array<i32>} : memref<2x10x8x512xf32, #tpu.memory_space<vmem>>, vector<16xf32>,
        tpu.vector_store %arg7[%swap3A_907, %swap3A_908, %swap3A_909, %swap3A_910], %gather3A_751 {strides = array<i32>} : memref<2x10x8x512xf32, #tpu.memory_space<vmem>>, vector<16xf32>,
        %gather3A_912 = tpu.vector_load_idx %arg5[%broadcast_in_dim3A_3, %get3A_151] : memref<10x100xf32, #tpu.memory_space<vmem>>[vector<16xi32>, vector<16xi32>], vector<16xf32>,
        %gather3A_913 = tpu.vector_load_idx %arg5[%broadcast_in_dim3A_5, %get3A_151] : memref<10x100xf32, #tpu.memory_space<vmem>>[vector<16xi32>, vector<16xi32>], vector<16xf32>,
        %gather3A_914 = tpu.vector_load_idx %arg5[%broadcast_in_dim3A_7, %get3A_151] : memref<10x100xf32, #tpu.memory_space<vmem>>[vector<16xi32>, vector<16xi32>], vector<16xf32>,
        %gather3A_915 = tpu.vector_load_idx %arg5[%broadcast_in_dim3A_9, %get3A_151] : memref<10x100xf32, #tpu.memory_space<vmem>>[vector<16xi32>, vector<16xi32>], vector<16xf32>,
        %gather3A_916 = tpu.vector_load_idx %arg5[%broadcast_in_dim3A_11, %get3A_151] : memref<10x100xf32, #tpu.memory_space<vmem>>[vector<16xi32>, vector<16xi32>], vector<16xf32>,
        %gather3A_917 = tpu.vector_load_idx %arg5[%broadcast_in_dim3A_13, %get3A_151] : memref<10x100xf32, #tpu.memory_space<vmem>>[vector<16xi32>, vector<16xi32>], vector<16xf32>,
        %gather3A_918 = tpu.vector_load_idx %arg5[%broadcast_in_dim3A_15, %get3A_151] : memref<10x100xf32, #tpu.memory_space<vmem>>[vector<16xi32>, vector<16xi32>], vector<16xf32>,
        %gather3A_919 = tpu.vector_load_idx %arg5[%broadcast_in_dim3A_17, %get3A_151] : memref<10x100xf32, #tpu.memory_space<vmem>>[vector<16xi32>, vector<16xi32>], vector<16xf32>,
        %gather3A_920 = tpu.vector_load_idx %arg5[%broadcast_in_dim3A_19, %get3A_151] : memref<10x100xf32, #tpu.memory_space<vmem>>[vector<16xi32>, vector<16xi32>], vector<16xf32>,
        %gather3A_921 = tpu.vector_load_idx %arg5[%broadcast_in_dim3A_21, %get3A_151] : memref<10x100xf32, #tpu.memory_space<vmem>>[vector<16xi32>, vector<16xi32>], vector<16xf32>,
        %gather3A_922 = tpu.vector_load_idx %arg5[%broadcast_in_dim3A_3, %get3A_157] : memref<10x100xf32, #tpu.memory_space<vmem>>[vector<16xi32>, vector<16xi32>], vector<16xf32>,
        %gather3A_923 = tpu.vector_load_idx %arg5[%broadcast_in_dim3A_5, %get3A_157] : memref<10x100xf32, #tpu.memory_space<vmem>>[vector<16xi32>, vector<16xi32>], vector<16xf32>,
        %gather3A_924 = tpu.vector_load_idx %arg5[%broadcast_in_dim3A_7, %get3A_157] : memref<10x100xf32, #tpu.memory_space<vmem>>[vector<16xi32>, vector<16xi32>], vector<16xf32>,
        %gather3A_925 = tpu.vector_load_idx %arg5[%broadcast_in_dim3A_9, %get3A_157] : memref<10x100xf32, #tpu.memory_space<vmem>>[vector<16xi32>, vector<16xi32>], vector<16xf32>,
        %gather3A_926 = tpu.vector_load_idx %arg5[%broadcast_in_dim3A_11, %get3A_157] : memref<10x100xf32, #tpu.memory_space<vmem>>[vector<16xi32>, vector<16xi32>], vector<16xf32>,
        %gather3A_927 = tpu.vector_load_idx %arg5[%broadcast_in_dim3A_13, %get3A_157] : memref<10x100xf32, #tpu.memory_space<vmem>>[vector<16xi32>, vector<16xi32>], vector<16xf32>,
        %gather3A_928 = tpu.vector_load_idx %arg5[%broadcast_in_dim3A_15, %get3A_157] : memref<10x100xf32, #tpu.memory_space<vmem>>[vector<16xi32>, vector<16xi32>], vector<16xf32>,
        %gather3A_929 = tpu.vector_load_idx %arg5[%broadcast_in_dim3A_17, %get3A_157] : memref<10x100xf32, #tpu.memory_space<vmem>>[vector<16xi32>, vector<16xi32>], vector<16xf32>,
        %gather3A_930 = tpu.vector_load_idx %arg5[%broadcast_in_dim3A_19, %get3A_157] : memref<10x100xf32, #tpu.memory_space<vmem>>[vector<16xi32>, vector<16xi32>], vector<16xf32>,
        %gather3A_931 = tpu.vector_load_idx %arg5[%broadcast_in_dim3A_21, %get3A_157] : memref<10x100xf32, #tpu.memory_space<vmem>>[vector<16xi32>, vector<16xi32>], vector<16xf32>,
        %swap3A_932 = arith.constant 0 : i32
        %swap3A_933 = arith.constant 0 : i32
        %swap3A_934 = arith.constant 0 : i32
        %swap3A_935 = arith.index_cast %swap3A_932 : i32 to index
        %swap3A_936 = arith.index_cast %swap3A_933 : i32 to index
        %swap3A_937 = arith.index_cast %swap3A_934 : i32 to index
        %swap3A_938 = arith.index_cast %mul3A_98 : i32 to index
        %swap3A_939 = tpu.vector_load %arg7[%swap3A_935, %swap3A_936, %swap3A_937, %swap3A_938] {strides = array<i32>} : memref<2x10x8x512xf32, #tpu.memory_space<vmem>>, vector<16xf32>,
        tpu.vector_store %arg7[%swap3A_935, %swap3A_936, %swap3A_937, %swap3A_938], %gather3A_912 {strides = array<i32>} : memref<2x10x8x512xf32, #tpu.memory_space<vmem>>, vector<16xf32>,
        %swap3A_940 = arith.constant 0 : i32
        %swap3A_941 = arith.constant 1 : i32
        %swap3A_942 = arith.constant 0 : i32
        %swap3A_943 = arith.index_cast %swap3A_940 : i32 to index
        %swap3A_944 = arith.index_cast %swap3A_941 : i32 to index
        %swap3A_945 = arith.index_cast %swap3A_942 : i32 to index
        %swap3A_946 = arith.index_cast %mul3A_98 : i32 to index
        %swap3A_947 = tpu.vector_load %arg7[%swap3A_943, %swap3A_944, %swap3A_945, %swap3A_946] {strides = array<i32>} : memref<2x10x8x512xf32, #tpu.memory_space<vmem>>, vector<16xf32>,
        tpu.vector_store %arg7[%swap3A_943, %swap3A_944, %swap3A_945, %swap3A_946], %gather3A_913 {strides = array<i32>} : memref<2x10x8x512xf32, #tpu.memory_space<vmem>>, vector<16xf32>,
        %swap3A_948 = arith.constant 0 : i32
        %swap3A_949 = arith.constant 2 : i32
        %swap3A_950 = arith.constant 0 : i32
        %swap3A_951 = arith.index_cast %swap3A_948 : i32 to index
        %swap3A_952 = arith.index_cast %swap3A_949 : i32 to index
        %swap3A_953 = arith.index_cast %swap3A_950 : i32 to index
        %swap3A_954 = arith.index_cast %mul3A_98 : i32 to index
        %swap3A_955 = tpu.vector_load %arg7[%swap3A_951, %swap3A_952, %swap3A_953, %swap3A_954] {strides = array<i32>} : memref<2x10x8x512xf32, #tpu.memory_space<vmem>>, vector<16xf32>,
        tpu.vector_store %arg7[%swap3A_951, %swap3A_952, %swap3A_953, %swap3A_954], %gather3A_914 {strides = array<i32>} : memref<2x10x8x512xf32, #tpu.memory_space<vmem>>, vector<16xf32>,
        %swap3A_956 = arith.constant 0 : i32
        %swap3A_957 = arith.constant 3 : i32
        %swap3A_958 = arith.constant 0 : i32
        %swap3A_959 = arith.index_cast %swap3A_956 : i32 to index
        %swap3A_960 = arith.index_cast %swap3A_957 : i32 to index
        %swap3A_961 = arith.index_cast %swap3A_958 : i32 to index
        %swap3A_962 = arith.index_cast %mul3A_98 : i32 to index
        %swap3A_963 = tpu.vector_load %arg7[%swap3A_959, %swap3A_960, %swap3A_961, %swap3A_962] {strides = array<i32>} : memref<2x10x8x512xf32, #tpu.memory_space<vmem>>, vector<16xf32>,
        tpu.vector_store %arg7[%swap3A_959, %swap3A_960, %swap3A_961, %swap3A_962], %gather3A_915 {strides = array<i32>} : memref<2x10x8x512xf32, #tpu.memory_space<vmem>>, vector<16xf32>,
        %swap3A_964 = arith.constant 0 : i32
        %swap3A_965 = arith.constant 4 : i32
        %swap3A_966 = arith.constant 0 : i32
        %swap3A_967 = arith.index_cast %swap3A_964 : i32 to index
        %swap3A_968 = arith.index_cast %swap3A_965 : i32 to index
        %swap3A_969 = arith.index_cast %swap3A_966 : i32 to index
        %swap3A_970 = arith.index_cast %mul3A_98 : i32 to index
        %swap3A_971 = tpu.vector_load %arg7[%swap3A_967, %swap3A_968, %swap3A_969, %swap3A_970] {strides = array<i32>} : memref<2x10x8x512xf32, #tpu.memory_space<vmem>>, vector<16xf32>,
        tpu.vector_store %arg7[%swap3A_967, %swap3A_968, %swap3A_969, %swap3A_970], %gather3A_916 {strides = array<i32>} : memref<2x10x8x512xf32, #tpu.memory_space<vmem>>, vector<16xf32>,
        %swap3A_972 = arith.constant 0 : i32
        %swap3A_973 = arith.constant 5 : i32
        %swap3A_974 = arith.constant 0 : i32
        %swap3A_975 = arith.index_cast %swap3A_972 : i32 to index
        %swap3A_976 = arith.index_cast %swap3A_973 : i32 to index
        %swap3A_977 = arith.index_cast %swap3A_974 : i32 to index
        %swap3A_978 = arith.index_cast %mul3A_98 : i32 to index
        %swap3A_979 = tpu.vector_load %arg7[%swap3A_975, %swap3A_976, %swap3A_977, %swap3A_978] {strides = array<i32>} : memref<2x10x8x512xf32, #tpu.memory_space<vmem>>, vector<16xf32>,
        tpu.vector_store %arg7[%swap3A_975, %swap3A_976, %swap3A_977, %swap3A_978], %gather3A_917 {strides = array<i32>} : memref<2x10x8x512xf32, #tpu.memory_space<vmem>>, vector<16xf32>,
        %swap3A_980 = arith.constant 0 : i32
        %swap3A_981 = arith.constant 6 : i32
        %swap3A_982 = arith.constant 0 : i32
        %swap3A_983 = arith.index_cast %swap3A_980 : i32 to index
        %swap3A_984 = arith.index_cast %swap3A_981 : i32 to index
        %swap3A_985 = arith.index_cast %swap3A_982 : i32 to index
        %swap3A_986 = arith.index_cast %mul3A_98 : i32 to index
        %swap3A_987 = tpu.vector_load %arg7[%swap3A_983, %swap3A_984, %swap3A_985, %swap3A_986] {strides = array<i32>} : memref<2x10x8x512xf32, #tpu.memory_space<vmem>>, vector<16xf32>,
        tpu.vector_store %arg7[%swap3A_983, %swap3A_984, %swap3A_985, %swap3A_986], %gather3A_918 {strides = array<i32>} : memref<2x10x8x512xf32, #tpu.memory_space<vmem>>, vector<16xf32>,
        %swap3A_988 = arith.constant 0 : i32
        %swap3A_989 = arith.constant 7 : i32
        %swap3A_990 = arith.constant 0 : i32
        %swap3A_991 = arith.index_cast %swap3A_988 : i32 to index
        %swap3A_992 = arith.index_cast %swap3A_989 : i32 to index
        %swap3A_993 = arith.index_cast %swap3A_990 : i32 to index
        %swap3A_994 = arith.index_cast %mul3A_98 : i32 to index
        %swap3A_995 = tpu.vector_load %arg7[%swap3A_991, %swap3A_992, %swap3A_993, %swap3A_994] {strides = array<i32>} : memref<2x10x8x512xf32, #tpu.memory_space<vmem>>, vector<16xf32>,
        tpu.vector_store %arg7[%swap3A_991, %swap3A_992, %swap3A_993, %swap3A_994], %gather3A_919 {strides = array<i32>} : memref<2x10x8x512xf32, #tpu.memory_space<vmem>>, vector<16xf32>,
        %swap3A_996 = arith.constant 0 : i32
        %swap3A_997 = arith.constant 8 : i32
        %swap3A_998 = arith.constant 0 : i32
        %swap3A_999 = arith.index_cast %swap3A_996 : i32 to index
        %swap3A_1000 = arith.index_cast %swap3A_997 : i32 to index
        %swap3A_1001 = arith.index_cast %swap3A_998 : i32 to index
        %swap3A_1002 = arith.index_cast %mul3A_98 : i32 to index
        %swap3A_1003 = tpu.vector_load %arg7[%swap3A_999, %swap3A_1000, %swap3A_1001, %swap3A_1002] {strides = array<i32>} : memref<2x10x8x512xf32, #tpu.memory_space<vmem>>, vector<16xf32>,
        tpu.vector_store %arg7[%swap3A_999, %swap3A_1000, %swap3A_1001, %swap3A_1002], %gather3A_920 {strides = array<i32>} : memref<2x10x8x512xf32, #tpu.memory_space<vmem>>, vector<16xf32>,
        %swap3A_1004 = arith.constant 0 : i32
        %swap3A_1005 = arith.constant 9 : i32
        %swap3A_1006 = arith.constant 0 : i32
        %swap3A_1007 = arith.index_cast %swap3A_1004 : i32 to index
        %swap3A_1008 = arith.index_cast %swap3A_1005 : i32 to index
        %swap3A_1009 = arith.index_cast %swap3A_1006 : i32 to index
        %swap3A_1010 = arith.index_cast %mul3A_98 : i32 to index
        %swap3A_1011 = tpu.vector_load %arg7[%swap3A_1007, %swap3A_1008, %swap3A_1009, %swap3A_1010] {strides = array<i32>} : memref<2x10x8x512xf32, #tpu.memory_space<vmem>>, vector<16xf32>,
        tpu.vector_store %arg7[%swap3A_1007, %swap3A_1008, %swap3A_1009, %swap3A_1010], %gather3A_921 {strides = array<i32>} : memref<2x10x8x512xf32, #tpu.memory_space<vmem>>, vector<16xf32>,
        %swap3A_1012 = arith.constant 0 : i32
        %swap3A_1013 = arith.constant 0 : i32
        %swap3A_1014 = arith.constant 1 : i32
        %swap3A_1015 = arith.index_cast %swap3A_1012 : i32 to index
        %swap3A_1016 = arith.index_cast %swap3A_1013 : i32 to index
        %swap3A_1017 = arith.index_cast %swap3A_1014 : i32 to index
        %swap3A_1018 = arith.index_cast %mul3A_98 : i32 to index
        %swap3A_1019 = tpu.vector_load %arg7[%swap3A_1015, %swap3A_1016, %swap3A_1017, %swap3A_1018] {strides = array<i32>} : memref<2x10x8x512xf32, #tpu.memory_space<vmem>>, vector<16xf32>,
        tpu.vector_store %arg7[%swap3A_1015, %swap3A_1016, %swap3A_1017, %swap3A_1018], %gather3A_922 {strides = array<i32>} : memref<2x10x8x512xf32, #tpu.memory_space<vmem>>, vector<16xf32>,
        %swap3A_1020 = arith.constant 0 : i32
        %swap3A_1021 = arith.constant 1 : i32
        %swap3A_1022 = arith.constant 1 : i32
        %swap3A_1023 = arith.index_cast %swap3A_1020 : i32 to index
        %swap3A_1024 = arith.index_cast %swap3A_1021 : i32 to index
        %swap3A_1025 = arith.index_cast %swap3A_1022 : i32 to index
        %swap3A_1026 = arith.index_cast %mul3A_98 : i32 to index
        %swap3A_1027 = tpu.vector_load %arg7[%swap3A_1023, %swap3A_1024, %swap3A_1025, %swap3A_1026] {strides = array<i32>} : memref<2x10x8x512xf32, #tpu.memory_space<vmem>>, vector<16xf32>,
        tpu.vector_store %arg7[%swap3A_1023, %swap3A_1024, %swap3A_1025, %swap3A_1026], %gather3A_923 {strides = array<i32>} : memref<2x10x8x512xf32, #tpu.memory_space<vmem>>, vector<16xf32>,
        %swap3A_1028 = arith.constant 0 : i32
        %swap3A_1029 = arith.constant 2 : i32
        %swap3A_1030 = arith.constant 1 : i32
        %swap3A_1031 = arith.index_cast %swap3A_1028 : i32 to index
        %swap3A_1032 = arith.index_cast %swap3A_1029 : i32 to index
        %swap3A_1033 = arith.index_cast %swap3A_1030 : i32 to index
        %swap3A_1034 = arith.index_cast %mul3A_98 : i32 to index
        %swap3A_1035 = tpu.vector_load %arg7[%swap3A_1031, %swap3A_1032, %swap3A_1033, %swap3A_1034] {strides = array<i32>} : memref<2x10x8x512xf32, #tpu.memory_space<vmem>>, vector<16xf32>,
        tpu.vector_store %arg7[%swap3A_1031, %swap3A_1032, %swap3A_1033, %swap3A_1034], %gather3A_924 {strides = array<i32>} : memref<2x10x8x512xf32, #tpu.memory_space<vmem>>, vector<16xf32>,
        %swap3A_1036 = arith.constant 0 : i32
        %swap3A_1037 = arith.constant 3 : i32
        %swap3A_1038 = arith.constant 1 : i32
        %swap3A_1039 = arith.index_cast %swap3A_1036 : i32 to index
        %swap3A_1040 = arith.index_cast %swap3A_1037 : i32 to index
        %swap3A_1041 = arith.index_cast %swap3A_1038 : i32 to index
        %swap3A_1042 = arith.index_cast %mul3A_98 : i32 to index
        %swap3A_1043 = tpu.vector_load %arg7[%swap3A_1039, %swap3A_1040, %swap3A_1041, %swap3A_1042] {strides = array<i32>} : memref<2x10x8x512xf32, #tpu.memory_space<vmem>>, vector<16xf32>,
        tpu.vector_store %arg7[%swap3A_1039, %swap3A_1040, %swap3A_1041, %swap3A_1042], %gather3A_925 {strides = array<i32>} : memref<2x10x8x512xf32, #tpu.memory_space<vmem>>, vector<16xf32>,
        %swap3A_1044 = arith.constant 0 : i32
        %swap3A_1045 = arith.constant 4 : i32
        %swap3A_1046 = arith.constant 1 : i32
        %swap3A_1047 = arith.index_cast %swap3A_1044 : i32 to index
        %swap3A_1048 = arith.index_cast %swap3A_1045 : i32 to index
        %swap3A_1049 = arith.index_cast %swap3A_1046 : i32 to index
        %swap3A_1050 = arith.index_cast %mul3A_98 : i32 to index
        %swap3A_1051 = tpu.vector_load %arg7[%swap3A_1047, %swap3A_1048, %swap3A_1049, %swap3A_1050] {strides = array<i32>} : memref<2x10x8x512xf32, #tpu.memory_space<vmem>>, vector<16xf32>,
        tpu.vector_store %arg7[%swap3A_1047, %swap3A_1048, %swap3A_1049, %swap3A_1050], %gather3A_926 {strides = array<i32>} : memref<2x10x8x512xf32, #tpu.memory_space<vmem>>, vector<16xf32>,
        %swap3A_1052 = arith.constant 0 : i32
        %swap3A_1053 = arith.constant 5 : i32
        %swap3A_1054 = arith.constant 1 : i32
        %swap3A_1055 = arith.index_cast %swap3A_1052 : i32 to index
        %swap3A_1056 = arith.index_cast %swap3A_1053 : i32 to index
        %swap3A_1057 = arith.index_cast %swap3A_1054 : i32 to index
        %swap3A_1058 = arith.index_cast %mul3A_98 : i32 to index
        %swap3A_1059 = tpu.vector_load %arg7[%swap3A_1055, %swap3A_1056, %swap3A_1057, %swap3A_1058] {strides = array<i32>} : memref<2x10x8x512xf32, #tpu.memory_space<vmem>>, vector<16xf32>,
        tpu.vector_store %arg7[%swap3A_1055, %swap3A_1056, %swap3A_1057, %swap3A_1058], %gather3A_927 {strides = array<i32>} : memref<2x10x8x512xf32, #tpu.memory_space<vmem>>, vector<16xf32>,
        %swap3A_1060 = arith.constant 0 : i32
        %swap3A_1061 = arith.constant 6 : i32
        %swap3A_1062 = arith.constant 1 : i32
        %swap3A_1063 = arith.index_cast %swap3A_1060 : i32 to index
        %swap3A_1064 = arith.index_cast %swap3A_1061 : i32 to index
        %swap3A_1065 = arith.index_cast %swap3A_1062 : i32 to index
        %swap3A_1066 = arith.index_cast %mul3A_98 : i32 to index
        %swap3A_1067 = tpu.vector_load %arg7[%swap3A_1063, %swap3A_1064, %swap3A_1065, %swap3A_1066] {strides = array<i32>} : memref<2x10x8x512xf32, #tpu.memory_space<vmem>>, vector<16xf32>,
        tpu.vector_store %arg7[%swap3A_1063, %swap3A_1064, %swap3A_1065, %swap3A_1066], %gather3A_928 {strides = array<i32>} : memref<2x10x8x512xf32, #tpu.memory_space<vmem>>, vector<16xf32>,
        %swap3A_1068 = arith.constant 0 : i32
        %swap3A_1069 = arith.constant 7 : i32
        %swap3A_1070 = arith.constant 1 : i32
        %swap3A_1071 = arith.index_cast %swap3A_1068 : i32 to index
        %swap3A_1072 = arith.index_cast %swap3A_1069 : i32 to index
        %swap3A_1073 = arith.index_cast %swap3A_1070 : i32 to index
        %swap3A_1074 = arith.index_cast %mul3A_98 : i32 to index
        %swap3A_1075 = tpu.vector_load %arg7[%swap3A_1071, %swap3A_1072, %swap3A_1073, %swap3A_1074] {strides = array<i32>} : memref<2x10x8x512xf32, #tpu.memory_space<vmem>>, vector<16xf32>,
        tpu.vector_store %arg7[%swap3A_1071, %swap3A_1072, %swap3A_1073, %swap3A_1074], %gather3A_929 {strides = array<i32>} : memref<2x10x8x512xf32, #tpu.memory_space<vmem>>, vector<16xf32>,
        %swap3A_1076 = arith.constant 0 : i32
        %swap3A_1077 = arith.constant 8 : i32
        %swap3A_1078 = arith.constant 1 : i32
        %swap3A_1079 = arith.index_cast %swap3A_1076 : i32 to index
        %swap3A_1080 = arith.index_cast %swap3A_1077 : i32 to index
        %swap3A_1081 = arith.index_cast %swap3A_1078 : i32 to index
        %swap3A_1082 = arith.index_cast %mul3A_98 : i32 to index
        %swap3A_1083 = tpu.vector_load %arg7[%swap3A_1079, %swap3A_1080, %swap3A_1081, %swap3A_1082] {strides = array<i32>} : memref<2x10x8x512xf32, #tpu.memory_space<vmem>>, vector<16xf32>,
        tpu.vector_store %arg7[%swap3A_1079, %swap3A_1080, %swap3A_1081, %swap3A_1082], %gather3A_930 {strides = array<i32>} : memref<2x10x8x512xf32, #tpu.memory_space<vmem>>, vector<16xf32>,
        %swap3A_1084 = arith.constant 0 : i32
        %swap3A_1085 = arith.constant 9 : i32
        %swap3A_1086 = arith.constant 1 : i32
        %swap3A_1087 = arith.index_cast %swap3A_1084 : i32 to index
        %swap3A_1088 = arith.index_cast %swap3A_1085 : i32 to index
        %swap3A_1089 = arith.index_cast %swap3A_1086 : i32 to index
        %swap3A_1090 = arith.index_cast %mul3A_98 : i32 to index
        %swap3A_1091 = tpu.vector_load %arg7[%swap3A_1087, %swap3A_1088, %swap3A_1089, %swap3A_1090] {strides = array<i32>} : memref<2x10x8x512xf32, #tpu.memory_space<vmem>>, vector<16xf32>,
        tpu.vector_store %arg7[%swap3A_1087, %swap3A_1088, %swap3A_1089, %swap3A_1090], %gather3A_931 {strides = array<i32>} : memref<2x10x8x512xf32, #tpu.memory_space<vmem>>, vector<16xf32>,
        %gather3A_1092 = tpu.vector_load_idx %arg5[%broadcast_in_dim3A_3, %get3A_163] : memref<10x100xf32, #tpu.memory_space<vmem>>[vector<16xi32>, vector<16xi32>], vector<16xf32>,
        %gather3A_1093 = tpu.vector_load_idx %arg5[%broadcast_in_dim3A_5, %get3A_163] : memref<10x100xf32, #tpu.memory_space<vmem>>[vector<16xi32>, vector<16xi32>], vector<16xf32>,
        %gather3A_1094 = tpu.vector_load_idx %arg5[%broadcast_in_dim3A_7, %get3A_163] : memref<10x100xf32, #tpu.memory_space<vmem>>[vector<16xi32>, vector<16xi32>], vector<16xf32>,
        %gather3A_1095 = tpu.vector_load_idx %arg5[%broadcast_in_dim3A_9, %get3A_163] : memref<10x100xf32, #tpu.memory_space<vmem>>[vector<16xi32>, vector<16xi32>], vector<16xf32>,
        %gather3A_1096 = tpu.vector_load_idx %arg5[%broadcast_in_dim3A_11, %get3A_163] : memref<10x100xf32, #tpu.memory_space<vmem>>[vector<16xi32>, vector<16xi32>], vector<16xf32>,
        %gather3A_1097 = tpu.vector_load_idx %arg5[%broadcast_in_dim3A_13, %get3A_163] : memref<10x100xf32, #tpu.memory_space<vmem>>[vector<16xi32>, vector<16xi32>], vector<16xf32>,
        %gather3A_1098 = tpu.vector_load_idx %arg5[%broadcast_in_dim3A_15, %get3A_163] : memref<10x100xf32, #tpu.memory_space<vmem>>[vector<16xi32>, vector<16xi32>], vector<16xf32>,
        %gather3A_1099 = tpu.vector_load_idx %arg5[%broadcast_in_dim3A_17, %get3A_163] : memref<10x100xf32, #tpu.memory_space<vmem>>[vector<16xi32>, vector<16xi32>], vector<16xf32>,
        %gather3A_1100 = tpu.vector_load_idx %arg5[%broadcast_in_dim3A_19, %get3A_163] : memref<10x100xf32, #tpu.memory_space<vmem>>[vector<16xi32>, vector<16xi32>], vector<16xf32>,
        %gather3A_1101 = tpu.vector_load_idx %arg5[%broadcast_in_dim3A_21, %get3A_163] : memref<10x100xf32, #tpu.memory_space<vmem>>[vector<16xi32>, vector<16xi32>], vector<16xf32>,
        %gather3A_1102 = tpu.vector_load_idx %arg5[%broadcast_in_dim3A_3, %get3A_169] : memref<10x100xf32, #tpu.memory_space<vmem>>[vector<16xi32>, vector<16xi32>], vector<16xf32>,
        %gather3A_1103 = tpu.vector_load_idx %arg5[%broadcast_in_dim3A_5, %get3A_169] : memref<10x100xf32, #tpu.memory_space<vmem>>[vector<16xi32>, vector<16xi32>], vector<16xf32>,
        %gather3A_1104 = tpu.vector_load_idx %arg5[%broadcast_in_dim3A_7, %get3A_169] : memref<10x100xf32, #tpu.memory_space<vmem>>[vector<16xi32>, vector<16xi32>], vector<16xf32>,
        %gather3A_1105 = tpu.vector_load_idx %arg5[%broadcast_in_dim3A_9, %get3A_169] : memref<10x100xf32, #tpu.memory_space<vmem>>[vector<16xi32>, vector<16xi32>], vector<16xf32>,
        %gather3A_1106 = tpu.vector_load_idx %arg5[%broadcast_in_dim3A_11, %get3A_169] : memref<10x100xf32, #tpu.memory_space<vmem>>[vector<16xi32>, vector<16xi32>], vector<16xf32>,
        %gather3A_1107 = tpu.vector_load_idx %arg5[%broadcast_in_dim3A_13, %get3A_169] : memref<10x100xf32, #tpu.memory_space<vmem>>[vector<16xi32>, vector<16xi32>], vector<16xf32>,
        %gather3A_1108 = tpu.vector_load_idx %arg5[%broadcast_in_dim3A_15, %get3A_169] : memref<10x100xf32, #tpu.memory_space<vmem>>[vector<16xi32>, vector<16xi32>], vector<16xf32>,
        %gather3A_1109 = tpu.vector_load_idx %arg5[%broadcast_in_dim3A_17, %get3A_169] : memref<10x100xf32, #tpu.memory_space<vmem>>[vector<16xi32>, vector<16xi32>], vector<16xf32>,
        %gather3A_1110 = tpu.vector_load_idx %arg5[%broadcast_in_dim3A_19, %get3A_169] : memref<10x100xf32, #tpu.memory_space<vmem>>[vector<16xi32>, vector<16xi32>], vector<16xf32>,
        %gather3A_1111 = tpu.vector_load_idx %arg5[%broadcast_in_dim3A_21, %get3A_169] : memref<10x100xf32, #tpu.memory_space<vmem>>[vector<16xi32>, vector<16xi32>], vector<16xf32>,
        %swap3A_1112 = arith.constant 0 : i32
        %swap3A_1113 = arith.constant 0 : i32
        %swap3A_1114 = arith.constant 2 : i32
        %swap3A_1115 = arith.index_cast %swap3A_1112 : i32 to index
        %swap3A_1116 = arith.index_cast %swap3A_1113 : i32 to index
        %swap3A_1117 = arith.index_cast %swap3A_1114 : i32 to index
        %swap3A_1118 = arith.index_cast %mul3A_98 : i32 to index
        %swap3A_1119 = tpu.vector_load %arg7[%swap3A_1115, %swap3A_1116, %swap3A_1117, %swap3A_1118] {strides = array<i32>} : memref<2x10x8x512xf32, #tpu.memory_space<vmem>>, vector<16xf32>,
        tpu.vector_store %arg7[%swap3A_1115, %swap3A_1116, %swap3A_1117, %swap3A_1118], %gather3A_1092 {strides = array<i32>} : memref<2x10x8x512xf32, #tpu.memory_space<vmem>>, vector<16xf32>,
        %swap3A_1120 = arith.constant 0 : i32
        %swap3A_1121 = arith.constant 1 : i32
        %swap3A_1122 = arith.constant 2 : i32
        %swap3A_1123 = arith.index_cast %swap3A_1120 : i32 to index
        %swap3A_1124 = arith.index_cast %swap3A_1121 : i32 to index
        %swap3A_1125 = arith.index_cast %swap3A_1122 : i32 to index
        %swap3A_1126 = arith.index_cast %mul3A_98 : i32 to index
        %swap3A_1127 = tpu.vector_load %arg7[%swap3A_1123, %swap3A_1124, %swap3A_1125, %swap3A_1126] {strides = array<i32>} : memref<2x10x8x512xf32, #tpu.memory_space<vmem>>, vector<16xf32>,
        tpu.vector_store %arg7[%swap3A_1123, %swap3A_1124, %swap3A_1125, %swap3A_1126], %gather3A_1093 {strides = array<i32>} : memref<2x10x8x512xf32, #tpu.memory_space<vmem>>, vector<16xf32>,
        %swap3A_1128 = arith.constant 0 : i32
        %swap3A_1129 = arith.constant 2 : i32
        %swap3A_1130 = arith.constant 2 : i32
        %swap3A_1131 = arith.index_cast %swap3A_1128 : i32 to index
        %swap3A_1132 = arith.index_cast %swap3A_1129 : i32 to index
        %swap3A_1133 = arith.index_cast %swap3A_1130 : i32 to index
        %swap3A_1134 = arith.index_cast %mul3A_98 : i32 to index
        %swap3A_1135 = tpu.vector_load %arg7[%swap3A_1131, %swap3A_1132, %swap3A_1133, %swap3A_1134] {strides = array<i32>} : memref<2x10x8x512xf32, #tpu.memory_space<vmem>>, vector<16xf32>,
        tpu.vector_store %arg7[%swap3A_1131, %swap3A_1132, %swap3A_1133, %swap3A_1134], %gather3A_1094 {strides = array<i32>} : memref<2x10x8x512xf32, #tpu.memory_space<vmem>>, vector<16xf32>,
        %swap3A_1136 = arith.constant 0 : i32
        %swap3A_1137 = arith.constant 3 : i32
        %swap3A_1138 = arith.constant 2 : i32
        %swap3A_1139 = arith.index_cast %swap3A_1136 : i32 to index
        %swap3A_1140 = arith.index_cast %swap3A_1137 : i32 to index
        %swap3A_1141 = arith.index_cast %swap3A_1138 : i32 to index
        %swap3A_1142 = arith.index_cast %mul3A_98 : i32 to index
        %swap3A_1143 = tpu.vector_load %arg7[%swap3A_1139, %swap3A_1140, %swap3A_1141, %swap3A_1142] {strides = array<i32>} : memref<2x10x8x512xf32, #tpu.memory_space<vmem>>, vector<16xf32>,
        tpu.vector_store %arg7[%swap3A_1139, %swap3A_1140, %swap3A_1141, %swap3A_1142], %gather3A_1095 {strides = array<i32>} : memref<2x10x8x512xf32, #tpu.memory_space<vmem>>, vector<16xf32>,
        %swap3A_1144 = arith.constant 0 : i32
        %swap3A_1145 = arith.constant 4 : i32
        %swap3A_1146 = arith.constant 2 : i32
        %swap3A_1147 = arith.index_cast %swap3A_1144 : i32 to index
        %swap3A_1148 = arith.index_cast %swap3A_1145 : i32 to index
        %swap3A_1149 = arith.index_cast %swap3A_1146 : i32 to index
        %swap3A_1150 = arith.index_cast %mul3A_98 : i32 to index
        %swap3A_1151 = tpu.vector_load %arg7[%swap3A_1147, %swap3A_1148, %swap3A_1149, %swap3A_1150] {strides = array<i32>} : memref<2x10x8x512xf32, #tpu.memory_space<vmem>>, vector<16xf32>,
        tpu.vector_store %arg7[%swap3A_1147, %swap3A_1148, %swap3A_1149, %swap3A_1150], %gather3A_1096 {strides = array<i32>} : memref<2x10x8x512xf32, #tpu.memory_space<vmem>>, vector<16xf32>,
        %swap3A_1152 = arith.constant 0 : i32
        %swap3A_1153 = arith.constant 5 : i32
        %swap3A_1154 = arith.constant 2 : i32
        %swap3A_1155 = arith.index_cast %swap3A_1152 : i32 to index
        %swap3A_1156 = arith.index_cast %swap3A_1153 : i32 to index
        %swap3A_1157 = arith.index_cast %swap3A_1154 : i32 to index
        %swap3A_1158 = arith.index_cast %mul3A_98 : i32 to index
        %swap3A_1159 = tpu.vector_load %arg7[%swap3A_1155, %swap3A_1156, %swap3A_1157, %swap3A_1158] {strides = array<i32>} : memref<2x10x8x512xf32, #tpu.memory_space<vmem>>, vector<16xf32>,
        tpu.vector_store %arg7[%swap3A_1155, %swap3A_1156, %swap3A_1157, %swap3A_1158], %gather3A_1097 {strides = array<i32>} : memref<2x10x8x512xf32, #tpu.memory_space<vmem>>, vector<16xf32>,
        %swap3A_1160 = arith.constant 0 : i32
        %swap3A_1161 = arith.constant 6 : i32
        %swap3A_1162 = arith.constant 2 : i32
        %swap3A_1163 = arith.index_cast %swap3A_1160 : i32 to index
        %swap3A_1164 = arith.index_cast %swap3A_1161 : i32 to index
        %swap3A_1165 = arith.index_cast %swap3A_1162 : i32 to index
        %swap3A_1166 = arith.index_cast %mul3A_98 : i32 to index
        %swap3A_1167 = tpu.vector_load %arg7[%swap3A_1163, %swap3A_1164, %swap3A_1165, %swap3A_1166] {strides = array<i32>} : memref<2x10x8x512xf32, #tpu.memory_space<vmem>>, vector<16xf32>,
        tpu.vector_store %arg7[%swap3A_1163, %swap3A_1164, %swap3A_1165, %swap3A_1166], %gather3A_1098 {strides = array<i32>} : memref<2x10x8x512xf32, #tpu.memory_space<vmem>>, vector<16xf32>,
        %swap3A_1168 = arith.constant 0 : i32
        %swap3A_1169 = arith.constant 7 : i32
        %swap3A_1170 = arith.constant 2 : i32
        %swap3A_1171 = arith.index_cast %swap3A_1168 : i32 to index
        %swap3A_1172 = arith.index_cast %swap3A_1169 : i32 to index
        %swap3A_1173 = arith.index_cast %swap3A_1170 : i32 to index
        %swap3A_1174 = arith.index_cast %mul3A_98 : i32 to index
        %swap3A_1175 = tpu.vector_load %arg7[%swap3A_1171, %swap3A_1172, %swap3A_1173, %swap3A_1174] {strides = array<i32>} : memref<2x10x8x512xf32, #tpu.memory_space<vmem>>, vector<16xf32>,
        tpu.vector_store %arg7[%swap3A_1171, %swap3A_1172, %swap3A_1173, %swap3A_1174], %gather3A_1099 {strides = array<i32>} : memref<2x10x8x512xf32, #tpu.memory_space<vmem>>, vector<16xf32>,
        %swap3A_1176 = arith.constant 0 : i32
        %swap3A_1177 = arith.constant 8 : i32
        %swap3A_1178 = arith.constant 2 : i32
        %swap3A_1179 = arith.index_cast %swap3A_1176 : i32 to index
        %swap3A_1180 = arith.index_cast %swap3A_1177 : i32 to index
        %swap3A_1181 = arith.index_cast %swap3A_1178 : i32 to index
        %swap3A_1182 = arith.index_cast %mul3A_98 : i32 to index
        %swap3A_1183 = tpu.vector_load %arg7[%swap3A_1179, %swap3A_1180, %swap3A_1181, %swap3A_1182] {strides = array<i32>} : memref<2x10x8x512xf32, #tpu.memory_space<vmem>>, vector<16xf32>,
        tpu.vector_store %arg7[%swap3A_1179, %swap3A_1180, %swap3A_1181, %swap3A_1182], %gather3A_1100 {strides = array<i32>} : memref<2x10x8x512xf32, #tpu.memory_space<vmem>>, vector<16xf32>,
        %swap3A_1184 = arith.constant 0 : i32
        %swap3A_1185 = arith.constant 9 : i32
        %swap3A_1186 = arith.constant 2 : i32
        %swap3A_1187 = arith.index_cast %swap3A_1184 : i32 to index
        %swap3A_1188 = arith.index_cast %swap3A_1185 : i32 to index
        %swap3A_1189 = arith.index_cast %swap3A_1186 : i32 to index
        %swap3A_1190 = arith.index_cast %mul3A_98 : i32 to index
        %swap3A_1191 = tpu.vector_load %arg7[%swap3A_1187, %swap3A_1188, %swap3A_1189, %swap3A_1190] {strides = array<i32>} : memref<2x10x8x512xf32, #tpu.memory_space<vmem>>, vector<16xf32>,
        tpu.vector_store %arg7[%swap3A_1187, %swap3A_1188, %swap3A_1189, %swap3A_1190], %gather3A_1101 {strides = array<i32>} : memref<2x10x8x512xf32, #tpu.memory_space<vmem>>, vector<16xf32>,
        %swap3A_1192 = arith.constant 0 : i32
        %swap3A_1193 = arith.constant 0 : i32
        %swap3A_1194 = arith.constant 3 : i32
        %swap3A_1195 = arith.index_cast %swap3A_1192 : i32 to index
        %swap3A_1196 = arith.index_cast %swap3A_1193 : i32 to index
        %swap3A_1197 = arith.index_cast %swap3A_1194 : i32 to index
        %swap3A_1198 = arith.index_cast %mul3A_98 : i32 to index
        %swap3A_1199 = tpu.vector_load %arg7[%swap3A_1195, %swap3A_1196, %swap3A_1197, %swap3A_1198] {strides = array<i32>} : memref<2x10x8x512xf32, #tpu.memory_space<vmem>>, vector<16xf32>,
        tpu.vector_store %arg7[%swap3A_1195, %swap3A_1196, %swap3A_1197, %swap3A_1198], %gather3A_1102 {strides = array<i32>} : memref<2x10x8x512xf32, #tpu.memory_space<vmem>>, vector<16xf32>,
        %swap3A_1200 = arith.constant 0 : i32
        %swap3A_1201 = arith.constant 1 : i32
        %swap3A_1202 = arith.constant 3 : i32
        %swap3A_1203 = arith.index_cast %swap3A_1200 : i32 to index
        %swap3A_1204 = arith.index_cast %swap3A_1201 : i32 to index
        %swap3A_1205 = arith.index_cast %swap3A_1202 : i32 to index
        %swap3A_1206 = arith.index_cast %mul3A_98 : i32 to index
        %swap3A_1207 = tpu.vector_load %arg7[%swap3A_1203, %swap3A_1204, %swap3A_1205, %swap3A_1206] {strides = array<i32>} : memref<2x10x8x512xf32, #tpu.memory_space<vmem>>, vector<16xf32>,
        tpu.vector_store %arg7[%swap3A_1203, %swap3A_1204, %swap3A_1205, %swap3A_1206], %gather3A_1103 {strides = array<i32>} : memref<2x10x8x512xf32, #tpu.memory_space<vmem>>, vector<16xf32>,
        %swap3A_1208 = arith.constant 0 : i32
        %swap3A_1209 = arith.constant 2 : i32
        %swap3A_1210 = arith.constant 3 : i32
        %swap3A_1211 = arith.index_cast %swap3A_1208 : i32 to index
        %swap3A_1212 = arith.index_cast %swap3A_1209 : i32 to index
        %swap3A_1213 = arith.index_cast %swap3A_1210 : i32 to index
        %swap3A_1214 = arith.index_cast %mul3A_98 : i32 to index
        %swap3A_1215 = tpu.vector_load %arg7[%swap3A_1211, %swap3A_1212, %swap3A_1213, %swap3A_1214] {strides = array<i32>} : memref<2x10x8x512xf32, #tpu.memory_space<vmem>>, vector<16xf32>,
        tpu.vector_store %arg7[%swap3A_1211, %swap3A_1212, %swap3A_1213, %swap3A_1214], %gather3A_1104 {strides = array<i32>} : memref<2x10x8x512xf32, #tpu.memory_space<vmem>>, vector<16xf32>,
        %swap3A_1216 = arith.constant 0 : i32
        %swap3A_1217 = arith.constant 3 : i32
        %swap3A_1218 = arith.constant 3 : i32
        %swap3A_1219 = arith.index_cast %swap3A_1216 : i32 to index
        %swap3A_1220 = arith.index_cast %swap3A_1217 : i32 to index
        %swap3A_1221 = arith.index_cast %swap3A_1218 : i32 to index
        %swap3A_1222 = arith.index_cast %mul3A_98 : i32 to index
        %swap3A_1223 = tpu.vector_load %arg7[%swap3A_1219, %swap3A_1220, %swap3A_1221, %swap3A_1222] {strides = array<i32>} : memref<2x10x8x512xf32, #tpu.memory_space<vmem>>, vector<16xf32>,
        tpu.vector_store %arg7[%swap3A_1219, %swap3A_1220, %swap3A_1221, %swap3A_1222], %gather3A_1105 {strides = array<i32>} : memref<2x10x8x512xf32, #tpu.memory_space<vmem>>, vector<16xf32>,
        %swap3A_1224 = arith.constant 0 : i32
        %swap3A_1225 = arith.constant 4 : i32
        %swap3A_1226 = arith.constant 3 : i32
        %swap3A_1227 = arith.index_cast %swap3A_1224 : i32 to index
        %swap3A_1228 = arith.index_cast %swap3A_1225 : i32 to index
        %swap3A_1229 = arith.index_cast %swap3A_1226 : i32 to index
        %swap3A_1230 = arith.index_cast %mul3A_98 : i32 to index
        %swap3A_1231 = tpu.vector_load %arg7[%swap3A_1227, %swap3A_1228, %swap3A_1229, %swap3A_1230] {strides = array<i32>} : memref<2x10x8x512xf32, #tpu.memory_space<vmem>>, vector<16xf32>,
        tpu.vector_store %arg7[%swap3A_1227, %swap3A_1228, %swap3A_1229, %swap3A_1230], %gather3A_1106 {strides = array<i32>} : memref<2x10x8x512xf32, #tpu.memory_space<vmem>>, vector<16xf32>,
        %swap3A_1232 = arith.constant 0 : i32
        %swap3A_1233 = arith.constant 5 : i32
        %swap3A_1234 = arith.constant 3 : i32
        %swap3A_1235 = arith.index_cast %swap3A_1232 : i32 to index
        %swap3A_1236 = arith.index_cast %swap3A_1233 : i32 to index
        %swap3A_1237 = arith.index_cast %swap3A_1234 : i32 to index
        %swap3A_1238 = arith.index_cast %mul3A_98 : i32 to index
        %swap3A_1239 = tpu.vector_load %arg7[%swap3A_1235, %swap3A_1236, %swap3A_1237, %swap3A_1238] {strides = array<i32>} : memref<2x10x8x512xf32, #tpu.memory_space<vmem>>, vector<16xf32>,
        tpu.vector_store %arg7[%swap3A_1235, %swap3A_1236, %swap3A_1237, %swap3A_1238], %gather3A_1107 {strides = array<i32>} : memref<2x10x8x512xf32, #tpu.memory_space<vmem>>, vector<16xf32>,
        %swap3A_1240 = arith.constant 0 : i32
        %swap3A_1241 = arith.constant 6 : i32
        %swap3A_1242 = arith.constant 3 : i32
        %swap3A_1243 = arith.index_cast %swap3A_1240 : i32 to index
        %swap3A_1244 = arith.index_cast %swap3A_1241 : i32 to index
        %swap3A_1245 = arith.index_cast %swap3A_1242 : i32 to index
        %swap3A_1246 = arith.index_cast %mul3A_98 : i32 to index
        %swap3A_1247 = tpu.vector_load %arg7[%swap3A_1243, %swap3A_1244, %swap3A_1245, %swap3A_1246] {strides = array<i32>} : memref<2x10x8x512xf32, #tpu.memory_space<vmem>>, vector<16xf32>,
        tpu.vector_store %arg7[%swap3A_1243, %swap3A_1244, %swap3A_1245, %swap3A_1246], %gather3A_1108 {strides = array<i32>} : memref<2x10x8x512xf32, #tpu.memory_space<vmem>>, vector<16xf32>,
        %swap3A_1248 = arith.constant 0 : i32
        %swap3A_1249 = arith.constant 7 : i32
        %swap3A_1250 = arith.constant 3 : i32
        %swap3A_1251 = arith.index_cast %swap3A_1248 : i32 to index
        %swap3A_1252 = arith.index_cast %swap3A_1249 : i32 to index
        %swap3A_1253 = arith.index_cast %swap3A_1250 : i32 to index
        %swap3A_1254 = arith.index_cast %mul3A_98 : i32 to index
        %swap3A_1255 = tpu.vector_load %arg7[%swap3A_1251, %swap3A_1252, %swap3A_1253, %swap3A_1254] {strides = array<i32>} : memref<2x10x8x512xf32, #tpu.memory_space<vmem>>, vector<16xf32>,
        tpu.vector_store %arg7[%swap3A_1251, %swap3A_1252, %swap3A_1253, %swap3A_1254], %gather3A_1109 {strides = array<i32>} : memref<2x10x8x512xf32, #tpu.memory_space<vmem>>, vector<16xf32>,
        %swap3A_1256 = arith.constant 0 : i32
        %swap3A_1257 = arith.constant 8 : i32
        %swap3A_1258 = arith.constant 3 : i32
        %swap3A_1259 = arith.index_cast %swap3A_1256 : i32 to index
        %swap3A_1260 = arith.index_cast %swap3A_1257 : i32 to index
        %swap3A_1261 = arith.index_cast %swap3A_1258 : i32 to index
        %swap3A_1262 = arith.index_cast %mul3A_98 : i32 to index
        %swap3A_1263 = tpu.vector_load %arg7[%swap3A_1259, %swap3A_1260, %swap3A_1261, %swap3A_1262] {strides = array<i32>} : memref<2x10x8x512xf32, #tpu.memory_space<vmem>>, vector<16xf32>,
        tpu.vector_store %arg7[%swap3A_1259, %swap3A_1260, %swap3A_1261, %swap3A_1262], %gather3A_1110 {strides = array<i32>} : memref<2x10x8x512xf32, #tpu.memory_space<vmem>>, vector<16xf32>,
        %swap3A_1264 = arith.constant 0 : i32
        %swap3A_1265 = arith.constant 9 : i32
        %swap3A_1266 = arith.constant 3 : i32
        %swap3A_1267 = arith.index_cast %swap3A_1264 : i32 to index
        %swap3A_1268 = arith.index_cast %swap3A_1265 : i32 to index
        %swap3A_1269 = arith.index_cast %swap3A_1266 : i32 to index
        %swap3A_1270 = arith.index_cast %mul3A_98 : i32 to index
        %swap3A_1271 = tpu.vector_load %arg7[%swap3A_1267, %swap3A_1268, %swap3A_1269, %swap3A_1270] {strides = array<i32>} : memref<2x10x8x512xf32, #tpu.memory_space<vmem>>, vector<16xf32>,
        tpu.vector_store %arg7[%swap3A_1267, %swap3A_1268, %swap3A_1269, %swap3A_1270], %gather3A_1111 {strides = array<i32>} : memref<2x10x8x512xf32, #tpu.memory_space<vmem>>, vector<16xf32>,
        %gather3A_1272 = tpu.vector_load_idx %arg5[%broadcast_in_dim3A_3, %get3A_175] : memref<10x100xf32, #tpu.memory_space<vmem>>[vector<16xi32>, vector<16xi32>], vector<16xf32>,
        %gather3A_1273 = tpu.vector_load_idx %arg5[%broadcast_in_dim3A_5, %get3A_175] : memref<10x100xf32, #tpu.memory_space<vmem>>[vector<16xi32>, vector<16xi32>], vector<16xf32>,
        %gather3A_1274 = tpu.vector_load_idx %arg5[%broadcast_in_dim3A_7, %get3A_175] : memref<10x100xf32, #tpu.memory_space<vmem>>[vector<16xi32>, vector<16xi32>], vector<16xf32>,
        %gather3A_1275 = tpu.vector_load_idx %arg5[%broadcast_in_dim3A_9, %get3A_175] : memref<10x100xf32, #tpu.memory_space<vmem>>[vector<16xi32>, vector<16xi32>], vector<16xf32>,
        %gather3A_1276 = tpu.vector_load_idx %arg5[%broadcast_in_dim3A_11, %get3A_175] : memref<10x100xf32, #tpu.memory_space<vmem>>[vector<16xi32>, vector<16xi32>], vector<16xf32>,
        %gather3A_1277 = tpu.vector_load_idx %arg5[%broadcast_in_dim3A_13, %get3A_175] : memref<10x100xf32, #tpu.memory_space<vmem>>[vector<16xi32>, vector<16xi32>], vector<16xf32>,
        %gather3A_1278 = tpu.vector_load_idx %arg5[%broadcast_in_dim3A_15, %get3A_175] : memref<10x100xf32, #tpu.memory_space<vmem>>[vector<16xi32>, vector<16xi32>], vector<16xf32>,
        %gather3A_1279 = tpu.vector_load_idx %arg5[%broadcast_in_dim3A_17, %get3A_175] : memref<10x100xf32, #tpu.memory_space<vmem>>[vector<16xi32>, vector<16xi32>], vector<16xf32>,
        %gather3A_1280 = tpu.vector_load_idx %arg5[%broadcast_in_dim3A_19, %get3A_175] : memref<10x100xf32, #tpu.memory_space<vmem>>[vector<16xi32>, vector<16xi32>], vector<16xf32>,
        %gather3A_1281 = tpu.vector_load_idx %arg5[%broadcast_in_dim3A_21, %get3A_175] : memref<10x100xf32, #tpu.memory_space<vmem>>[vector<16xi32>, vector<16xi32>], vector<16xf32>,
        %gather3A_1282 = tpu.vector_load_idx %arg5[%broadcast_in_dim3A_3, %get3A_181] : memref<10x100xf32, #tpu.memory_space<vmem>>[vector<16xi32>, vector<16xi32>], vector<16xf32>,
        %gather3A_1283 = tpu.vector_load_idx %arg5[%broadcast_in_dim3A_5, %get3A_181] : memref<10x100xf32, #tpu.memory_space<vmem>>[vector<16xi32>, vector<16xi32>], vector<16xf32>,
        %gather3A_1284 = tpu.vector_load_idx %arg5[%broadcast_in_dim3A_7, %get3A_181] : memref<10x100xf32, #tpu.memory_space<vmem>>[vector<16xi32>, vector<16xi32>], vector<16xf32>,
        %gather3A_1285 = tpu.vector_load_idx %arg5[%broadcast_in_dim3A_9, %get3A_181] : memref<10x100xf32, #tpu.memory_space<vmem>>[vector<16xi32>, vector<16xi32>], vector<16xf32>,
        %gather3A_1286 = tpu.vector_load_idx %arg5[%broadcast_in_dim3A_11, %get3A_181] : memref<10x100xf32, #tpu.memory_space<vmem>>[vector<16xi32>, vector<16xi32>], vector<16xf32>,
        %gather3A_1287 = tpu.vector_load_idx %arg5[%broadcast_in_dim3A_13, %get3A_181] : memref<10x100xf32, #tpu.memory_space<vmem>>[vector<16xi32>, vector<16xi32>], vector<16xf32>,
        %gather3A_1288 = tpu.vector_load_idx %arg5[%broadcast_in_dim3A_15, %get3A_181] : memref<10x100xf32, #tpu.memory_space<vmem>>[vector<16xi32>, vector<16xi32>], vector<16xf32>,
        %gather3A_1289 = tpu.vector_load_idx %arg5[%broadcast_in_dim3A_17, %get3A_181] : memref<10x100xf32, #tpu.memory_space<vmem>>[vector<16xi32>, vector<16xi32>], vector<16xf32>,
        %gather3A_1290 = tpu.vector_load_idx %arg5[%broadcast_in_dim3A_19, %get3A_181] : memref<10x100xf32, #tpu.memory_space<vmem>>[vector<16xi32>, vector<16xi32>], vector<16xf32>,
        %gather3A_1291 = tpu.vector_load_idx %arg5[%broadcast_in_dim3A_21, %get3A_181] : memref<10x100xf32, #tpu.memory_space<vmem>>[vector<16xi32>, vector<16xi32>], vector<16xf32>,
        %swap3A_1292 = arith.constant 0 : i32
        %swap3A_1293 = arith.constant 0 : i32
        %swap3A_1294 = arith.constant 4 : i32
        %swap3A_1295 = arith.index_cast %swap3A_1292 : i32 to index
        %swap3A_1296 = arith.index_cast %swap3A_1293 : i32 to index
        %swap3A_1297 = arith.index_cast %swap3A_1294 : i32 to index
        %swap3A_1298 = arith.index_cast %mul3A_98 : i32 to index
        %swap3A_1299 = tpu.vector_load %arg7[%swap3A_1295, %swap3A_1296, %swap3A_1297, %swap3A_1298] {strides = array<i32>} : memref<2x10x8x512xf32, #tpu.memory_space<vmem>>, vector<16xf32>,
        tpu.vector_store %arg7[%swap3A_1295, %swap3A_1296, %swap3A_1297, %swap3A_1298], %gather3A_1272 {strides = array<i32>} : memref<2x10x8x512xf32, #tpu.memory_space<vmem>>, vector<16xf32>,
        %swap3A_1300 = arith.constant 0 : i32
        %swap3A_1301 = arith.constant 1 : i32
        %swap3A_1302 = arith.constant 4 : i32
        %swap3A_1303 = arith.index_cast %swap3A_1300 : i32 to index
        %swap3A_1304 = arith.index_cast %swap3A_1301 : i32 to index
        %swap3A_1305 = arith.index_cast %swap3A_1302 : i32 to index
        %swap3A_1306 = arith.index_cast %mul3A_98 : i32 to index
        %swap3A_1307 = tpu.vector_load %arg7[%swap3A_1303, %swap3A_1304, %swap3A_1305, %swap3A_1306] {strides = array<i32>} : memref<2x10x8x512xf32, #tpu.memory_space<vmem>>, vector<16xf32>,
        tpu.vector_store %arg7[%swap3A_1303, %swap3A_1304, %swap3A_1305, %swap3A_1306], %gather3A_1273 {strides = array<i32>} : memref<2x10x8x512xf32, #tpu.memory_space<vmem>>, vector<16xf32>,
        %swap3A_1308 = arith.constant 0 : i32
        %swap3A_1309 = arith.constant 2 : i32
        %swap3A_1310 = arith.constant 4 : i32
        %swap3A_1311 = arith.index_cast %swap3A_1308 : i32 to index
        %swap3A_1312 = arith.index_cast %swap3A_1309 : i32 to index
        %swap3A_1313 = arith.index_cast %swap3A_1310 : i32 to index
        %swap3A_1314 = arith.index_cast %mul3A_98 : i32 to index
        %swap3A_1315 = tpu.vector_load %arg7[%swap3A_1311, %swap3A_1312, %swap3A_1313, %swap3A_1314] {strides = array<i32>} : memref<2x10x8x512xf32, #tpu.memory_space<vmem>>, vector<16xf32>,
        tpu.vector_store %arg7[%swap3A_1311, %swap3A_1312, %swap3A_1313, %swap3A_1314], %gather3A_1274 {strides = array<i32>} : memref<2x10x8x512xf32, #tpu.memory_space<vmem>>, vector<16xf32>,
        %swap3A_1316 = arith.constant 0 : i32
        %swap3A_1317 = arith.constant 3 : i32
        %swap3A_1318 = arith.constant 4 : i32
        %swap3A_1319 = arith.index_cast %swap3A_1316 : i32 to index
        %swap3A_1320 = arith.index_cast %swap3A_1317 : i32 to index
        %swap3A_1321 = arith.index_cast %swap3A_1318 : i32 to index
        %swap3A_1322 = arith.index_cast %mul3A_98 : i32 to index
        %swap3A_1323 = tpu.vector_load %arg7[%swap3A_1319, %swap3A_1320, %swap3A_1321, %swap3A_1322] {strides = array<i32>} : memref<2x10x8x512xf32, #tpu.memory_space<vmem>>, vector<16xf32>,
        tpu.vector_store %arg7[%swap3A_1319, %swap3A_1320, %swap3A_1321, %swap3A_1322], %gather3A_1275 {strides = array<i32>} : memref<2x10x8x512xf32, #tpu.memory_space<vmem>>, vector<16xf32>,
        %swap3A_1324 = arith.constant 0 : i32
        %swap3A_1325 = arith.constant 4 : i32
        %swap3A_1326 = arith.constant 4 : i32
        %swap3A_1327 = arith.index_cast %swap3A_1324 : i32 to index
        %swap3A_1328 = arith.index_cast %swap3A_1325 : i32 to index
        %swap3A_1329 = arith.index_cast %swap3A_1326 : i32 to index
        %swap3A_1330 = arith.index_cast %mul3A_98 : i32 to index
        %swap3A_1331 = tpu.vector_load %arg7[%swap3A_1327, %swap3A_1328, %swap3A_1329, %swap3A_1330] {strides = array<i32>} : memref<2x10x8x512xf32, #tpu.memory_space<vmem>>, vector<16xf32>,
        tpu.vector_store %arg7[%swap3A_1327, %swap3A_1328, %swap3A_1329, %swap3A_1330], %gather3A_1276 {strides = array<i32>} : memref<2x10x8x512xf32, #tpu.memory_space<vmem>>, vector<16xf32>,
        %swap3A_1332 = arith.constant 0 : i32
        %swap3A_1333 = arith.constant 5 : i32
        %swap3A_1334 = arith.constant 4 : i32
        %swap3A_1335 = arith.index_cast %swap3A_1332 : i32 to index
        %swap3A_1336 = arith.index_cast %swap3A_1333 : i32 to index
        %swap3A_1337 = arith.index_cast %swap3A_1334 : i32 to index
        %swap3A_1338 = arith.index_cast %mul3A_98 : i32 to index
        %swap3A_1339 = tpu.vector_load %arg7[%swap3A_1335, %swap3A_1336, %swap3A_1337, %swap3A_1338] {strides = array<i32>} : memref<2x10x8x512xf32, #tpu.memory_space<vmem>>, vector<16xf32>,
        tpu.vector_store %arg7[%swap3A_1335, %swap3A_1336, %swap3A_1337, %swap3A_1338], %gather3A_1277 {strides = array<i32>} : memref<2x10x8x512xf32, #tpu.memory_space<vmem>>, vector<16xf32>,
        %swap3A_1340 = arith.constant 0 : i32
        %swap3A_1341 = arith.constant 6 : i32
        %swap3A_1342 = arith.constant 4 : i32
        %swap3A_1343 = arith.index_cast %swap3A_1340 : i32 to index
        %swap3A_1344 = arith.index_cast %swap3A_1341 : i32 to index
        %swap3A_1345 = arith.index_cast %swap3A_1342 : i32 to index
        %swap3A_1346 = arith.index_cast %mul3A_98 : i32 to index
        %swap3A_1347 = tpu.vector_load %arg7[%swap3A_1343, %swap3A_1344, %swap3A_1345, %swap3A_1346] {strides = array<i32>} : memref<2x10x8x512xf32, #tpu.memory_space<vmem>>, vector<16xf32>,
        tpu.vector_store %arg7[%swap3A_1343, %swap3A_1344, %swap3A_1345, %swap3A_1346], %gather3A_1278 {strides = array<i32>} : memref<2x10x8x512xf32, #tpu.memory_space<vmem>>, vector<16xf32>,
        %swap3A_1348 = arith.constant 0 : i32
        %swap3A_1349 = arith.constant 7 : i32
        %swap3A_1350 = arith.constant 4 : i32
        %swap3A_1351 = arith.index_cast %swap3A_1348 : i32 to index
        %swap3A_1352 = arith.index_cast %swap3A_1349 : i32 to index
        %swap3A_1353 = arith.index_cast %swap3A_1350 : i32 to index
        %swap3A_1354 = arith.index_cast %mul3A_98 : i32 to index
        %swap3A_1355 = tpu.vector_load %arg7[%swap3A_1351, %swap3A_1352, %swap3A_1353, %swap3A_1354] {strides = array<i32>} : memref<2x10x8x512xf32, #tpu.memory_space<vmem>>, vector<16xf32>,
        tpu.vector_store %arg7[%swap3A_1351, %swap3A_1352, %swap3A_1353, %swap3A_1354], %gather3A_1279 {strides = array<i32>} : memref<2x10x8x512xf32, #tpu.memory_space<vmem>>, vector<16xf32>,
        %swap3A_1356 = arith.constant 0 : i32
        %swap3A_1357 = arith.constant 8 : i32
        %swap3A_1358 = arith.constant 4 : i32
        %swap3A_1359 = arith.index_cast %swap3A_1356 : i32 to index
        %swap3A_1360 = arith.index_cast %swap3A_1357 : i32 to index
        %swap3A_1361 = arith.index_cast %swap3A_1358 : i32 to index
        %swap3A_1362 = arith.index_cast %mul3A_98 : i32 to index
        %swap3A_1363 = tpu.vector_load %arg7[%swap3A_1359, %swap3A_1360, %swap3A_1361, %swap3A_1362] {strides = array<i32>} : memref<2x10x8x512xf32, #tpu.memory_space<vmem>>, vector<16xf32>,
        tpu.vector_store %arg7[%swap3A_1359, %swap3A_1360, %swap3A_1361, %swap3A_1362], %gather3A_1280 {strides = array<i32>} : memref<2x10x8x512xf32, #tpu.memory_space<vmem>>, vector<16xf32>,
        %swap3A_1364 = arith.constant 0 : i32
        %swap3A_1365 = arith.constant 9 : i32
        %swap3A_1366 = arith.constant 4 : i32
        %swap3A_1367 = arith.index_cast %swap3A_1364 : i32 to index
        %swap3A_1368 = arith.index_cast %swap3A_1365 : i32 to index
        %swap3A_1369 = arith.index_cast %swap3A_1366 : i32 to index
        %swap3A_1370 = arith.index_cast %mul3A_98 : i32 to index
        %swap3A_1371 = tpu.vector_load %arg7[%swap3A_1367, %swap3A_1368, %swap3A_1369, %swap3A_1370] {strides = array<i32>} : memref<2x10x8x512xf32, #tpu.memory_space<vmem>>, vector<16xf32>,
        tpu.vector_store %arg7[%swap3A_1367, %swap3A_1368, %swap3A_1369, %swap3A_1370], %gather3A_1281 {strides = array<i32>} : memref<2x10x8x512xf32, #tpu.memory_space<vmem>>, vector<16xf32>,
        %swap3A_1372 = arith.constant 0 : i32
        %swap3A_1373 = arith.constant 0 : i32
        %swap3A_1374 = arith.constant 5 : i32
        %swap3A_1375 = arith.index_cast %swap3A_1372 : i32 to index
        %swap3A_1376 = arith.index_cast %swap3A_1373 : i32 to index
        %swap3A_1377 = arith.index_cast %swap3A_1374 : i32 to index
        %swap3A_1378 = arith.index_cast %mul3A_98 : i32 to index
        %swap3A_1379 = tpu.vector_load %arg7[%swap3A_1375, %swap3A_1376, %swap3A_1377, %swap3A_1378] {strides = array<i32>} : memref<2x10x8x512xf32, #tpu.memory_space<vmem>>, vector<16xf32>,
        tpu.vector_store %arg7[%swap3A_1375, %swap3A_1376, %swap3A_1377, %swap3A_1378], %gather3A_1282 {strides = array<i32>} : memref<2x10x8x512xf32, #tpu.memory_space<vmem>>, vector<16xf32>,
        %swap3A_1380 = arith.constant 0 : i32
        %swap3A_1381 = arith.constant 1 : i32
        %swap3A_1382 = arith.constant 5 : i32
        %swap3A_1383 = arith.index_cast %swap3A_1380 : i32 to index
        %swap3A_1384 = arith.index_cast %swap3A_1381 : i32 to index
        %swap3A_1385 = arith.index_cast %swap3A_1382 : i32 to index
        %swap3A_1386 = arith.index_cast %mul3A_98 : i32 to index
        %swap3A_1387 = tpu.vector_load %arg7[%swap3A_1383, %swap3A_1384, %swap3A_1385, %swap3A_1386] {strides = array<i32>} : memref<2x10x8x512xf32, #tpu.memory_space<vmem>>, vector<16xf32>,
        tpu.vector_store %arg7[%swap3A_1383, %swap3A_1384, %swap3A_1385, %swap3A_1386], %gather3A_1283 {strides = array<i32>} : memref<2x10x8x512xf32, #tpu.memory_space<vmem>>, vector<16xf32>,
        %swap3A_1388 = arith.constant 0 : i32
        %swap3A_1389 = arith.constant 2 : i32
        %swap3A_1390 = arith.constant 5 : i32
        %swap3A_1391 = arith.index_cast %swap3A_1388 : i32 to index
        %swap3A_1392 = arith.index_cast %swap3A_1389 : i32 to index
        %swap3A_1393 = arith.index_cast %swap3A_1390 : i32 to index
        %swap3A_1394 = arith.index_cast %mul3A_98 : i32 to index
        %swap3A_1395 = tpu.vector_load %arg7[%swap3A_1391, %swap3A_1392, %swap3A_1393, %swap3A_1394] {strides = array<i32>} : memref<2x10x8x512xf32, #tpu.memory_space<vmem>>, vector<16xf32>,
        tpu.vector_store %arg7[%swap3A_1391, %swap3A_1392, %swap3A_1393, %swap3A_1394], %gather3A_1284 {strides = array<i32>} : memref<2x10x8x512xf32, #tpu.memory_space<vmem>>, vector<16xf32>,
        %swap3A_1396 = arith.constant 0 : i32
        %swap3A_1397 = arith.constant 3 : i32
        %swap3A_1398 = arith.constant 5 : i32
        %swap3A_1399 = arith.index_cast %swap3A_1396 : i32 to index
        %swap3A_1400 = arith.index_cast %swap3A_1397 : i32 to index
        %swap3A_1401 = arith.index_cast %swap3A_1398 : i32 to index
        %swap3A_1402 = arith.index_cast %mul3A_98 : i32 to index
        %swap3A_1403 = tpu.vector_load %arg7[%swap3A_1399, %swap3A_1400, %swap3A_1401, %swap3A_1402] {strides = array<i32>} : memref<2x10x8x512xf32, #tpu.memory_space<vmem>>, vector<16xf32>,
        tpu.vector_store %arg7[%swap3A_1399, %swap3A_1400, %swap3A_1401, %swap3A_1402], %gather3A_1285 {strides = array<i32>} : memref<2x10x8x512xf32, #tpu.memory_space<vmem>>, vector<16xf32>,
        %swap3A_1404 = arith.constant 0 : i32
        %swap3A_1405 = arith.constant 4 : i32
        %swap3A_1406 = arith.constant 5 : i32
        %swap3A_1407 = arith.index_cast %swap3A_1404 : i32 to index
        %swap3A_1408 = arith.index_cast %swap3A_1405 : i32 to index
        %swap3A_1409 = arith.index_cast %swap3A_1406 : i32 to index
        %swap3A_1410 = arith.index_cast %mul3A_98 : i32 to index
        %swap3A_1411 = tpu.vector_load %arg7[%swap3A_1407, %swap3A_1408, %swap3A_1409, %swap3A_1410] {strides = array<i32>} : memref<2x10x8x512xf32, #tpu.memory_space<vmem>>, vector<16xf32>,
        tpu.vector_store %arg7[%swap3A_1407, %swap3A_1408, %swap3A_1409, %swap3A_1410], %gather3A_1286 {strides = array<i32>} : memref<2x10x8x512xf32, #tpu.memory_space<vmem>>, vector<16xf32>,
        %swap3A_1412 = arith.constant 0 : i32
        %swap3A_1413 = arith.constant 5 : i32
        %swap3A_1414 = arith.constant 5 : i32
        %swap3A_1415 = arith.index_cast %swap3A_1412 : i32 to index
        %swap3A_1416 = arith.index_cast %swap3A_1413 : i32 to index
        %swap3A_1417 = arith.index_cast %swap3A_1414 : i32 to index
        %swap3A_1418 = arith.index_cast %mul3A_98 : i32 to index
        %swap3A_1419 = tpu.vector_load %arg7[%swap3A_1415, %swap3A_1416, %swap3A_1417, %swap3A_1418] {strides = array<i32>} : memref<2x10x8x512xf32, #tpu.memory_space<vmem>>, vector<16xf32>,
        tpu.vector_store %arg7[%swap3A_1415, %swap3A_1416, %swap3A_1417, %swap3A_1418], %gather3A_1287 {strides = array<i32>} : memref<2x10x8x512xf32, #tpu.memory_space<vmem>>, vector<16xf32>,
        %swap3A_1420 = arith.constant 0 : i32
        %swap3A_1421 = arith.constant 6 : i32
        %swap3A_1422 = arith.constant 5 : i32
        %swap3A_1423 = arith.index_cast %swap3A_1420 : i32 to index
        %swap3A_1424 = arith.index_cast %swap3A_1421 : i32 to index
        %swap3A_1425 = arith.index_cast %swap3A_1422 : i32 to index
        %swap3A_1426 = arith.index_cast %mul3A_98 : i32 to index
        %swap3A_1427 = tpu.vector_load %arg7[%swap3A_1423, %swap3A_1424, %swap3A_1425, %swap3A_1426] {strides = array<i32>} : memref<2x10x8x512xf32, #tpu.memory_space<vmem>>, vector<16xf32>,
        tpu.vector_store %arg7[%swap3A_1423, %swap3A_1424, %swap3A_1425, %swap3A_1426], %gather3A_1288 {strides = array<i32>} : memref<2x10x8x512xf32, #tpu.memory_space<vmem>>, vector<16xf32>,
        %swap3A_1428 = arith.constant 0 : i32
        %swap3A_1429 = arith.constant 7 : i32
        %swap3A_1430 = arith.constant 5 : i32
        %swap3A_1431 = arith.index_cast %swap3A_1428 : i32 to index
        %swap3A_1432 = arith.index_cast %swap3A_1429 : i32 to index
        %swap3A_1433 = arith.index_cast %swap3A_1430 : i32 to index
        %swap3A_1434 = arith.index_cast %mul3A_98 : i32 to index
        %swap3A_1435 = tpu.vector_load %arg7[%swap3A_1431, %swap3A_1432, %swap3A_1433, %swap3A_1434] {strides = array<i32>} : memref<2x10x8x512xf32, #tpu.memory_space<vmem>>, vector<16xf32>,
        tpu.vector_store %arg7[%swap3A_1431, %swap3A_1432, %swap3A_1433, %swap3A_1434], %gather3A_1289 {strides = array<i32>} : memref<2x10x8x512xf32, #tpu.memory_space<vmem>>, vector<16xf32>,
        %swap3A_1436 = arith.constant 0 : i32
        %swap3A_1437 = arith.constant 8 : i32
        %swap3A_1438 = arith.constant 5 : i32
        %swap3A_1439 = arith.index_cast %swap3A_1436 : i32 to index
        %swap3A_1440 = arith.index_cast %swap3A_1437 : i32 to index
        %swap3A_1441 = arith.index_cast %swap3A_1438 : i32 to index
        %swap3A_1442 = arith.index_cast %mul3A_98 : i32 to index
        %swap3A_1443 = tpu.vector_load %arg7[%swap3A_1439, %swap3A_1440, %swap3A_1441, %swap3A_1442] {strides = array<i32>} : memref<2x10x8x512xf32, #tpu.memory_space<vmem>>, vector<16xf32>,
        tpu.vector_store %arg7[%swap3A_1439, %swap3A_1440, %swap3A_1441, %swap3A_1442], %gather3A_1290 {strides = array<i32>} : memref<2x10x8x512xf32, #tpu.memory_space<vmem>>, vector<16xf32>,
        %swap3A_1444 = arith.constant 0 : i32
        %swap3A_1445 = arith.constant 9 : i32
        %swap3A_1446 = arith.constant 5 : i32
        %swap3A_1447 = arith.index_cast %swap3A_1444 : i32 to index
        %swap3A_1448 = arith.index_cast %swap3A_1445 : i32 to index
        %swap3A_1449 = arith.index_cast %swap3A_1446 : i32 to index
        %swap3A_1450 = arith.index_cast %mul3A_98 : i32 to index
        %swap3A_1451 = tpu.vector_load %arg7[%swap3A_1447, %swap3A_1448, %swap3A_1449, %swap3A_1450] {strides = array<i32>} : memref<2x10x8x512xf32, #tpu.memory_space<vmem>>, vector<16xf32>,
        tpu.vector_store %arg7[%swap3A_1447, %swap3A_1448, %swap3A_1449, %swap3A_1450], %gather3A_1291 {strides = array<i32>} : memref<2x10x8x512xf32, #tpu.memory_space<vmem>>, vector<16xf32>,
        %gather3A_1452 = tpu.vector_load_idx %arg5[%broadcast_in_dim3A_3, %get3A_187] : memref<10x100xf32, #tpu.memory_space<vmem>>[vector<16xi32>, vector<16xi32>], vector<16xf32>,
        %gather3A_1453 = tpu.vector_load_idx %arg5[%broadcast_in_dim3A_5, %get3A_187] : memref<10x100xf32, #tpu.memory_space<vmem>>[vector<16xi32>, vector<16xi32>], vector<16xf32>,
        %gather3A_1454 = tpu.vector_load_idx %arg5[%broadcast_in_dim3A_7, %get3A_187] : memref<10x100xf32, #tpu.memory_space<vmem>>[vector<16xi32>, vector<16xi32>], vector<16xf32>,
        %gather3A_1455 = tpu.vector_load_idx %arg5[%broadcast_in_dim3A_9, %get3A_187] : memref<10x100xf32, #tpu.memory_space<vmem>>[vector<16xi32>, vector<16xi32>], vector<16xf32>,
        %gather3A_1456 = tpu.vector_load_idx %arg5[%broadcast_in_dim3A_11, %get3A_187] : memref<10x100xf32, #tpu.memory_space<vmem>>[vector<16xi32>, vector<16xi32>], vector<16xf32>,
        %gather3A_1457 = tpu.vector_load_idx %arg5[%broadcast_in_dim3A_13, %get3A_187] : memref<10x100xf32, #tpu.memory_space<vmem>>[vector<16xi32>, vector<16xi32>], vector<16xf32>,
        %gather3A_1458 = tpu.vector_load_idx %arg5[%broadcast_in_dim3A_15, %get3A_187] : memref<10x100xf32, #tpu.memory_space<vmem>>[vector<16xi32>, vector<16xi32>], vector<16xf32>,
        %gather3A_1459 = tpu.vector_load_idx %arg5[%broadcast_in_dim3A_17, %get3A_187] : memref<10x100xf32, #tpu.memory_space<vmem>>[vector<16xi32>, vector<16xi32>], vector<16xf32>,
        %gather3A_1460 = tpu.vector_load_idx %arg5[%broadcast_in_dim3A_19, %get3A_187] : memref<10x100xf32, #tpu.memory_space<vmem>>[vector<16xi32>, vector<16xi32>], vector<16xf32>,
        %gather3A_1461 = tpu.vector_load_idx %arg5[%broadcast_in_dim3A_21, %get3A_187] : memref<10x100xf32, #tpu.memory_space<vmem>>[vector<16xi32>, vector<16xi32>], vector<16xf32>,
        %gather3A_1462 = tpu.vector_load_idx %arg5[%broadcast_in_dim3A_3, %get3A_193] : memref<10x100xf32, #tpu.memory_space<vmem>>[vector<16xi32>, vector<16xi32>], vector<16xf32>,
        %gather3A_1463 = tpu.vector_load_idx %arg5[%broadcast_in_dim3A_5, %get3A_193] : memref<10x100xf32, #tpu.memory_space<vmem>>[vector<16xi32>, vector<16xi32>], vector<16xf32>,
        %gather3A_1464 = tpu.vector_load_idx %arg5[%broadcast_in_dim3A_7, %get3A_193] : memref<10x100xf32, #tpu.memory_space<vmem>>[vector<16xi32>, vector<16xi32>], vector<16xf32>,
        %gather3A_1465 = tpu.vector_load_idx %arg5[%broadcast_in_dim3A_9, %get3A_193] : memref<10x100xf32, #tpu.memory_space<vmem>>[vector<16xi32>, vector<16xi32>], vector<16xf32>,
        %gather3A_1466 = tpu.vector_load_idx %arg5[%broadcast_in_dim3A_11, %get3A_193] : memref<10x100xf32, #tpu.memory_space<vmem>>[vector<16xi32>, vector<16xi32>], vector<16xf32>,
        %gather3A_1467 = tpu.vector_load_idx %arg5[%broadcast_in_dim3A_13, %get3A_193] : memref<10x100xf32, #tpu.memory_space<vmem>>[vector<16xi32>, vector<16xi32>], vector<16xf32>,
        %gather3A_1468 = tpu.vector_load_idx %arg5[%broadcast_in_dim3A_15, %get3A_193] : memref<10x100xf32, #tpu.memory_space<vmem>>[vector<16xi32>, vector<16xi32>], vector<16xf32>,
        %gather3A_1469 = tpu.vector_load_idx %arg5[%broadcast_in_dim3A_17, %get3A_193] : memref<10x100xf32, #tpu.memory_space<vmem>>[vector<16xi32>, vector<16xi32>], vector<16xf32>,
        %gather3A_1470 = tpu.vector_load_idx %arg5[%broadcast_in_dim3A_19, %get3A_193] : memref<10x100xf32, #tpu.memory_space<vmem>>[vector<16xi32>, vector<16xi32>], vector<16xf32>,
        %gather3A_1471 = tpu.vector_load_idx %arg5[%broadcast_in_dim3A_21, %get3A_193] : memref<10x100xf32, #tpu.memory_space<vmem>>[vector<16xi32>, vector<16xi32>], vector<16xf32>,
        %swap3A_1472 = arith.constant 0 : i32
        %swap3A_1473 = arith.constant 0 : i32
        %swap3A_1474 = arith.constant 6 : i32
        %swap3A_1475 = arith.index_cast %swap3A_1472 : i32 to index
        %swap3A_1476 = arith.index_cast %swap3A_1473 : i32 to index
        %swap3A_1477 = arith.index_cast %swap3A_1474 : i32 to index
        %swap3A_1478 = arith.index_cast %mul3A_98 : i32 to index
        %swap3A_1479 = tpu.vector_load %arg7[%swap3A_1475, %swap3A_1476, %swap3A_1477, %swap3A_1478] {strides = array<i32>} : memref<2x10x8x512xf32, #tpu.memory_space<vmem>>, vector<16xf32>,
        tpu.vector_store %arg7[%swap3A_1475, %swap3A_1476, %swap3A_1477, %swap3A_1478], %gather3A_1452 {strides = array<i32>} : memref<2x10x8x512xf32, #tpu.memory_space<vmem>>, vector<16xf32>,
        %swap3A_1480 = arith.constant 0 : i32
        %swap3A_1481 = arith.constant 1 : i32
        %swap3A_1482 = arith.constant 6 : i32
        %swap3A_1483 = arith.index_cast %swap3A_1480 : i32 to index
        %swap3A_1484 = arith.index_cast %swap3A_1481 : i32 to index
        %swap3A_1485 = arith.index_cast %swap3A_1482 : i32 to index
        %swap3A_1486 = arith.index_cast %mul3A_98 : i32 to index
        %swap3A_1487 = tpu.vector_load %arg7[%swap3A_1483, %swap3A_1484, %swap3A_1485, %swap3A_1486] {strides = array<i32>} : memref<2x10x8x512xf32, #tpu.memory_space<vmem>>, vector<16xf32>,
        tpu.vector_store %arg7[%swap3A_1483, %swap3A_1484, %swap3A_1485, %swap3A_1486], %gather3A_1453 {strides = array<i32>} : memref<2x10x8x512xf32, #tpu.memory_space<vmem>>, vector<16xf32>,
        %swap3A_1488 = arith.constant 0 : i32
        %swap3A_1489 = arith.constant 2 : i32
        %swap3A_1490 = arith.constant 6 : i32
        %swap3A_1491 = arith.index_cast %swap3A_1488 : i32 to index
        %swap3A_1492 = arith.index_cast %swap3A_1489 : i32 to index
        %swap3A_1493 = arith.index_cast %swap3A_1490 : i32 to index
        %swap3A_1494 = arith.index_cast %mul3A_98 : i32 to index
        %swap3A_1495 = tpu.vector_load %arg7[%swap3A_1491, %swap3A_1492, %swap3A_1493, %swap3A_1494] {strides = array<i32>} : memref<2x10x8x512xf32, #tpu.memory_space<vmem>>, vector<16xf32>,
        tpu.vector_store %arg7[%swap3A_1491, %swap3A_1492, %swap3A_1493, %swap3A_1494], %gather3A_1454 {strides = array<i32>} : memref<2x10x8x512xf32, #tpu.memory_space<vmem>>, vector<16xf32>,
        %swap3A_1496 = arith.constant 0 : i32
        %swap3A_1497 = arith.constant 3 : i32
        %swap3A_1498 = arith.constant 6 : i32
        %swap3A_1499 = arith.index_cast %swap3A_1496 : i32 to index
        %swap3A_1500 = arith.index_cast %swap3A_1497 : i32 to index
        %swap3A_1501 = arith.index_cast %swap3A_1498 : i32 to index
        %swap3A_1502 = arith.index_cast %mul3A_98 : i32 to index
        %swap3A_1503 = tpu.vector_load %arg7[%swap3A_1499, %swap3A_1500, %swap3A_1501, %swap3A_1502] {strides = array<i32>} : memref<2x10x8x512xf32, #tpu.memory_space<vmem>>, vector<16xf32>,
        tpu.vector_store %arg7[%swap3A_1499, %swap3A_1500, %swap3A_1501, %swap3A_1502], %gather3A_1455 {strides = array<i32>} : memref<2x10x8x512xf32, #tpu.memory_space<vmem>>, vector<16xf32>,
        %swap3A_1504 = arith.constant 0 : i32
        %swap3A_1505 = arith.constant 4 : i32
        %swap3A_1506 = arith.constant 6 : i32
        %swap3A_1507 = arith.index_cast %swap3A_1504 : i32 to index
        %swap3A_1508 = arith.index_cast %swap3A_1505 : i32 to index
        %swap3A_1509 = arith.index_cast %swap3A_1506 : i32 to index
        %swap3A_1510 = arith.index_cast %mul3A_98 : i32 to index
        %swap3A_1511 = tpu.vector_load %arg7[%swap3A_1507, %swap3A_1508, %swap3A_1509, %swap3A_1510] {strides = array<i32>} : memref<2x10x8x512xf32, #tpu.memory_space<vmem>>, vector<16xf32>,
        tpu.vector_store %arg7[%swap3A_1507, %swap3A_1508, %swap3A_1509, %swap3A_1510], %gather3A_1456 {strides = array<i32>} : memref<2x10x8x512xf32, #tpu.memory_space<vmem>>, vector<16xf32>,
        %swap3A_1512 = arith.constant 0 : i32
        %swap3A_1513 = arith.constant 5 : i32
        %swap3A_1514 = arith.constant 6 : i32
        %swap3A_1515 = arith.index_cast %swap3A_1512 : i32 to index
        %swap3A_1516 = arith.index_cast %swap3A_1513 : i32 to index
        %swap3A_1517 = arith.index_cast %swap3A_1514 : i32 to index
        %swap3A_1518 = arith.index_cast %mul3A_98 : i32 to index
        %swap3A_1519 = tpu.vector_load %arg7[%swap3A_1515, %swap3A_1516, %swap3A_1517, %swap3A_1518] {strides = array<i32>} : memref<2x10x8x512xf32, #tpu.memory_space<vmem>>, vector<16xf32>,
        tpu.vector_store %arg7[%swap3A_1515, %swap3A_1516, %swap3A_1517, %swap3A_1518], %gather3A_1457 {strides = array<i32>} : memref<2x10x8x512xf32, #tpu.memory_space<vmem>>, vector<16xf32>,
        %swap3A_1520 = arith.constant 0 : i32
        %swap3A_1521 = arith.constant 6 : i32
        %swap3A_1522 = arith.constant 6 : i32
        %swap3A_1523 = arith.index_cast %swap3A_1520 : i32 to index
        %swap3A_1524 = arith.index_cast %swap3A_1521 : i32 to index
        %swap3A_1525 = arith.index_cast %swap3A_1522 : i32 to index
        %swap3A_1526 = arith.index_cast %mul3A_98 : i32 to index
        %swap3A_1527 = tpu.vector_load %arg7[%swap3A_1523, %swap3A_1524, %swap3A_1525, %swap3A_1526] {strides = array<i32>} : memref<2x10x8x512xf32, #tpu.memory_space<vmem>>, vector<16xf32>,
        tpu.vector_store %arg7[%swap3A_1523, %swap3A_1524, %swap3A_1525, %swap3A_1526], %gather3A_1458 {strides = array<i32>} : memref<2x10x8x512xf32, #tpu.memory_space<vmem>>, vector<16xf32>,
        %swap3A_1528 = arith.constant 0 : i32
        %swap3A_1529 = arith.constant 7 : i32
        %swap3A_1530 = arith.constant 6 : i32
        %swap3A_1531 = arith.index_cast %swap3A_1528 : i32 to index
        %swap3A_1532 = arith.index_cast %swap3A_1529 : i32 to index
        %swap3A_1533 = arith.index_cast %swap3A_1530 : i32 to index
        %swap3A_1534 = arith.index_cast %mul3A_98 : i32 to index
        %swap3A_1535 = tpu.vector_load %arg7[%swap3A_1531, %swap3A_1532, %swap3A_1533, %swap3A_1534] {strides = array<i32>} : memref<2x10x8x512xf32, #tpu.memory_space<vmem>>, vector<16xf32>,
        tpu.vector_store %arg7[%swap3A_1531, %swap3A_1532, %swap3A_1533, %swap3A_1534], %gather3A_1459 {strides = array<i32>} : memref<2x10x8x512xf32, #tpu.memory_space<vmem>>, vector<16xf32>,
        %swap3A_1536 = arith.constant 0 : i32
        %swap3A_1537 = arith.constant 8 : i32
        %swap3A_1538 = arith.constant 6 : i32
        %swap3A_1539 = arith.index_cast %swap3A_1536 : i32 to index
        %swap3A_1540 = arith.index_cast %swap3A_1537 : i32 to index
        %swap3A_1541 = arith.index_cast %swap3A_1538 : i32 to index
        %swap3A_1542 = arith.index_cast %mul3A_98 : i32 to index
        %swap3A_1543 = tpu.vector_load %arg7[%swap3A_1539, %swap3A_1540, %swap3A_1541, %swap3A_1542] {strides = array<i32>} : memref<2x10x8x512xf32, #tpu.memory_space<vmem>>, vector<16xf32>,
        tpu.vector_store %arg7[%swap3A_1539, %swap3A_1540, %swap3A_1541, %swap3A_1542], %gather3A_1460 {strides = array<i32>} : memref<2x10x8x512xf32, #tpu.memory_space<vmem>>, vector<16xf32>,
        %swap3A_1544 = arith.constant 0 : i32
        %swap3A_1545 = arith.constant 9 : i32
        %swap3A_1546 = arith.constant 6 : i32
        %swap3A_1547 = arith.index_cast %swap3A_1544 : i32 to index
        %swap3A_1548 = arith.index_cast %swap3A_1545 : i32 to index
        %swap3A_1549 = arith.index_cast %swap3A_1546 : i32 to index
        %swap3A_1550 = arith.index_cast %mul3A_98 : i32 to index
        %swap3A_1551 = tpu.vector_load %arg7[%swap3A_1547, %swap3A_1548, %swap3A_1549, %swap3A_1550] {strides = array<i32>} : memref<2x10x8x512xf32, #tpu.memory_space<vmem>>, vector<16xf32>,
        tpu.vector_store %arg7[%swap3A_1547, %swap3A_1548, %swap3A_1549, %swap3A_1550], %gather3A_1461 {strides = array<i32>} : memref<2x10x8x512xf32, #tpu.memory_space<vmem>>, vector<16xf32>,
        %swap3A_1552 = arith.constant 0 : i32
        %swap3A_1553 = arith.constant 0 : i32
        %swap3A_1554 = arith.constant 7 : i32
        %swap3A_1555 = arith.index_cast %swap3A_1552 : i32 to index
        %swap3A_1556 = arith.index_cast %swap3A_1553 : i32 to index
        %swap3A_1557 = arith.index_cast %swap3A_1554 : i32 to index
        %swap3A_1558 = arith.index_cast %mul3A_98 : i32 to index
        %swap3A_1559 = tpu.vector_load %arg7[%swap3A_1555, %swap3A_1556, %swap3A_1557, %swap3A_1558] {strides = array<i32>} : memref<2x10x8x512xf32, #tpu.memory_space<vmem>>, vector<16xf32>,
        tpu.vector_store %arg7[%swap3A_1555, %swap3A_1556, %swap3A_1557, %swap3A_1558], %gather3A_1462 {strides = array<i32>} : memref<2x10x8x512xf32, #tpu.memory_space<vmem>>, vector<16xf32>,
        %swap3A_1560 = arith.constant 0 : i32
        %swap3A_1561 = arith.constant 1 : i32
        %swap3A_1562 = arith.constant 7 : i32
        %swap3A_1563 = arith.index_cast %swap3A_1560 : i32 to index
        %swap3A_1564 = arith.index_cast %swap3A_1561 : i32 to index
        %swap3A_1565 = arith.index_cast %swap3A_1562 : i32 to index
        %swap3A_1566 = arith.index_cast %mul3A_98 : i32 to index
        %swap3A_1567 = tpu.vector_load %arg7[%swap3A_1563, %swap3A_1564, %swap3A_1565, %swap3A_1566] {strides = array<i32>} : memref<2x10x8x512xf32, #tpu.memory_space<vmem>>, vector<16xf32>,
        tpu.vector_store %arg7[%swap3A_1563, %swap3A_1564, %swap3A_1565, %swap3A_1566], %gather3A_1463 {strides = array<i32>} : memref<2x10x8x512xf32, #tpu.memory_space<vmem>>, vector<16xf32>,
        %swap3A_1568 = arith.constant 0 : i32
        %swap3A_1569 = arith.constant 2 : i32
        %swap3A_1570 = arith.constant 7 : i32
        %swap3A_1571 = arith.index_cast %swap3A_1568 : i32 to index
        %swap3A_1572 = arith.index_cast %swap3A_1569 : i32 to index
        %swap3A_1573 = arith.index_cast %swap3A_1570 : i32 to index
        %swap3A_1574 = arith.index_cast %mul3A_98 : i32 to index
        %swap3A_1575 = tpu.vector_load %arg7[%swap3A_1571, %swap3A_1572, %swap3A_1573, %swap3A_1574] {strides = array<i32>} : memref<2x10x8x512xf32, #tpu.memory_space<vmem>>, vector<16xf32>,
        tpu.vector_store %arg7[%swap3A_1571, %swap3A_1572, %swap3A_1573, %swap3A_1574], %gather3A_1464 {strides = array<i32>} : memref<2x10x8x512xf32, #tpu.memory_space<vmem>>, vector<16xf32>,
        %swap3A_1576 = arith.constant 0 : i32
        %swap3A_1577 = arith.constant 3 : i32
        %swap3A_1578 = arith.constant 7 : i32
        %swap3A_1579 = arith.index_cast %swap3A_1576 : i32 to index
        %swap3A_1580 = arith.index_cast %swap3A_1577 : i32 to index
        %swap3A_1581 = arith.index_cast %swap3A_1578 : i32 to index
        %swap3A_1582 = arith.index_cast %mul3A_98 : i32 to index
        %swap3A_1583 = tpu.vector_load %arg7[%swap3A_1579, %swap3A_1580, %swap3A_1581, %swap3A_1582] {strides = array<i32>} : memref<2x10x8x512xf32, #tpu.memory_space<vmem>>, vector<16xf32>,
        tpu.vector_store %arg7[%swap3A_1579, %swap3A_1580, %swap3A_1581, %swap3A_1582], %gather3A_1465 {strides = array<i32>} : memref<2x10x8x512xf32, #tpu.memory_space<vmem>>, vector<16xf32>,
        %swap3A_1584 = arith.constant 0 : i32
        %swap3A_1585 = arith.constant 4 : i32
        %swap3A_1586 = arith.constant 7 : i32
        %swap3A_1587 = arith.index_cast %swap3A_1584 : i32 to index
        %swap3A_1588 = arith.index_cast %swap3A_1585 : i32 to index
        %swap3A_1589 = arith.index_cast %swap3A_1586 : i32 to index
        %swap3A_1590 = arith.index_cast %mul3A_98 : i32 to index
        %swap3A_1591 = tpu.vector_load %arg7[%swap3A_1587, %swap3A_1588, %swap3A_1589, %swap3A_1590] {strides = array<i32>} : memref<2x10x8x512xf32, #tpu.memory_space<vmem>>, vector<16xf32>,
        tpu.vector_store %arg7[%swap3A_1587, %swap3A_1588, %swap3A_1589, %swap3A_1590], %gather3A_1466 {strides = array<i32>} : memref<2x10x8x512xf32, #tpu.memory_space<vmem>>, vector<16xf32>,
        %swap3A_1592 = arith.constant 0 : i32
        %swap3A_1593 = arith.constant 5 : i32
        %swap3A_1594 = arith.constant 7 : i32
        %swap3A_1595 = arith.index_cast %swap3A_1592 : i32 to index
        %swap3A_1596 = arith.index_cast %swap3A_1593 : i32 to index
        %swap3A_1597 = arith.index_cast %swap3A_1594 : i32 to index
        %swap3A_1598 = arith.index_cast %mul3A_98 : i32 to index
        %swap3A_1599 = tpu.vector_load %arg7[%swap3A_1595, %swap3A_1596, %swap3A_1597, %swap3A_1598] {strides = array<i32>} : memref<2x10x8x512xf32, #tpu.memory_space<vmem>>, vector<16xf32>,
        tpu.vector_store %arg7[%swap3A_1595, %swap3A_1596, %swap3A_1597, %swap3A_1598], %gather3A_1467 {strides = array<i32>} : memref<2x10x8x512xf32, #tpu.memory_space<vmem>>, vector<16xf32>,
        %swap3A_1600 = arith.constant 0 : i32
        %swap3A_1601 = arith.constant 6 : i32
        %swap3A_1602 = arith.constant 7 : i32
        %swap3A_1603 = arith.index_cast %swap3A_1600 : i32 to index
        %swap3A_1604 = arith.index_cast %swap3A_1601 : i32 to index
        %swap3A_1605 = arith.index_cast %swap3A_1602 : i32 to index
        %swap3A_1606 = arith.index_cast %mul3A_98 : i32 to index
        %swap3A_1607 = tpu.vector_load %arg7[%swap3A_1603, %swap3A_1604, %swap3A_1605, %swap3A_1606] {strides = array<i32>} : memref<2x10x8x512xf32, #tpu.memory_space<vmem>>, vector<16xf32>,
        tpu.vector_store %arg7[%swap3A_1603, %swap3A_1604, %swap3A_1605, %swap3A_1606], %gather3A_1468 {strides = array<i32>} : memref<2x10x8x512xf32, #tpu.memory_space<vmem>>, vector<16xf32>,
        %swap3A_1608 = arith.constant 0 : i32
        %swap3A_1609 = arith.constant 7 : i32
        %swap3A_1610 = arith.constant 7 : i32
        %swap3A_1611 = arith.index_cast %swap3A_1608 : i32 to index
        %swap3A_1612 = arith.index_cast %swap3A_1609 : i32 to index
        %swap3A_1613 = arith.index_cast %swap3A_1610 : i32 to index
        %swap3A_1614 = arith.index_cast %mul3A_98 : i32 to index
        %swap3A_1615 = tpu.vector_load %arg7[%swap3A_1611, %swap3A_1612, %swap3A_1613, %swap3A_1614] {strides = array<i32>} : memref<2x10x8x512xf32, #tpu.memory_space<vmem>>, vector<16xf32>,
        tpu.vector_store %arg7[%swap3A_1611, %swap3A_1612, %swap3A_1613, %swap3A_1614], %gather3A_1469 {strides = array<i32>} : memref<2x10x8x512xf32, #tpu.memory_space<vmem>>, vector<16xf32>,
        %swap3A_1616 = arith.constant 0 : i32
        %swap3A_1617 = arith.constant 8 : i32
        %swap3A_1618 = arith.constant 7 : i32
        %swap3A_1619 = arith.index_cast %swap3A_1616 : i32 to index
        %swap3A_1620 = arith.index_cast %swap3A_1617 : i32 to index
        %swap3A_1621 = arith.index_cast %swap3A_1618 : i32 to index
        %swap3A_1622 = arith.index_cast %mul3A_98 : i32 to index
        %swap3A_1623 = tpu.vector_load %arg7[%swap3A_1619, %swap3A_1620, %swap3A_1621, %swap3A_1622] {strides = array<i32>} : memref<2x10x8x512xf32, #tpu.memory_space<vmem>>, vector<16xf32>,
        tpu.vector_store %arg7[%swap3A_1619, %swap3A_1620, %swap3A_1621, %swap3A_1622], %gather3A_1470 {strides = array<i32>} : memref<2x10x8x512xf32, #tpu.memory_space<vmem>>, vector<16xf32>,
        %swap3A_1624 = arith.constant 0 : i32
        %swap3A_1625 = arith.constant 9 : i32
        %swap3A_1626 = arith.constant 7 : i32
        %swap3A_1627 = arith.index_cast %swap3A_1624 : i32 to index
        %swap3A_1628 = arith.index_cast %swap3A_1625 : i32 to index
        %swap3A_1629 = arith.index_cast %swap3A_1626 : i32 to index
        %swap3A_1630 = arith.index_cast %mul3A_98 : i32 to index
        %swap3A_1631 = tpu.vector_load %arg7[%swap3A_1627, %swap3A_1628, %swap3A_1629, %swap3A_1630] {strides = array<i32>} : memref<2x10x8x512xf32, #tpu.memory_space<vmem>>, vector<16xf32>,
        tpu.vector_store %arg7[%swap3A_1627, %swap3A_1628, %swap3A_1629, %swap3A_1630], %gather3A_1471 {strides = array<i32>} : memref<2x10x8x512xf32, #tpu.memory_space<vmem>>, vector<16xf32>,
      }
      %scan3A_35 = arith.constant 16 : i32
      %mul3A_36 = arith.constant 8 : i32
      %mul3A_37 = arith.muli %scan3A_27, %mul3A_36 : i32
      %run_scoped3A_38 = arith.constant 0 : i32
      %run_scoped3A_39 = arith.constant 0 : i32
      %run_scoped3A_40 = arith.constant 0 : i32
      "tpu.region"() ({
        %run_scoped3A_86 = tpu.sem_alloc : memref<!tpu.dma_semaphore, #tpu.memory_space<semaphore_mem>>
        %dma_start3A = arith.constant 0 : i32
        %dma_start3A_87 = arith.constant 0 : i32
        %dma_start3A_88 = tpu.memref_slice %arg7[%run_scoped3A_38, %run_scoped3A_39, %dma_start3A, %dma_start3A_87] : memref<2x10x8x512xf32, #tpu.memory_space<vmem>> -> memref<1x1x8x512xf32, #tpu.memory_space<vmem>>
        %dma_start3A_89 = tpu.memref_squeeze %dma_start3A_88 : memref<1x1x8x512xf32, #tpu.memory_space<vmem>> -> memref<8x512xf32, #tpu.memory_space<vmem>>
        %dma_start3A_90 = tpu.memref_slice %arg4[%run_scoped3A_40, %mul3A_37, %mul3A_2] : memref<10x200x16384xf32, #tpu.memory_space<hbm>> -> memref<1x8x512xf32, #tpu.memory_space<hbm>>
        %dma_start3A_91 = tpu.memref_squeeze %dma_start3A_90 : memref<1x8x512xf32, #tpu.memory_space<hbm>> -> memref<8x512xf32, #tpu.memory_space<hbm>>
        %dma_start3A_92 = tpu.memref_slice %arg4[%run_scoped3A_40, %mul3A_37, %mul3A_2] : memref<10x200x16384xf32, #tpu.memory_space<hbm>> -> memref<1x8x512xf32, #tpu.memory_space<hbm>>
        %dma_start3A_93 = tpu.memref_squeeze %dma_start3A_92 : memref<1x8x512xf32, #tpu.memory_space<hbm>> -> memref<8x512xf32, #tpu.memory_space<hbm>>
        %dma_start3A_94 = arith.constant 0 : i32
        %dma_start3A_95 = arith.constant 0 : i32
        %dma_start3A_96 = tpu.memref_slice %arg7[%run_scoped3A_38, %run_scoped3A_39, %dma_start3A_94, %dma_start3A_95] : memref<2x10x8x512xf32, #tpu.memory_space<vmem>> -> memref<1x1x8x512xf32, #tpu.memory_space<vmem>>
        %dma_start3A_97 = tpu.memref_squeeze %dma_start3A_96 : memref<1x1x8x512xf32, #tpu.memory_space<vmem>> -> memref<8x512xf32, #tpu.memory_space<vmem>>
        tpu.enqueue_dma source(%dma_start3A_97 : memref<8x512xf32, #tpu.memory_space<vmem>>) target(%dma_start3A_93 : memref<8x512xf32, #tpu.memory_space<hbm>>) target_semaphore(%run_scoped3A_86 : memref<!tpu.dma_semaphore, #tpu.memory_space<semaphore_mem>>)
        %dma_wait3A = arith.constant 0 : i32
        %dma_wait3A_98 = arith.constant 0 : i32
        %dma_wait3A_99 = tpu.memref_slice %arg7[%run_scoped3A_38, %run_scoped3A_39, %dma_wait3A, %dma_wait3A_98] : memref<2x10x8x512xf32, #tpu.memory_space<vmem>> -> memref<1x1x8x512xf32, #tpu.memory_space<vmem>>
        %dma_wait3A_100 = tpu.memref_squeeze %dma_wait3A_99 : memref<1x1x8x512xf32, #tpu.memory_space<vmem>> -> memref<8x512xf32, #tpu.memory_space<vmem>>
        %dma_wait3A_101 = tpu.memref_slice %arg4[%run_scoped3A_40, %mul3A_37, %mul3A_2] : memref<10x200x16384xf32, #tpu.memory_space<hbm>> -> memref<1x8x512xf32, #tpu.memory_space<hbm>>
        %dma_wait3A_102 = tpu.memref_squeeze %dma_wait3A_101 : memref<1x8x512xf32, #tpu.memory_space<hbm>> -> memref<8x512xf32, #tpu.memory_space<hbm>>
        %dma_wait3A_103 = tpu.memref_slice %arg4[%run_scoped3A_40, %mul3A_37, %mul3A_2] : memref<10x200x16384xf32, #tpu.memory_space<hbm>> -> memref<1x8x512xf32, #tpu.memory_space<hbm>>
        %dma_wait3A_104 = tpu.memref_squeeze %dma_wait3A_103 : memref<1x8x512xf32, #tpu.memory_space<hbm>> -> memref<8x512xf32, #tpu.memory_space<hbm>>
        %dma_wait3A_105 = arith.constant 0 : i32
        %dma_wait3A_106 = arith.constant 0 : i32
        %dma_wait3A_107 = tpu.memref_slice %arg7[%run_scoped3A_38, %run_scoped3A_39, %dma_wait3A_105, %dma_wait3A_106] : memref<2x10x8x512xf32, #tpu.memory_space<vmem>> -> memref<1x1x8x512xf32, #tpu.memory_space<vmem>>
        %dma_wait3A_108 = tpu.memref_squeeze %dma_wait3A_107 : memref<1x1x8x512xf32, #tpu.memory_space<vmem>> -> memref<8x512xf32, #tpu.memory_space<vmem>>
        tpu.wait_dma2 semaphore(%run_scoped3A_86 : memref<!tpu.dma_semaphore, #tpu.memory_space<semaphore_mem>>) src(%dma_wait3A_108 : memref<8x512xf32, #tpu.memory_space<vmem>>) dst(%dma_wait3A_104 : memref<8x512xf32, #tpu.memory_space<hbm>>)
        tpu.yield
      }) : () -> ()
      %mul3A_41 = arith.constant 8 : i32
      %mul3A_42 = arith.muli %scan3A_27, %mul3A_41 : i32
      %run_scoped3A_43 = arith.constant 0 : i32
      %run_scoped3A_44 = arith.constant 1 : i32
      %run_scoped3A_45 = arith.constant 1 : i32
      "tpu.region"() ({
        %run_scoped3A_86 = tpu.sem_alloc : memref<!tpu.dma_semaphore, #tpu.memory_space<semaphore_mem>>
        %dma_start3A = arith.constant 0 : i32
        %dma_start3A_87 = arith.constant 0 : i32
        %dma_start3A_88 = tpu.memref_slice %arg7[%run_scoped3A_43, %run_scoped3A_44, %dma_start3A, %dma_start3A_87] : memref<2x10x8x512xf32, #tpu.memory_space<vmem>> -> memref<1x1x8x512xf32, #tpu.memory_space<vmem>>
        %dma_start3A_89 = tpu.memref_squeeze %dma_start3A_88 : memref<1x1x8x512xf32, #tpu.memory_space<vmem>> -> memref<8x512xf32, #tpu.memory_space<vmem>>
        %dma_start3A_90 = tpu.memref_slice %arg4[%run_scoped3A_45, %mul3A_42, %mul3A_2] : memref<10x200x16384xf32, #tpu.memory_space<hbm>> -> memref<1x8x512xf32, #tpu.memory_space<hbm>>
        %dma_start3A_91 = tpu.memref_squeeze %dma_start3A_90 : memref<1x8x512xf32, #tpu.memory_space<hbm>> -> memref<8x512xf32, #tpu.memory_space<hbm>>
        %dma_start3A_92 = tpu.memref_slice %arg4[%run_scoped3A_45, %mul3A_42, %mul3A_2] : memref<10x200x16384xf32, #tpu.memory_space<hbm>> -> memref<1x8x512xf32, #tpu.memory_space<hbm>>
        %dma_start3A_93 = tpu.memref_squeeze %dma_start3A_92 : memref<1x8x512xf32, #tpu.memory_space<hbm>> -> memref<8x512xf32, #tpu.memory_space<hbm>>
        %dma_start3A_94 = arith.constant 0 : i32
        %dma_start3A_95 = arith.constant 0 : i32
        %dma_start3A_96 = tpu.memref_slice %arg7[%run_scoped3A_43, %run_scoped3A_44, %dma_start3A_94, %dma_start3A_95] : memref<2x10x8x512xf32, #tpu.memory_space<vmem>> -> memref<1x1x8x512xf32, #tpu.memory_space<vmem>>
        %dma_start3A_97 = tpu.memref_squeeze %dma_start3A_96 : memref<1x1x8x512xf32, #tpu.memory_space<vmem>> -> memref<8x512xf32, #tpu.memory_space<vmem>>
        tpu.enqueue_dma source(%dma_start3A_97 : memref<8x512xf32, #tpu.memory_space<vmem>>) target(%dma_start3A_93 : memref<8x512xf32, #tpu.memory_space<hbm>>) target_semaphore(%run_scoped3A_86 : memref<!tpu.dma_semaphore, #tpu.memory_space<semaphore_mem>>)
        %dma_wait3A = arith.constant 0 : i32
        %dma_wait3A_98 = arith.constant 0 : i32
        %dma_wait3A_99 = tpu.memref_slice %arg7[%run_scoped3A_43, %run_scoped3A_44, %dma_wait3A, %dma_wait3A_98] : memref<2x10x8x512xf32, #tpu.memory_space<vmem>> -> memref<1x1x8x512xf32, #tpu.memory_space<vmem>>
        %dma_wait3A_100 = tpu.memref_squeeze %dma_wait3A_99 : memref<1x1x8x512xf32, #tpu.memory_space<vmem>> -> memref<8x512xf32, #tpu.memory_space<vmem>>
        %dma_wait3A_101 = tpu.memref_slice %arg4[%run_scoped3A_45, %mul3A_42, %mul3A_2] : memref<10x200x16384xf32, #tpu.memory_space<hbm>> -> memref<1x8x512xf32, #tpu.memory_space<hbm>>
        %dma_wait3A_102 = tpu.memref_squeeze %dma_wait3A_101 : memref<1x8x512xf32, #tpu.memory_space<hbm>> -> memref<8x512xf32, #tpu.memory_space<hbm>>
        %dma_wait3A_103 = tpu.memref_slice %arg4[%run_scoped3A_45, %mul3A_42, %mul3A_2] : memref<10x200x16384xf32, #tpu.memory_space<hbm>> -> memref<1x8x512xf32, #tpu.memory_space<hbm>>
        %dma_wait3A_104 = tpu.memref_squeeze %dma_wait3A_103 : memref<1x8x512xf32, #tpu.memory_space<hbm>> -> memref<8x512xf32, #tpu.memory_space<hbm>>
        %dma_wait3A_105 = arith.constant 0 : i32
        %dma_wait3A_106 = arith.constant 0 : i32
        %dma_wait3A_107 = tpu.memref_slice %arg7[%run_scoped3A_43, %run_scoped3A_44, %dma_wait3A_105, %dma_wait3A_106] : memref<2x10x8x512xf32, #tpu.memory_space<vmem>> -> memref<1x1x8x512xf32, #tpu.memory_space<vmem>>
        %dma_wait3A_108 = tpu.memref_squeeze %dma_wait3A_107 : memref<1x1x8x512xf32, #tpu.memory_space<vmem>> -> memref<8x512xf32, #tpu.memory_space<vmem>>
        tpu.wait_dma2 semaphore(%run_scoped3A_86 : memref<!tpu.dma_semaphore, #tpu.memory_space<semaphore_mem>>) src(%dma_wait3A_108 : memref<8x512xf32, #tpu.memory_space<vmem>>) dst(%dma_wait3A_104 : memref<8x512xf32, #tpu.memory_space<hbm>>)
        tpu.yield
      }) : () -> ()
      %mul3A_46 = arith.constant 8 : i32
      %mul3A_47 = arith.muli %scan3A_27, %mul3A_46 : i32
      %run_scoped3A_48 = arith.constant 0 : i32
      %run_scoped3A_49 = arith.constant 2 : i32
      %run_scoped3A_50 = arith.constant 2 : i32
      "tpu.region"() ({
        %run_scoped3A_86 = tpu.sem_alloc : memref<!tpu.dma_semaphore, #tpu.memory_space<semaphore_mem>>
        %dma_start3A = arith.constant 0 : i32
        %dma_start3A_87 = arith.constant 0 : i32
        %dma_start3A_88 = tpu.memref_slice %arg7[%run_scoped3A_48, %run_scoped3A_49, %dma_start3A, %dma_start3A_87] : memref<2x10x8x512xf32, #tpu.memory_space<vmem>> -> memref<1x1x8x512xf32, #tpu.memory_space<vmem>>
        %dma_start3A_89 = tpu.memref_squeeze %dma_start3A_88 : memref<1x1x8x512xf32, #tpu.memory_space<vmem>> -> memref<8x512xf32, #tpu.memory_space<vmem>>
        %dma_start3A_90 = tpu.memref_slice %arg4[%run_scoped3A_50, %mul3A_47, %mul3A_2] : memref<10x200x16384xf32, #tpu.memory_space<hbm>> -> memref<1x8x512xf32, #tpu.memory_space<hbm>>
        %dma_start3A_91 = tpu.memref_squeeze %dma_start3A_90 : memref<1x8x512xf32, #tpu.memory_space<hbm>> -> memref<8x512xf32, #tpu.memory_space<hbm>>
        %dma_start3A_92 = tpu.memref_slice %arg4[%run_scoped3A_50, %mul3A_47, %mul3A_2] : memref<10x200x16384xf32, #tpu.memory_space<hbm>> -> memref<1x8x512xf32, #tpu.memory_space<hbm>>
        %dma_start3A_93 = tpu.memref_squeeze %dma_start3A_92 : memref<1x8x512xf32, #tpu.memory_space<hbm>> -> memref<8x512xf32, #tpu.memory_space<hbm>>
        %dma_start3A_94 = arith.constant 0 : i32
        %dma_start3A_95 = arith.constant 0 : i32
        %dma_start3A_96 = tpu.memref_slice %arg7[%run_scoped3A_48, %run_scoped3A_49, %dma_start3A_94, %dma_start3A_95] : memref<2x10x8x512xf32, #tpu.memory_space<vmem>> -> memref<1x1x8x512xf32, #tpu.memory_space<vmem>>
        %dma_start3A_97 = tpu.memref_squeeze %dma_start3A_96 : memref<1x1x8x512xf32, #tpu.memory_space<vmem>> -> memref<8x512xf32, #tpu.memory_space<vmem>>
        tpu.enqueue_dma source(%dma_start3A_97 : memref<8x512xf32, #tpu.memory_space<vmem>>) target(%dma_start3A_93 : memref<8x512xf32, #tpu.memory_space<hbm>>) target_semaphore(%run_scoped3A_86 : memref<!tpu.dma_semaphore, #tpu.memory_space<semaphore_mem>>)
        %dma_wait3A = arith.constant 0 : i32
        %dma_wait3A_98 = arith.constant 0 : i32
        %dma_wait3A_99 = tpu.memref_slice %arg7[%run_scoped3A_48, %run_scoped3A_49, %dma_wait3A, %dma_wait3A_98] : memref<2x10x8x512xf32, #tpu.memory_space<vmem>> -> memref<1x1x8x512xf32, #tpu.memory_space<vmem>>
        %dma_wait3A_100 = tpu.memref_squeeze %dma_wait3A_99 : memref<1x1x8x512xf32, #tpu.memory_space<vmem>> -> memref<8x512xf32, #tpu.memory_space<vmem>>
        %dma_wait3A_101 = tpu.memref_slice %arg4[%run_scoped3A_50, %mul3A_47, %mul3A_2] : memref<10x200x16384xf32, #tpu.memory_space<hbm>> -> memref<1x8x512xf32, #tpu.memory_space<hbm>>
        %dma_wait3A_102 = tpu.memref_squeeze %dma_wait3A_101 : memref<1x8x512xf32, #tpu.memory_space<hbm>> -> memref<8x512xf32, #tpu.memory_space<hbm>>
        %dma_wait3A_103 = tpu.memref_slice %arg4[%run_scoped3A_50, %mul3A_47, %mul3A_2] : memref<10x200x16384xf32, #tpu.memory_space<hbm>> -> memref<1x8x512xf32, #tpu.memory_space<hbm>>
        %dma_wait3A_104 = tpu.memref_squeeze %dma_wait3A_103 : memref<1x8x512xf32, #tpu.memory_space<hbm>> -> memref<8x512xf32, #tpu.memory_space<hbm>>
        %dma_wait3A_105 = arith.constant 0 : i32
        %dma_wait3A_106 = arith.constant 0 : i32
        %dma_wait3A_107 = tpu.memref_slice %arg7[%run_scoped3A_48, %run_scoped3A_49, %dma_wait3A_105, %dma_wait3A_106] : memref<2x10x8x512xf32, #tpu.memory_space<vmem>> -> memref<1x1x8x512xf32, #tpu.memory_space<vmem>>
        %dma_wait3A_108 = tpu.memref_squeeze %dma_wait3A_107 : memref<1x1x8x512xf32, #tpu.memory_space<vmem>> -> memref<8x512xf32, #tpu.memory_space<vmem>>
        tpu.wait_dma2 semaphore(%run_scoped3A_86 : memref<!tpu.dma_semaphore, #tpu.memory_space<semaphore_mem>>) src(%dma_wait3A_108 : memref<8x512xf32, #tpu.memory_space<vmem>>) dst(%dma_wait3A_104 : memref<8x512xf32, #tpu.memory_space<hbm>>)
        tpu.yield
      }) : () -> ()
      %mul3A_51 = arith.constant 8 : i32
      %mul3A_52 = arith.muli %scan3A_27, %mul3A_51 : i32
      %run_scoped3A_53 = arith.constant 0 : i32
      %run_scoped3A_54 = arith.constant 3 : i32
      %run_scoped3A_55 = arith.constant 3 : i32
      "tpu.region"() ({
        %run_scoped3A_86 = tpu.sem_alloc : memref<!tpu.dma_semaphore, #tpu.memory_space<semaphore_mem>>
        %dma_start3A = arith.constant 0 : i32
        %dma_start3A_87 = arith.constant 0 : i32
        %dma_start3A_88 = tpu.memref_slice %arg7[%run_scoped3A_53, %run_scoped3A_54, %dma_start3A, %dma_start3A_87] : memref<2x10x8x512xf32, #tpu.memory_space<vmem>> -> memref<1x1x8x512xf32, #tpu.memory_space<vmem>>
        %dma_start3A_89 = tpu.memref_squeeze %dma_start3A_88 : memref<1x1x8x512xf32, #tpu.memory_space<vmem>> -> memref<8x512xf32, #tpu.memory_space<vmem>>
        %dma_start3A_90 = tpu.memref_slice %arg4[%run_scoped3A_55, %mul3A_52, %mul3A_2] : memref<10x200x16384xf32, #tpu.memory_space<hbm>> -> memref<1x8x512xf32, #tpu.memory_space<hbm>>
        %dma_start3A_91 = tpu.memref_squeeze %dma_start3A_90 : memref<1x8x512xf32, #tpu.memory_space<hbm>> -> memref<8x512xf32, #tpu.memory_space<hbm>>
        %dma_start3A_92 = tpu.memref_slice %arg4[%run_scoped3A_55, %mul3A_52, %mul3A_2] : memref<10x200x16384xf32, #tpu.memory_space<hbm>> -> memref<1x8x512xf32, #tpu.memory_space<hbm>>
        %dma_start3A_93 = tpu.memref_squeeze %dma_start3A_92 : memref<1x8x512xf32, #tpu.memory_space<hbm>> -> memref<8x512xf32, #tpu.memory_space<hbm>>
        %dma_start3A_94 = arith.constant 0 : i32
        %dma_start3A_95 = arith.constant 0 : i32
        %dma_start3A_96 = tpu.memref_slice %arg7[%run_scoped3A_53, %run_scoped3A_54, %dma_start3A_94, %dma_start3A_95] : memref<2x10x8x512xf32, #tpu.memory_space<vmem>> -> memref<1x1x8x512xf32, #tpu.memory_space<vmem>>
        %dma_start3A_97 = tpu.memref_squeeze %dma_start3A_96 : memref<1x1x8x512xf32, #tpu.memory_space<vmem>> -> memref<8x512xf32, #tpu.memory_space<vmem>>
        tpu.enqueue_dma source(%dma_start3A_97 : memref<8x512xf32, #tpu.memory_space<vmem>>) target(%dma_start3A_93 : memref<8x512xf32, #tpu.memory_space<hbm>>) target_semaphore(%run_scoped3A_86 : memref<!tpu.dma_semaphore, #tpu.memory_space<semaphore_mem>>)
        %dma_wait3A = arith.constant 0 : i32
        %dma_wait3A_98 = arith.constant 0 : i32
        %dma_wait3A_99 = tpu.memref_slice %arg7[%run_scoped3A_53, %run_scoped3A_54, %dma_wait3A, %dma_wait3A_98] : memref<2x10x8x512xf32, #tpu.memory_space<vmem>> -> memref<1x1x8x512xf32, #tpu.memory_space<vmem>>
        %dma_wait3A_100 = tpu.memref_squeeze %dma_wait3A_99 : memref<1x1x8x512xf32, #tpu.memory_space<vmem>> -> memref<8x512xf32, #tpu.memory_space<vmem>>
        %dma_wait3A_101 = tpu.memref_slice %arg4[%run_scoped3A_55, %mul3A_52, %mul3A_2] : memref<10x200x16384xf32, #tpu.memory_space<hbm>> -> memref<1x8x512xf32, #tpu.memory_space<hbm>>
        %dma_wait3A_102 = tpu.memref_squeeze %dma_wait3A_101 : memref<1x8x512xf32, #tpu.memory_space<hbm>> -> memref<8x512xf32, #tpu.memory_space<hbm>>
        %dma_wait3A_103 = tpu.memref_slice %arg4[%run_scoped3A_55, %mul3A_52, %mul3A_2] : memref<10x200x16384xf32, #tpu.memory_space<hbm>> -> memref<1x8x512xf32, #tpu.memory_space<hbm>>
        %dma_wait3A_104 = tpu.memref_squeeze %dma_wait3A_103 : memref<1x8x512xf32, #tpu.memory_space<hbm>> -> memref<8x512xf32, #tpu.memory_space<hbm>>
        %dma_wait3A_105 = arith.constant 0 : i32
        %dma_wait3A_106 = arith.constant 0 : i32
        %dma_wait3A_107 = tpu.memref_slice %arg7[%run_scoped3A_53, %run_scoped3A_54, %dma_wait3A_105, %dma_wait3A_106] : memref<2x10x8x512xf32, #tpu.memory_space<vmem>> -> memref<1x1x8x512xf32, #tpu.memory_space<vmem>>
        %dma_wait3A_108 = tpu.memref_squeeze %dma_wait3A_107 : memref<1x1x8x512xf32, #tpu.memory_space<vmem>> -> memref<8x512xf32, #tpu.memory_space<vmem>>
        tpu.wait_dma2 semaphore(%run_scoped3A_86 : memref<!tpu.dma_semaphore, #tpu.memory_space<semaphore_mem>>) src(%dma_wait3A_108 : memref<8x512xf32, #tpu.memory_space<vmem>>) dst(%dma_wait3A_104 : memref<8x512xf32, #tpu.memory_space<hbm>>)
        tpu.yield
      }) : () -> ()
      %mul3A_56 = arith.constant 8 : i32
      %mul3A_57 = arith.muli %scan3A_27, %mul3A_56 : i32
      %run_scoped3A_58 = arith.constant 0 : i32
      %run_scoped3A_59 = arith.constant 4 : i32
      %run_scoped3A_60 = arith.constant 4 : i32
      "tpu.region"() ({
        %run_scoped3A_86 = tpu.sem_alloc : memref<!tpu.dma_semaphore, #tpu.memory_space<semaphore_mem>>
        %dma_start3A = arith.constant 0 : i32
        %dma_start3A_87 = arith.constant 0 : i32
        %dma_start3A_88 = tpu.memref_slice %arg7[%run_scoped3A_58, %run_scoped3A_59, %dma_start3A, %dma_start3A_87] : memref<2x10x8x512xf32, #tpu.memory_space<vmem>> -> memref<1x1x8x512xf32, #tpu.memory_space<vmem>>
        %dma_start3A_89 = tpu.memref_squeeze %dma_start3A_88 : memref<1x1x8x512xf32, #tpu.memory_space<vmem>> -> memref<8x512xf32, #tpu.memory_space<vmem>>
        %dma_start3A_90 = tpu.memref_slice %arg4[%run_scoped3A_60, %mul3A_57, %mul3A_2] : memref<10x200x16384xf32, #tpu.memory_space<hbm>> -> memref<1x8x512xf32, #tpu.memory_space<hbm>>
        %dma_start3A_91 = tpu.memref_squeeze %dma_start3A_90 : memref<1x8x512xf32, #tpu.memory_space<hbm>> -> memref<8x512xf32, #tpu.memory_space<hbm>>
        %dma_start3A_92 = tpu.memref_slice %arg4[%run_scoped3A_60, %mul3A_57, %mul3A_2] : memref<10x200x16384xf32, #tpu.memory_space<hbm>> -> memref<1x8x512xf32, #tpu.memory_space<hbm>>
        %dma_start3A_93 = tpu.memref_squeeze %dma_start3A_92 : memref<1x8x512xf32, #tpu.memory_space<hbm>> -> memref<8x512xf32, #tpu.memory_space<hbm>>
        %dma_start3A_94 = arith.constant 0 : i32
        %dma_start3A_95 = arith.constant 0 : i32
        %dma_start3A_96 = tpu.memref_slice %arg7[%run_scoped3A_58, %run_scoped3A_59, %dma_start3A_94, %dma_start3A_95] : memref<2x10x8x512xf32, #tpu.memory_space<vmem>> -> memref<1x1x8x512xf32, #tpu.memory_space<vmem>>
        %dma_start3A_97 = tpu.memref_squeeze %dma_start3A_96 : memref<1x1x8x512xf32, #tpu.memory_space<vmem>> -> memref<8x512xf32, #tpu.memory_space<vmem>>
        tpu.enqueue_dma source(%dma_start3A_97 : memref<8x512xf32, #tpu.memory_space<vmem>>) target(%dma_start3A_93 : memref<8x512xf32, #tpu.memory_space<hbm>>) target_semaphore(%run_scoped3A_86 : memref<!tpu.dma_semaphore, #tpu.memory_space<semaphore_mem>>)
        %dma_wait3A = arith.constant 0 : i32
        %dma_wait3A_98 = arith.constant 0 : i32
        %dma_wait3A_99 = tpu.memref_slice %arg7[%run_scoped3A_58, %run_scoped3A_59, %dma_wait3A, %dma_wait3A_98] : memref<2x10x8x512xf32, #tpu.memory_space<vmem>> -> memref<1x1x8x512xf32, #tpu.memory_space<vmem>>
        %dma_wait3A_100 = tpu.memref_squeeze %dma_wait3A_99 : memref<1x1x8x512xf32, #tpu.memory_space<vmem>> -> memref<8x512xf32, #tpu.memory_space<vmem>>
        %dma_wait3A_101 = tpu.memref_slice %arg4[%run_scoped3A_60, %mul3A_57, %mul3A_2] : memref<10x200x16384xf32, #tpu.memory_space<hbm>> -> memref<1x8x512xf32, #tpu.memory_space<hbm>>
        %dma_wait3A_102 = tpu.memref_squeeze %dma_wait3A_101 : memref<1x8x512xf32, #tpu.memory_space<hbm>> -> memref<8x512xf32, #tpu.memory_space<hbm>>
        %dma_wait3A_103 = tpu.memref_slice %arg4[%run_scoped3A_60, %mul3A_57, %mul3A_2] : memref<10x200x16384xf32, #tpu.memory_space<hbm>> -> memref<1x8x512xf32, #tpu.memory_space<hbm>>
        %dma_wait3A_104 = tpu.memref_squeeze %dma_wait3A_103 : memref<1x8x512xf32, #tpu.memory_space<hbm>> -> memref<8x512xf32, #tpu.memory_space<hbm>>
        %dma_wait3A_105 = arith.constant 0 : i32
        %dma_wait3A_106 = arith.constant 0 : i32
        %dma_wait3A_107 = tpu.memref_slice %arg7[%run_scoped3A_58, %run_scoped3A_59, %dma_wait3A_105, %dma_wait3A_106] : memref<2x10x8x512xf32, #tpu.memory_space<vmem>> -> memref<1x1x8x512xf32, #tpu.memory_space<vmem>>
        %dma_wait3A_108 = tpu.memref_squeeze %dma_wait3A_107 : memref<1x1x8x512xf32, #tpu.memory_space<vmem>> -> memref<8x512xf32, #tpu.memory_space<vmem>>
        tpu.wait_dma2 semaphore(%run_scoped3A_86 : memref<!tpu.dma_semaphore, #tpu.memory_space<semaphore_mem>>) src(%dma_wait3A_108 : memref<8x512xf32, #tpu.memory_space<vmem>>) dst(%dma_wait3A_104 : memref<8x512xf32, #tpu.memory_space<hbm>>)
        tpu.yield
      }) : () -> ()
      %mul3A_61 = arith.constant 8 : i32
      %mul3A_62 = arith.muli %scan3A_27, %mul3A_61 : i32
      %run_scoped3A_63 = arith.constant 0 : i32
      %run_scoped3A_64 = arith.constant 5 : i32
      %run_scoped3A_65 = arith.constant 5 : i32
      "tpu.region"() ({
        %run_scoped3A_86 = tpu.sem_alloc : memref<!tpu.dma_semaphore, #tpu.memory_space<semaphore_mem>>
        %dma_start3A = arith.constant 0 : i32
        %dma_start3A_87 = arith.constant 0 : i32
        %dma_start3A_88 = tpu.memref_slice %arg7[%run_scoped3A_63, %run_scoped3A_64, %dma_start3A, %dma_start3A_87] : memref<2x10x8x512xf32, #tpu.memory_space<vmem>> -> memref<1x1x8x512xf32, #tpu.memory_space<vmem>>
        %dma_start3A_89 = tpu.memref_squeeze %dma_start3A_88 : memref<1x1x8x512xf32, #tpu.memory_space<vmem>> -> memref<8x512xf32, #tpu.memory_space<vmem>>
        %dma_start3A_90 = tpu.memref_slice %arg4[%run_scoped3A_65, %mul3A_62, %mul3A_2] : memref<10x200x16384xf32, #tpu.memory_space<hbm>> -> memref<1x8x512xf32, #tpu.memory_space<hbm>>
        %dma_start3A_91 = tpu.memref_squeeze %dma_start3A_90 : memref<1x8x512xf32, #tpu.memory_space<hbm>> -> memref<8x512xf32, #tpu.memory_space<hbm>>
        %dma_start3A_92 = tpu.memref_slice %arg4[%run_scoped3A_65, %mul3A_62, %mul3A_2] : memref<10x200x16384xf32, #tpu.memory_space<hbm>> -> memref<1x8x512xf32, #tpu.memory_space<hbm>>
        %dma_start3A_93 = tpu.memref_squeeze %dma_start3A_92 : memref<1x8x512xf32, #tpu.memory_space<hbm>> -> memref<8x512xf32, #tpu.memory_space<hbm>>
        %dma_start3A_94 = arith.constant 0 : i32
        %dma_start3A_95 = arith.constant 0 : i32
        %dma_start3A_96 = tpu.memref_slice %arg7[%run_scoped3A_63, %run_scoped3A_64, %dma_start3A_94, %dma_start3A_95] : memref<2x10x8x512xf32, #tpu.memory_space<vmem>> -> memref<1x1x8x512xf32, #tpu.memory_space<vmem>>
        %dma_start3A_97 = tpu.memref_squeeze %dma_start3A_96 : memref<1x1x8x512xf32, #tpu.memory_space<vmem>> -> memref<8x512xf32, #tpu.memory_space<vmem>>
        tpu.enqueue_dma source(%dma_start3A_97 : memref<8x512xf32, #tpu.memory_space<vmem>>) target(%dma_start3A_93 : memref<8x512xf32, #tpu.memory_space<hbm>>) target_semaphore(%run_scoped3A_86 : memref<!tpu.dma_semaphore, #tpu.memory_space<semaphore_mem>>)
        %dma_wait3A = arith.constant 0 : i32
        %dma_wait3A_98 = arith.constant 0 : i32
        %dma_wait3A_99 = tpu.memref_slice %arg7[%run_scoped3A_63, %run_scoped3A_64, %dma_wait3A, %dma_wait3A_98] : memref<2x10x8x512xf32, #tpu.memory_space<vmem>> -> memref<1x1x8x512xf32, #tpu.memory_space<vmem>>
        %dma_wait3A_100 = tpu.memref_squeeze %dma_wait3A_99 : memref<1x1x8x512xf32, #tpu.memory_space<vmem>> -> memref<8x512xf32, #tpu.memory_space<vmem>>
        %dma_wait3A_101 = tpu.memref_slice %arg4[%run_scoped3A_65, %mul3A_62, %mul3A_2] : memref<10x200x16384xf32, #tpu.memory_space<hbm>> -> memref<1x8x512xf32, #tpu.memory_space<hbm>>
        %dma_wait3A_102 = tpu.memref_squeeze %dma_wait3A_101 : memref<1x8x512xf32, #tpu.memory_space<hbm>> -> memref<8x512xf32, #tpu.memory_space<hbm>>
        %dma_wait3A_103 = tpu.memref_slice %arg4[%run_scoped3A_65, %mul3A_62, %mul3A_2] : memref<10x200x16384xf32, #tpu.memory_space<hbm>> -> memref<1x8x512xf32, #tpu.memory_space<hbm>>
        %dma_wait3A_104 = tpu.memref_squeeze %dma_wait3A_103 : memref<1x8x512xf32, #tpu.memory_space<hbm>> -> memref<8x512xf32, #tpu.memory_space<hbm>>
        %dma_wait3A_105 = arith.constant 0 : i32
        %dma_wait3A_106 = arith.constant 0 : i32
        %dma_wait3A_107 = tpu.memref_slice %arg7[%run_scoped3A_63, %run_scoped3A_64, %dma_wait3A_105, %dma_wait3A_106] : memref<2x10x8x512xf32, #tpu.memory_space<vmem>> -> memref<1x1x8x512xf32, #tpu.memory_space<vmem>>
        %dma_wait3A_108 = tpu.memref_squeeze %dma_wait3A_107 : memref<1x1x8x512xf32, #tpu.memory_space<vmem>> -> memref<8x512xf32, #tpu.memory_space<vmem>>
        tpu.wait_dma2 semaphore(%run_scoped3A_86 : memref<!tpu.dma_semaphore, #tpu.memory_space<semaphore_mem>>) src(%dma_wait3A_108 : memref<8x512xf32, #tpu.memory_space<vmem>>) dst(%dma_wait3A_104 : memref<8x512xf32, #tpu.memory_space<hbm>>)
        tpu.yield
      }) : () -> ()
      %mul3A_66 = arith.constant 8 : i32
      %mul3A_67 = arith.muli %scan3A_27, %mul3A_66 : i32
      %run_scoped3A_68 = arith.constant 0 : i32
      %run_scoped3A_69 = arith.constant 6 : i32
      %run_scoped3A_70 = arith.constant 6 : i32
      "tpu.region"() ({
        %run_scoped3A_86 = tpu.sem_alloc : memref<!tpu.dma_semaphore, #tpu.memory_space<semaphore_mem>>
        %dma_start3A = arith.constant 0 : i32
        %dma_start3A_87 = arith.constant 0 : i32
        %dma_start3A_88 = tpu.memref_slice %arg7[%run_scoped3A_68, %run_scoped3A_69, %dma_start3A, %dma_start3A_87] : memref<2x10x8x512xf32, #tpu.memory_space<vmem>> -> memref<1x1x8x512xf32, #tpu.memory_space<vmem>>
        %dma_start3A_89 = tpu.memref_squeeze %dma_start3A_88 : memref<1x1x8x512xf32, #tpu.memory_space<vmem>> -> memref<8x512xf32, #tpu.memory_space<vmem>>
        %dma_start3A_90 = tpu.memref_slice %arg4[%run_scoped3A_70, %mul3A_67, %mul3A_2] : memref<10x200x16384xf32, #tpu.memory_space<hbm>> -> memref<1x8x512xf32, #tpu.memory_space<hbm>>
        %dma_start3A_91 = tpu.memref_squeeze %dma_start3A_90 : memref<1x8x512xf32, #tpu.memory_space<hbm>> -> memref<8x512xf32, #tpu.memory_space<hbm>>
        %dma_start3A_92 = tpu.memref_slice %arg4[%run_scoped3A_70, %mul3A_67, %mul3A_2] : memref<10x200x16384xf32, #tpu.memory_space<hbm>> -> memref<1x8x512xf32, #tpu.memory_space<hbm>>
        %dma_start3A_93 = tpu.memref_squeeze %dma_start3A_92 : memref<1x8x512xf32, #tpu.memory_space<hbm>> -> memref<8x512xf32, #tpu.memory_space<hbm>>
        %dma_start3A_94 = arith.constant 0 : i32
        %dma_start3A_95 = arith.constant 0 : i32
        %dma_start3A_96 = tpu.memref_slice %arg7[%run_scoped3A_68, %run_scoped3A_69, %dma_start3A_94, %dma_start3A_95] : memref<2x10x8x512xf32, #tpu.memory_space<vmem>> -> memref<1x1x8x512xf32, #tpu.memory_space<vmem>>
        %dma_start3A_97 = tpu.memref_squeeze %dma_start3A_96 : memref<1x1x8x512xf32, #tpu.memory_space<vmem>> -> memref<8x512xf32, #tpu.memory_space<vmem>>
        tpu.enqueue_dma source(%dma_start3A_97 : memref<8x512xf32, #tpu.memory_space<vmem>>) target(%dma_start3A_93 : memref<8x512xf32, #tpu.memory_space<hbm>>) target_semaphore(%run_scoped3A_86 : memref<!tpu.dma_semaphore, #tpu.memory_space<semaphore_mem>>)
        %dma_wait3A = arith.constant 0 : i32
        %dma_wait3A_98 = arith.constant 0 : i32
        %dma_wait3A_99 = tpu.memref_slice %arg7[%run_scoped3A_68, %run_scoped3A_69, %dma_wait3A, %dma_wait3A_98] : memref<2x10x8x512xf32, #tpu.memory_space<vmem>> -> memref<1x1x8x512xf32, #tpu.memory_space<vmem>>
        %dma_wait3A_100 = tpu.memref_squeeze %dma_wait3A_99 : memref<1x1x8x512xf32, #tpu.memory_space<vmem>> -> memref<8x512xf32, #tpu.memory_space<vmem>>
        %dma_wait3A_101 = tpu.memref_slice %arg4[%run_scoped3A_70, %mul3A_67, %mul3A_2] : memref<10x200x16384xf32, #tpu.memory_space<hbm>> -> memref<1x8x512xf32, #tpu.memory_space<hbm>>
        %dma_wait3A_102 = tpu.memref_squeeze %dma_wait3A_101 : memref<1x8x512xf32, #tpu.memory_space<hbm>> -> memref<8x512xf32, #tpu.memory_space<hbm>>
        %dma_wait3A_103 = tpu.memref_slice %arg4[%run_scoped3A_70, %mul3A_67, %mul3A_2] : memref<10x200x16384xf32, #tpu.memory_space<hbm>> -> memref<1x8x512xf32, #tpu.memory_space<hbm>>
        %dma_wait3A_104 = tpu.memref_squeeze %dma_wait3A_103 : memref<1x8x512xf32, #tpu.memory_space<hbm>> -> memref<8x512xf32, #tpu.memory_space<hbm>>
        %dma_wait3A_105 = arith.constant 0 : i32
        %dma_wait3A_106 = arith.constant 0 : i32
        %dma_wait3A_107 = tpu.memref_slice %arg7[%run_scoped3A_68, %run_scoped3A_69, %dma_wait3A_105, %dma_wait3A_106] : memref<2x10x8x512xf32, #tpu.memory_space<vmem>> -> memref<1x1x8x512xf32, #tpu.memory_space<vmem>>
        %dma_wait3A_108 = tpu.memref_squeeze %dma_wait3A_107 : memref<1x1x8x512xf32, #tpu.memory_space<vmem>> -> memref<8x512xf32, #tpu.memory_space<vmem>>
        tpu.wait_dma2 semaphore(%run_scoped3A_86 : memref<!tpu.dma_semaphore, #tpu.memory_space<semaphore_mem>>) src(%dma_wait3A_108 : memref<8x512xf32, #tpu.memory_space<vmem>>) dst(%dma_wait3A_104 : memref<8x512xf32, #tpu.memory_space<hbm>>)
        tpu.yield
      }) : () -> ()
      %mul3A_71 = arith.constant 8 : i32
      %mul3A_72 = arith.muli %scan3A_27, %mul3A_71 : i32
      %run_scoped3A_73 = arith.constant 0 : i32
      %run_scoped3A_74 = arith.constant 7 : i32
      %run_scoped3A_75 = arith.constant 7 : i32
      "tpu.region"() ({
        %run_scoped3A_86 = tpu.sem_alloc : memref<!tpu.dma_semaphore, #tpu.memory_space<semaphore_mem>>
        %dma_start3A = arith.constant 0 : i32
        %dma_start3A_87 = arith.constant 0 : i32
        %dma_start3A_88 = tpu.memref_slice %arg7[%run_scoped3A_73, %run_scoped3A_74, %dma_start3A, %dma_start3A_87] : memref<2x10x8x512xf32, #tpu.memory_space<vmem>> -> memref<1x1x8x512xf32, #tpu.memory_space<vmem>>
        %dma_start3A_89 = tpu.memref_squeeze %dma_start3A_88 : memref<1x1x8x512xf32, #tpu.memory_space<vmem>> -> memref<8x512xf32, #tpu.memory_space<vmem>>
        %dma_start3A_90 = tpu.memref_slice %arg4[%run_scoped3A_75, %mul3A_72, %mul3A_2] : memref<10x200x16384xf32, #tpu.memory_space<hbm>> -> memref<1x8x512xf32, #tpu.memory_space<hbm>>
        %dma_start3A_91 = tpu.memref_squeeze %dma_start3A_90 : memref<1x8x512xf32, #tpu.memory_space<hbm>> -> memref<8x512xf32, #tpu.memory_space<hbm>>
        %dma_start3A_92 = tpu.memref_slice %arg4[%run_scoped3A_75, %mul3A_72, %mul3A_2] : memref<10x200x16384xf32, #tpu.memory_space<hbm>> -> memref<1x8x512xf32, #tpu.memory_space<hbm>>
        %dma_start3A_93 = tpu.memref_squeeze %dma_start3A_92 : memref<1x8x512xf32, #tpu.memory_space<hbm>> -> memref<8x512xf32, #tpu.memory_space<hbm>>
        %dma_start3A_94 = arith.constant 0 : i32
        %dma_start3A_95 = arith.constant 0 : i32
        %dma_start3A_96 = tpu.memref_slice %arg7[%run_scoped3A_73, %run_scoped3A_74, %dma_start3A_94, %dma_start3A_95] : memref<2x10x8x512xf32, #tpu.memory_space<vmem>> -> memref<1x1x8x512xf32, #tpu.memory_space<vmem>>
        %dma_start3A_97 = tpu.memref_squeeze %dma_start3A_96 : memref<1x1x8x512xf32, #tpu.memory_space<vmem>> -> memref<8x512xf32, #tpu.memory_space<vmem>>
        tpu.enqueue_dma source(%dma_start3A_97 : memref<8x512xf32, #tpu.memory_space<vmem>>) target(%dma_start3A_93 : memref<8x512xf32, #tpu.memory_space<hbm>>) target_semaphore(%run_scoped3A_86 : memref<!tpu.dma_semaphore, #tpu.memory_space<semaphore_mem>>)
        %dma_wait3A = arith.constant 0 : i32
        %dma_wait3A_98 = arith.constant 0 : i32
        %dma_wait3A_99 = tpu.memref_slice %arg7[%run_scoped3A_73, %run_scoped3A_74, %dma_wait3A, %dma_wait3A_98] : memref<2x10x8x512xf32, #tpu.memory_space<vmem>> -> memref<1x1x8x512xf32, #tpu.memory_space<vmem>>
        %dma_wait3A_100 = tpu.memref_squeeze %dma_wait3A_99 : memref<1x1x8x512xf32, #tpu.memory_space<vmem>> -> memref<8x512xf32, #tpu.memory_space<vmem>>
        %dma_wait3A_101 = tpu.memref_slice %arg4[%run_scoped3A_75, %mul3A_72, %mul3A_2] : memref<10x200x16384xf32, #tpu.memory_space<hbm>> -> memref<1x8x512xf32, #tpu.memory_space<hbm>>
        %dma_wait3A_102 = tpu.memref_squeeze %dma_wait3A_101 : memref<1x8x512xf32, #tpu.memory_space<hbm>> -> memref<8x512xf32, #tpu.memory_space<hbm>>
        %dma_wait3A_103 = tpu.memref_slice %arg4[%run_scoped3A_75, %mul3A_72, %mul3A_2] : memref<10x200x16384xf32, #tpu.memory_space<hbm>> -> memref<1x8x512xf32, #tpu.memory_space<hbm>>
        %dma_wait3A_104 = tpu.memref_squeeze %dma_wait3A_103 : memref<1x8x512xf32, #tpu.memory_space<hbm>> -> memref<8x512xf32, #tpu.memory_space<hbm>>
        %dma_wait3A_105 = arith.constant 0 : i32
        %dma_wait3A_106 = arith.constant 0 : i32
        %dma_wait3A_107 = tpu.memref_slice %arg7[%run_scoped3A_73, %run_scoped3A_74, %dma_wait3A_105, %dma_wait3A_106] : memref<2x10x8x512xf32, #tpu.memory_space<vmem>> -> memref<1x1x8x512xf32, #tpu.memory_space<vmem>>
        %dma_wait3A_108 = tpu.memref_squeeze %dma_wait3A_107 : memref<1x1x8x512xf32, #tpu.memory_space<vmem>> -> memref<8x512xf32, #tpu.memory_space<vmem>>
        tpu.wait_dma2 semaphore(%run_scoped3A_86 : memref<!tpu.dma_semaphore, #tpu.memory_space<semaphore_mem>>) src(%dma_wait3A_108 : memref<8x512xf32, #tpu.memory_space<vmem>>) dst(%dma_wait3A_104 : memref<8x512xf32, #tpu.memory_space<hbm>>)
        tpu.yield
      }) : () -> ()
      %mul3A_76 = arith.constant 8 : i32
      %mul3A_77 = arith.muli %scan3A_27, %mul3A_76 : i32
      %run_scoped3A_78 = arith.constant 0 : i32
      %run_scoped3A_79 = arith.constant 8 : i32
      %run_scoped3A_80 = arith.constant 8 : i32
      "tpu.region"() ({
        %run_scoped3A_86 = tpu.sem_alloc : memref<!tpu.dma_semaphore, #tpu.memory_space<semaphore_mem>>
        %dma_start3A = arith.constant 0 : i32
        %dma_start3A_87 = arith.constant 0 : i32
        %dma_start3A_88 = tpu.memref_slice %arg7[%run_scoped3A_78, %run_scoped3A_79, %dma_start3A, %dma_start3A_87] : memref<2x10x8x512xf32, #tpu.memory_space<vmem>> -> memref<1x1x8x512xf32, #tpu.memory_space<vmem>>
        %dma_start3A_89 = tpu.memref_squeeze %dma_start3A_88 : memref<1x1x8x512xf32, #tpu.memory_space<vmem>> -> memref<8x512xf32, #tpu.memory_space<vmem>>
        %dma_start3A_90 = tpu.memref_slice %arg4[%run_scoped3A_80, %mul3A_77, %mul3A_2] : memref<10x200x16384xf32, #tpu.memory_space<hbm>> -> memref<1x8x512xf32, #tpu.memory_space<hbm>>
        %dma_start3A_91 = tpu.memref_squeeze %dma_start3A_90 : memref<1x8x512xf32, #tpu.memory_space<hbm>> -> memref<8x512xf32, #tpu.memory_space<hbm>>
        %dma_start3A_92 = tpu.memref_slice %arg4[%run_scoped3A_80, %mul3A_77, %mul3A_2] : memref<10x200x16384xf32, #tpu.memory_space<hbm>> -> memref<1x8x512xf32, #tpu.memory_space<hbm>>
        %dma_start3A_93 = tpu.memref_squeeze %dma_start3A_92 : memref<1x8x512xf32, #tpu.memory_space<hbm>> -> memref<8x512xf32, #tpu.memory_space<hbm>>
        %dma_start3A_94 = arith.constant 0 : i32
        %dma_start3A_95 = arith.constant 0 : i32
        %dma_start3A_96 = tpu.memref_slice %arg7[%run_scoped3A_78, %run_scoped3A_79, %dma_start3A_94, %dma_start3A_95] : memref<2x10x8x512xf32, #tpu.memory_space<vmem>> -> memref<1x1x8x512xf32, #tpu.memory_space<vmem>>
        %dma_start3A_97 = tpu.memref_squeeze %dma_start3A_96 : memref<1x1x8x512xf32, #tpu.memory_space<vmem>> -> memref<8x512xf32, #tpu.memory_space<vmem>>
        tpu.enqueue_dma source(%dma_start3A_97 : memref<8x512xf32, #tpu.memory_space<vmem>>) target(%dma_start3A_93 : memref<8x512xf32, #tpu.memory_space<hbm>>) target_semaphore(%run_scoped3A_86 : memref<!tpu.dma_semaphore, #tpu.memory_space<semaphore_mem>>)
        %dma_wait3A = arith.constant 0 : i32
        %dma_wait3A_98 = arith.constant 0 : i32
        %dma_wait3A_99 = tpu.memref_slice %arg7[%run_scoped3A_78, %run_scoped3A_79, %dma_wait3A, %dma_wait3A_98] : memref<2x10x8x512xf32, #tpu.memory_space<vmem>> -> memref<1x1x8x512xf32, #tpu.memory_space<vmem>>
        %dma_wait3A_100 = tpu.memref_squeeze %dma_wait3A_99 : memref<1x1x8x512xf32, #tpu.memory_space<vmem>> -> memref<8x512xf32, #tpu.memory_space<vmem>>
        %dma_wait3A_101 = tpu.memref_slice %arg4[%run_scoped3A_80, %mul3A_77, %mul3A_2] : memref<10x200x16384xf32, #tpu.memory_space<hbm>> -> memref<1x8x512xf32, #tpu.memory_space<hbm>>
        %dma_wait3A_102 = tpu.memref_squeeze %dma_wait3A_101 : memref<1x8x512xf32, #tpu.memory_space<hbm>> -> memref<8x512xf32, #tpu.memory_space<hbm>>
        %dma_wait3A_103 = tpu.memref_slice %arg4[%run_scoped3A_80, %mul3A_77, %mul3A_2] : memref<10x200x16384xf32, #tpu.memory_space<hbm>> -> memref<1x8x512xf32, #tpu.memory_space<hbm>>
        %dma_wait3A_104 = tpu.memref_squeeze %dma_wait3A_103 : memref<1x8x512xf32, #tpu.memory_space<hbm>> -> memref<8x512xf32, #tpu.memory_space<hbm>>
        %dma_wait3A_105 = arith.constant 0 : i32
        %dma_wait3A_106 = arith.constant 0 : i32
        %dma_wait3A_107 = tpu.memref_slice %arg7[%run_scoped3A_78, %run_scoped3A_79, %dma_wait3A_105, %dma_wait3A_106] : memref<2x10x8x512xf32, #tpu.memory_space<vmem>> -> memref<1x1x8x512xf32, #tpu.memory_space<vmem>>
        %dma_wait3A_108 = tpu.memref_squeeze %dma_wait3A_107 : memref<1x1x8x512xf32, #tpu.memory_space<vmem>> -> memref<8x512xf32, #tpu.memory_space<vmem>>
        tpu.wait_dma2 semaphore(%run_scoped3A_86 : memref<!tpu.dma_semaphore, #tpu.memory_space<semaphore_mem>>) src(%dma_wait3A_108 : memref<8x512xf32, #tpu.memory_space<vmem>>) dst(%dma_wait3A_104 : memref<8x512xf32, #tpu.memory_space<hbm>>)
        tpu.yield
      }) : () -> ()
      %mul3A_81 = arith.constant 8 : i32
      %mul3A_82 = arith.muli %scan3A_27, %mul3A_81 : i32
      %run_scoped3A_83 = arith.constant 0 : i32
      %run_scoped3A_84 = arith.constant 9 : i32
      %run_scoped3A_85 = arith.constant 9 : i32
      "tpu.region"() ({
        %run_scoped3A_86 = tpu.sem_alloc : memref<!tpu.dma_semaphore, #tpu.memory_space<semaphore_mem>>
        %dma_start3A = arith.constant 0 : i32
        %dma_start3A_87 = arith.constant 0 : i32
        %dma_start3A_88 = tpu.memref_slice %arg7[%run_scoped3A_83, %run_scoped3A_84, %dma_start3A, %dma_start3A_87] : memref<2x10x8x512xf32, #tpu.memory_space<vmem>> -> memref<1x1x8x512xf32, #tpu.memory_space<vmem>>
        %dma_start3A_89 = tpu.memref_squeeze %dma_start3A_88 : memref<1x1x8x512xf32, #tpu.memory_space<vmem>> -> memref<8x512xf32, #tpu.memory_space<vmem>>
        %dma_start3A_90 = tpu.memref_slice %arg4[%run_scoped3A_85, %mul3A_82, %mul3A_2] : memref<10x200x16384xf32, #tpu.memory_space<hbm>> -> memref<1x8x512xf32, #tpu.memory_space<hbm>>
        %dma_start3A_91 = tpu.memref_squeeze %dma_start3A_90 : memref<1x8x512xf32, #tpu.memory_space<hbm>> -> memref<8x512xf32, #tpu.memory_space<hbm>>
        %dma_start3A_92 = tpu.memref_slice %arg4[%run_scoped3A_85, %mul3A_82, %mul3A_2] : memref<10x200x16384xf32, #tpu.memory_space<hbm>> -> memref<1x8x512xf32, #tpu.memory_space<hbm>>
        %dma_start3A_93 = tpu.memref_squeeze %dma_start3A_92 : memref<1x8x512xf32, #tpu.memory_space<hbm>> -> memref<8x512xf32, #tpu.memory_space<hbm>>
        %dma_start3A_94 = arith.constant 0 : i32
        %dma_start3A_95 = arith.constant 0 : i32
        %dma_start3A_96 = tpu.memref_slice %arg7[%run_scoped3A_83, %run_scoped3A_84, %dma_start3A_94, %dma_start3A_95] : memref<2x10x8x512xf32, #tpu.memory_space<vmem>> -> memref<1x1x8x512xf32, #tpu.memory_space<vmem>>
        %dma_start3A_97 = tpu.memref_squeeze %dma_start3A_96 : memref<1x1x8x512xf32, #tpu.memory_space<vmem>> -> memref<8x512xf32, #tpu.memory_space<vmem>>
        tpu.enqueue_dma source(%dma_start3A_97 : memref<8x512xf32, #tpu.memory_space<vmem>>) target(%dma_start3A_93 : memref<8x512xf32, #tpu.memory_space<hbm>>) target_semaphore(%run_scoped3A_86 : memref<!tpu.dma_semaphore, #tpu.memory_space<semaphore_mem>>)
        %dma_wait3A = arith.constant 0 : i32
        %dma_wait3A_98 = arith.constant 0 : i32
        %dma_wait3A_99 = tpu.memref_slice %arg7[%run_scoped3A_83, %run_scoped3A_84, %dma_wait3A, %dma_wait3A_98] : memref<2x10x8x512xf32, #tpu.memory_space<vmem>> -> memref<1x1x8x512xf32, #tpu.memory_space<vmem>>
        %dma_wait3A_100 = tpu.memref_squeeze %dma_wait3A_99 : memref<1x1x8x512xf32, #tpu.memory_space<vmem>> -> memref<8x512xf32, #tpu.memory_space<vmem>>
        %dma_wait3A_101 = tpu.memref_slice %arg4[%run_scoped3A_85, %mul3A_82, %mul3A_2] : memref<10x200x16384xf32, #tpu.memory_space<hbm>> -> memref<1x8x512xf32, #tpu.memory_space<hbm>>
        %dma_wait3A_102 = tpu.memref_squeeze %dma_wait3A_101 : memref<1x8x512xf32, #tpu.memory_space<hbm>> -> memref<8x512xf32, #tpu.memory_space<hbm>>
        %dma_wait3A_103 = tpu.memref_slice %arg4[%run_scoped3A_85, %mul3A_82, %mul3A_2] : memref<10x200x16384xf32, #tpu.memory_space<hbm>> -> memref<1x8x512xf32, #tpu.memory_space<hbm>>
        %dma_wait3A_104 = tpu.memref_squeeze %dma_wait3A_103 : memref<1x8x512xf32, #tpu.memory_space<hbm>> -> memref<8x512xf32, #tpu.memory_space<hbm>>
        %dma_wait3A_105 = arith.constant 0 : i32
        %dma_wait3A_106 = arith.constant 0 : i32
        %dma_wait3A_107 = tpu.memref_slice %arg7[%run_scoped3A_83, %run_scoped3A_84, %dma_wait3A_105, %dma_wait3A_106] : memref<2x10x8x512xf32, #tpu.memory_space<vmem>> -> memref<1x1x8x512xf32, #tpu.memory_space<vmem>>
        %dma_wait3A_108 = tpu.memref_squeeze %dma_wait3A_107 : memref<1x1x8x512xf32, #tpu.memory_space<vmem>> -> memref<8x512xf32, #tpu.memory_space<vmem>>
        tpu.wait_dma2 semaphore(%run_scoped3A_86 : memref<!tpu.dma_semaphore, #tpu.memory_space<semaphore_mem>>) src(%dma_wait3A_108 : memref<8x512xf32, #tpu.memory_space<vmem>>) dst(%dma_wait3A_104 : memref<8x512xf32, #tpu.memory_space<hbm>>)
        tpu.yield
      }) : () -> ()
    }
    %scan3A_26 = arith.constant 25 : i32
    return
  }
}

</mosaic_0001>

<sc_bundles>
// kernel: kernel.3.cloned.1.call-start
scs
__scs_entry_jumppad:
0x0: {  	(pc) =	sbr.rel $0x88, $3  }
0x1: {  	(tag) =	ssettag $0x0;
	lr =	simm.s32 $0x1  }
0x2: {  	[smem:$0x3F9F] =	sst lr;
	_ =	strace $0xD0000000  }
0x3: {  	_ = 	snop  }
0x4: {  	_ = 	snop  }
0x5: {  	_ = 	snop  }
0x6: {  	_ = 	snop  }
0x7: {  	_ = 	snop  }
__scs_overlays_trampoline_lowered:
0x8: {  	[smem:$0x3FAE] =	sst s0  }
0x9: {  	[smem:$0x3FAF] =	sst s1  }
0xa: {  	[smem:$0x3FB0] =	sst s2  }
0xb: {  	[smem:$0x3FB1] =	sst s3  }
0xc: {  	[smem:$0x3FB2] =	sst s4  }
0xd: {  	[smem:$0x3FB3] =	sst s5  }
0xe: {  	[smem:$0x3FB4] =	sst s6  }
0xf: {  	[smem:$0x3FB5] =	sst s7  }
0x10: {  	[smem:$0x3FB6] =	sst s8  }
0x11: {  	[smem:$0x3FB7] =	sst s9;
	s0 =	simm.s32 @!p0 $0x0  }
0x12: {  	s1 =	sld [smem:$0x3F9D];
	s0 =	simm.s32 @p0 $0x1  }
0x13: {  	[smem:$0x3FB8] =	sst s0;
	s0 =	simm.s32 @!p1 $0x0  }
0x14: {  	s2 =	sld [smem:$0x3F9C];
	s0 =	simm.s32 @p1 $0x1  }
0x15: {  	[smem:$0x3FB9] =	sst s0;
	s0 =	simm.s32 @!p2 $0x0  }
0x16: {  	s3 =	sld [smem:$0x3FDB];
	s0 =	simm.s32 @p2 $0x1  }
0x17: {  	s4 =	simm.s32 $0x1BF5;
	[smem:$0x3FBB] =	sst s0  }
0x18: {  	s0 =	sld [smem:$0x3F9E];
	_ =	swait.ge [sflag:s4], $0x0  }
0x19: {  	s7 =	sld [smem:$0x3F9F]  }
0x1a: {  	s8 =	sadd.s32 $0xFFFFE003, lr  }
0x1b: {  	s9 =	sadd.s32 $0xFFFFFEF7, lr;
	s5 =	simm.s32 $0xFFFFFFFF;
	p2 =	slt.u32 s8, $0xFFFFF086  }
0x1c: {  	p1 =	slt.u32 s9, $0xF7A;
	s5 =	simm.s32 @!p2 $0x0  }
0x1d: {  	s5 =	simm.s32 @p1 $0x1;
	p0 =	seq.s32 s7, s2  }
0x1e: {  	s7 =	smul.u32 @!p0 $0xF7A, s2;
	p2 =	seq.s32 @!p0 s5, $0x0  }
0x1f: {  	s9 =	smul.u32 $0xF7A, s1;
	s8 =	simm.s32 @!p0 $0x1BF5;
	p2 =	por !p2, p0  }
0x20: {  	[sflag:s8] =	ssyncset.s32 @!p0 $0xFFFFF086;
	s6 =	sadd.s32 @!p0 s3, s7;
	s7 =	simm.s32 @!p0 $0x108  }
0x21: {  	s3 =	sadd.s32 s3, s9;
	s6 =	sadd.s32 @!p0 $0x88, s6;
	s7 =	simm.s32 @p2 $0x1082  }
0x22: {  	[simem:s7], [sflag:s8] =	dma.local @!p0 [hbm:s6], $0xF7A  }
0x23: {  	s9 =	sor.u32 $0xD0000000, s2;
	s6 =	simm.s32 $0x108;
	_ =	swait.ge @!p0 [sflag:s8], $0x0  }
0x24: {  	s3 =	sadd.s32 $0x88, s3;
	s6 =	simm.s32 @!p1 $0x1082;
	[sflag:s4] =	ssyncset.s32 $0xFFFFF086  }
0x25: {  	[simem:s6], [sflag:s4] =	dma.local [hbm:s3], $0xF7A  }
0x26: {  	[smem:$0x3F9F] =	sst s1;
	(tag) =	ssettag s2;
	_ =	strace s9  }
0x27: {  	s1 =	sld [smem:$0x3FAF]  }
0x28: {  	s2 =	sld [smem:$0x3FB0]  }
0x29: {  	s4 =	sld [smem:$0x3FB2]  }
0x2a: {  	p0 =	seq.s32 s5, $0x0;
	s5 =	sld [smem:$0x3FB3]  }
0x2b: {  	s6 =	sld [smem:$0x3FB4]  }
0x2c: {  	s7 =	sld [smem:$0x3FB5]  }
0x2d: {  	s3 =	simm.s32 $0x108;
	s8 =	sld [smem:$0x3FB6]  }
0x2e: {  	s3 =	simm.s32 @!p0 $0x1082;
	s9 =	sld [smem:$0x3FB7]  }
0x2f: {  	lr =	sadd.s32 s0, s3;
	s0 =	sld [smem:$0x3FAE]  }
0x30: {  	s3 =	sld [smem:$0x3FB1]  }
0x31: {  	[smem:$0x3FBA] =	sst s10  }
0x32: {  	s10 =	sld [smem:$0x3FB8];
	_ =	sdelay $0x3  }
0x33: {  	p0 =	seq.s32 s10, $0x1;
	s10 =	sld [smem:$0x3FBA];
	_ =	sdelay $0x3  }
0x34: {  	[smem:$0x3FBA] =	sst s10  }
0x35: {  	s10 =	sld [smem:$0x3FB9];
	_ =	sdelay $0x3  }
0x36: {  	p1 =	seq.s32 s10, $0x1;
	s10 =	sld [smem:$0x3FBA];
	_ =	sdelay $0x3  }
0x37: {  	[smem:$0x3FBA] =	sst s10  }
0x38: {  	s10 =	sld [smem:$0x3FBB]  }
0x39: {  	_ = 	snop;
	(pc) =	sbr.ind lr, $3  }
0x3a: {  	_ = 	snop  }
0x3b: {  	_ = 	snop  }
0x3c: {  	p2 =	seq.s32 s10, $0x1;
	s10 =	sld [smem:$0x3FBA]  }
0x3d: {  	_ =	shalt  }
0x3e: {  	_ =	shalt  }
0x3f: {  	_ =	shalt  }
0x40: {  	_ =	shalt  }
0x41: {  	_ =	shalt  }
0x42: {  	_ =	shalt  }
0x43: {  	_ =	shalt  }
0x44: {  	_ =	shalt  }
0x45: {  	_ =	shalt  }
0x46: {  	_ =	shalt  }
0x47: {  	_ =	shalt  }
0x48: {  	_ =	shalt  }
0x49: {  	_ =	shalt  }
0x4a: {  	_ =	shalt  }
0x4b: {  	_ =	shalt  }
0x4c: {  	_ =	shalt  }
0x4d: {  	_ =	shalt  }
0x4e: {  	_ =	shalt  }
0x4f: {  	_ =	shalt  }
0x50: {  	_ =	shalt  }
0x51: {  	_ =	shalt  }
0x52: {  	_ =	shalt  }
0x53: {  	_ =	shalt  }
0x54: {  	_ =	shalt  }
0x55: {  	_ =	shalt  }
0x56: {  	_ =	shalt  }
0x57: {  	_ =	shalt  }
0x58: {  	_ =	shalt  }
0x59: {  	_ =	shalt  }
0x5a: {  	_ =	shalt  }
0x5b: {  	_ =	shalt  }
0x5c: {  	_ =	shalt  }
0x5d: {  	_ =	shalt  }
0x5e: {  	_ =	shalt  }
0x5f: {  	_ =	shalt  }
0x60: {  	_ =	shalt  }
0x61: {  	_ =	shalt  }
0x62: {  	_ =	shalt  }
0x63: {  	_ =	shalt  }
0x64: {  	_ =	shalt  }
0x65: {  	_ =	shalt  }
0x66: {  	_ =	shalt  }
0x67: {  	_ =	shalt  }
0x68: {  	_ =	shalt  }
0x69: {  	_ =	shalt  }
0x6a: {  	_ =	shalt  }
0x6b: {  	_ =	shalt  }
0x6c: {  	_ =	shalt  }
0x6d: {  	_ =	shalt  }
0x6e: {  	_ =	shalt  }
0x6f: {  	_ =	shalt  }
0x70: {  	_ =	shalt  }
0x71: {  	_ =	shalt  }
0x72: {  	_ =	shalt  }
0x73: {  	_ =	shalt  }
0x74: {  	_ =	shalt  }
0x75: {  	_ =	shalt  }
0x76: {  	_ =	shalt  }
0x77: {  	_ =	shalt  }
0x78: {  	_ =	shalt  }
0x79: {  	_ =	shalt  }
0x7a: {  	_ =	shalt  }
0x7b: {  	_ =	shalt  }
0x7c: {  	_ =	shalt  }
0x7d: {  	_ =	shalt  }
0x7e: {  	_ =	shalt  }
0x7f: {  	_ =	shalt  }
0x80: {  	_ =	shalt  }
0x81: {  	_ =	shalt  }
0x82: {  	_ =	shalt  }
0x83: {  	_ =	shalt  }
0x84: {  	_ =	shalt  }
0x85: {  	_ =	shalt  }
0x86: {  	_ =	shalt  }
0x87: {  	_ =	shalt  }
.Lfunc_end0:
.L_simem_size_0:
called_computation_lowered:
.L_overlay_start_0:
0x88: {  	s2 =	sld [smem:$0x3FD9]  }
0x89: {  	s3 =	sld [smem:$0x3FFE];
	_ =	sdelay $0x1  }
0x8a: {  	s1 =	srdreg.scid  }
0x8b: {  	s0 =	sand.u32 $0x1, s1  }
0x8c: {  	s18 =	sshll.u32 s0, $0xA;
	s2 =	sadd.s32 s3, s2  }
0x8d: {  	s2 =	sadd.s32 s2, s18  }
0x8e: {  	[smem:$0x3FC6] =	sst s2  }
0x8f: {  	_ = 	snop  }
0x90: {  	s2 =	sld [smem:$0x3FC9]  }
0x91: {  	s19 =	sld [smem:$0x3FC8]  }
0x92: {  	s4 =	sld [smem:$0x3FD0];
	(tm) =	ssettm $0x1  }
0x93: {  	s5 =	sld [smem:$0x3FFB];
	_ =	sdelay $0x3  }
0x94: {  	_ =	strace s5  }
0x95: {  	s5 =	sld [smem:$0x3FFC];
	_ =	sdelay $0x3  }
0x96: {  	_ =	strace s5  }
0x97: {  	s5 =	sld [smem:$0x3FFD];
	_ =	sdelay $0x3  }
0x98: {  	_ =	strace s5  }
0x99: {  	_ =	strace $0x8FFFFFFF  }
0x9a: {  	s20 =	sld [smem:$0x3FDB];
	_ =	sdelay $0x1  }
0x9b: {  	s6 =	simm.s32 $_scs_section_size  }
0x9c: {  	s7 =	simm.s32 $_size__tile_overlayer_lowered;
	s8 =	simm.s32 $_tile_overlayer_lowered  }
0x9d: {  	s23 =	simm.s32 $0x1BFF;
	s22 =	sshll.u32 s8, $0x1;
	s5 =	sadd.s32 s6, s20  }
0x9e: {  	s9 =	simm.s32 $0x0;
	s21 =	sshll.u32 s7, $0x1;
	s7 =	sadd.s32 s22, s5  }
0x9f: {  	[timem:s9], [sflag:s23] =	dma.local [hbm:s7], s21  }
0xa0: {  	_ =	swait.ge [sflag:s23], s21  }
0xa1: {  	s6 =	ssub.s32 $0x0, s21;
	[sflag:s23] =	ssyncset.done $0x0  }
0xa2: {  	[sflag:s23] =	ssyncadd.s32 s6;
	_ =	sdelay $0x1  }
0xa3: {  	s24 =	simm.s32 $0x1B8B  }
0xa4: {  	_ =	swait.ge [sflag:s24], $0x1  }
0xa5: {  	[sflag:s24] =	ssyncset.done $0x0  }
0xa6: {  	s25 =	simm.s32 $0x1B8E;
	[sflag:s24] =	ssyncadd.s32 $0xFFFFFFFF  }
0xa7: {  	s26 =	simm.s32 $execute0_lowered;
	[smem:$0x3FD2] =	sst s25  }
0xa8: {  	s6 =	sshll.u32 s26, $0x1;
	_ =	strace $0x80000046;
	[dreg:$0x1] =	wrdreg $0xFFFFFFFF  }
0xa9: {  	s28 =	simm.s32 $_size_execute0_lowered;
	s5 =	sadd.s32 s5, s6;
	[dreg:$0x0] =	wrdreg $0x0  }
0xaa: {  	s6 =	sshll.u32 s28, $0x1;
	[dreg:$0x2] =	wrdreg s5  }
0xab: {  	[dreg:$0x3] =	wrdreg s6  }
0xac: {  	[dreg:$0x4] =	wrdreg $0xC0  }
0xad: {  	_ =	task [dreg:s9], $0x5FFFF  }
0xae: {  	[dreg:$0x1] =	wrdreg $0xFFFFFFFF  }
0xaf: {  	[dreg:$0x0] =	wrdreg $0x60  }
0xb0: {  	[dreg:$0x2] =	wrdreg s2  }
0xb1: {  	[dreg:$0x3] =	wrdreg s19  }
0xb2: {  	[dreg:$0x4] =	wrdreg s4  }
0xb3: {  	[dreg:$0x5] =	wrdreg $0x9  }
0xb4: {  	_ =	task.clear_ibuf [dreg:s9], $0x6FFFF;
	_ =	strace $0x90000046  }
0xb5: {  	s29 =	simm.s32 $0x9;
	_ =	strace $0x80000048  }
0xb6: {  	_ =	swait.ge [sflag:s29], $0x1  }
0xb7: {  	[sflag:s29] =	ssyncadd.s32 $0xFFFFFFFF  }
0xb8: {  	_ =	strace $0x90000048  }
0xb9: {  	_ =	sfence  }
0xba: {  	s30 =	sld [smem:$0x0];
	_ =	sdelay $0x2  }
0xbb: {  	s31 =	sshll.u32 s1, $0xD;
	s1 =	sshrl.u32 s1, $0x2  }
0xbc: {  	s3 =	sand.u32 $0x4000, s31;
	s1 =	sadd.s32 s1, s30  }
0xbd: {  	s0 =	sor.u32 s3, s0;
	s1 =	sshll.u32 s1, $0x11  }
0xbe: {  	s0 =	sor.u32 s1, s0  }
0xbf: {  	s0 =	sadd.s32 $0x8F2B, s0  }
0xc0: {  	[sflag:s0] =	ssyncadd.remote.s32 $0x1  }
0xc1: {  	_ =	sfence.sel $0xFFFF  }
0xc2: {  	[dreg:$0x0] =	wrdreg $0xFFFFFFFF;
	(pc) =	sbr.abs _section_cstart, $3  }
0xc3: {  	[dreg:$0x1] =	wrdreg $0xFFFFFFFF  }
0xc4: {  	_ =	task.clear_ibuf [dreg:s9], $0x2FFFF;
	_ =	strace $0x9FFFFFFF  }
0xc5: {  	(tm) =	ssettm $0x7FFFFFFF  }
tec
execute0_lowered:
.L_overlay_start_1:
0x0: {  	(tag) =	ssettag $0x1  }
0x1: {  	s0 =	srdreg.scid  }
0x2: {  	s0 =	sand.u32 $0x1, s0  }
0x3: {  	s4 =	simm.s32 $0x0;
	s3 =	stileid.u32;
	s1 =	ssub.s32 $0x2, s0  }
0x4: {  	s30 =	sshll.u32 s3, $0xD;
	s0 =	sshll.u32 s0, $0xC;
	s2 =	sshrl.u32 s1, $0x1  }
0x5: {  	[smem:$0x7FF] =	sst s4;
	s0 =	sor.u32 s0, s30;
	s1 =	ssub.s32 s1, s2  }
0x6: {  	_ =	strace $0x80000047;
	[dreg:$0x4] =	wrdreg s0;
	s31 =	smax.u32 s1, $0x1  }
0x7: {  	s2 =	simm.s32 $0x1;
	s1 =	simm.s32 $0x0;
	[dreg:$0x5] =	wrdreg s31  }
.LBB2_1:
0x8: {  	[dreg:$0x6] =	wrdreg s1  }
0x9: {  	s0 =	rddreg [dreg:$0x1]  }
0xa: {  	[tilespmem:s4], [sflag:$0x1] =	stream.linear.gather [hbm4b:s0+s4], $0x500, $0x38;
	[tilespmem:$0x16800] =	vst v63  }
0xb: {  	_ =	swait.ge [sflag:s2], $0x500  }
0xc: {  	[sflag:s2] =	ssyncset.done $0x0  }
0xd: {  	s0 =	simm.s32 $0x0;
	[sflag:s2] =	ssyncadd.s32 $0xFFFFFB00  }
.LBB2_2:
0xe: {  	s29 =	sshll.u32 s0, $0x11;
	s1 =	rddreg [dreg:$0x4]  }
0xf: {  	[dreg:$0x7] =	wrdreg s0;
	s0 =	sor.u32 s1, s29  }
0x10: {  	s30 =	rddreg [dreg:$0x0];
	s23 =	simm.s32 $0x0;
	s1 =	sshrl.u32 s0, $0x3  }
0x11: {  	s31 =	simm.s32 $0x800;
	[dreg:$0x8] =	wrdreg s1;
	s0 =	sadd.s32 s30, s1  }
0x12: {  	[tilespmem:s31], [sflag:$0x1] =	stream.linear.gather [hbm4b:s0+s23], $0x1000, $0x38;
	[tilespmem:$0x16800] =	vst v63  }
0x13: {  	_ =	swait.ge [sflag:s2], $0x1000  }
0x14: {  	[sflag:s2] =	ssyncset.done $0x0  }
0x15: {  	s24 =	simm.s32 $0x0;
	s25 =	simm.s32 $0x0;
	[sflag:s2] =	ssyncadd.s32 $0xFFFFF000  }
.LBB2_3:
0x16: {  	s31 =	sand.u32 $0x60, s25;
	s0 =	sand.u32 $0xC00, s24  }
0x17: {  	s1 =	sor.u32 s31, s0  }
0x18: {  	v11 =	vld [tilespmem:s1+$0x800]  }
0x19: {  	v14 =	vld [tilespmem:s1+$0x880]  }
0x1a: {  	s6 =	sor.u32 s24, s25;
	v13 =	vld [tilespmem:s1+$0x900]  }
0x1b: {  	s2 =	sand.u32 $0x3, s23;
	s3 =	sor.u32 s0, s25;
	s6 =	sor.u32 $0x380, s6;
	v10 =	vld [tilespmem:s1+$0xA00]  }
0x1c: {  	s5 =	sshll.u32 s2, $0x5;
	s26 =	sor.u32 $0x10, s31;
	s2 =	sor.u32 $0x180, s3;
	v8 =	vld [tilespmem:s6+$0x800]  }
0x1d: {  	s30 =	sor.u32 s0, s26;
	v12 =	vld [tilespmem:s2+$0x800]  }
0x1e: {  	v7 =	vld [tilespmem:s30+$0x800]  }
0x1f: {  	v6 =	vld [tilespmem:s30+$0x880]  }
0x20: {  	v5 =	vld [tilespmem:s30+$0x900]  }
0x21: {  	v4 =	vld [tilespmem:s30+$0x980]  }
0x22: {  	s29 =	sadd.s32 s5, s24;
	v3 =	vld [tilespmem:s30+$0xA00]  }
0x23: {  	s20 =	sor.u32 $0x300, s29;
	s3 =	sadd.s32 $0x10, s29;
	v2 =	vld [tilespmem:s30+$0xA80]  }
0x24: {  	v9 =	vld [tilespmem:s20+$0x800];
	s7 =	sor.u32 $0x300, s3;
	v15 =	vadd.s32 $0x80, v11  }
0x25: {  	s3 =	sor.u32 $0x380, s3;
	v1 =	vld [tilespmem:s7+$0x800];
	v16 =	vadd.s32 $0x100, v11  }
0x26: {  	v0 =	vld [tilespmem:s3+$0x800];
	v17 =	vadd.s32 $0x180, v11  }
0x27: {  	v18 =	vadd.s32 $0x200, v11;
	v19 =	vld.idx.msk [tilespmem:v11+s4+$0x0], $0xffff  }
0x28: {  	v20 =	vadd.s32 $0x280, v11;
	v28 =	vld.idx.msk [tilespmem:v14+s4+$0x0], $0xffff  }
0x29: {  	v21 =	vadd.s32 $0x300, v11;
	v15 =	vld.idx.msk [tilespmem:v15+s4+$0x0], $0xffff  }
0x2a: {  	v22 =	vadd.s32 $0x380, v11;
	v16 =	vld.idx.msk [tilespmem:v16+s4+$0x0], $0xffff  }
0x2b: {  	v23 =	vadd.s32 $0x400, v11;
	v17 =	vld.idx.msk [tilespmem:v17+s4+$0x0], $0xffff  }
0x2c: {  	v24 =	vadd.s32 $0x80, v14;
	v18 =	vld.idx.msk [tilespmem:v18+s4+$0x0], $0xffff  }
0x2d: {  	v25 =	vadd.s32 $0x100, v14;
	v20 =	vld.idx.msk [tilespmem:v20+s4+$0x0], $0xffff  }
0x2e: {  	v26 =	vadd.s32 $0x180, v14;
	v21 =	vld.idx.msk [tilespmem:v21+s4+$0x0], $0xffff  }
0x2f: {  	v57 =	vadd.s32 $0x200, v14;
	v22 =	vld.idx.msk [tilespmem:v22+s4+$0x0], $0xffff  }
0x30: {  	v29 =	vadd.s32 $0x280, v14;
	v23 =	vld.idx.msk [tilespmem:v23+s4+$0x0], $0xffff  }
0x31: {  	v30 =	vadd.s32 $0x300, v14;
	v24 =	vld.idx.msk [tilespmem:v24+s4+$0x0], $0xffff  }
0x32: {  	v31 =	vadd.s32 $0x380, v14;
	v25 =	vld.idx.msk [tilespmem:v25+s4+$0x0], $0xffff  }
0x33: {  	v32 =	vadd.s32 $0x400, v14;
	v26 =	vld.idx.msk [tilespmem:v26+s4+$0x0], $0xffff  }
0x34: {  	v58 =	vadd.s32 $0x480, v14;
	v33 =	vld.idx.msk [tilespmem:v57+s4+$0x0], $0xffff  }
0x35: {  	v11 =	vadd.s32 $0x480, v11;
	v59 =	vld.idx.msk [tilespmem:v29+s4+$0x0], $0xffff  }
0x36: {  	v60 =	vld.idx.msk [tilespmem:v30+s4+$0x0], $0xffff  }
0x37: {  	v61 =	vld.idx.msk [tilespmem:v31+s4+$0x0], $0xffff  }
0x38: {  	v62 =	vld.idx.msk [tilespmem:v32+s4+$0x0], $0xffff  }
0x39: {  	s8 =	sadd.s32 $0x3800, s0;
	v63 =	vld.idx.msk [tilespmem:v58+s4+$0x0], $0xffff  }
0x3a: {  	s9 =	sadd.s32 $0x4800, s0;
	[dreg:$0x9] =	wrdreg s3;
	s3 =	sor.u32 s31, s8;
	v27 =	vld.idx.msk [tilespmem:v11+s4+$0x0], $0xffff;
	[tilespmem:s1+$0x2800] =	vst v19  }
0x3b: {  	s11 =	sadd.s32 $0x5800, s0;
	s10 =	sor.u32 s31, s9;
	v11 =	vld [tilespmem:s1+$0xA80];
	[tilespmem:s3+$0x0] =	vst v15  }
0x3c: {  	s13 =	sadd.s32 $0x6800, s0;
	s12 =	sor.u32 s31, s11;
	[tilespmem:s10+$0x0] =	vst v16  }
0x3d: {  	s15 =	sadd.s32 $0x7800, s0;
	s14 =	sor.u32 s31, s13;
	[tilespmem:s12+$0x0] =	vst v17  }
0x3e: {  	s17 =	sadd.s32 $0x8800, s0;
	s16 =	sor.u32 s31, s15;
	[tilespmem:s14+$0x0] =	vst v18  }
0x3f: {  	s19 =	sadd.s32 $0x9800, s0;
	s18 =	sor.u32 s31, s17;
	[tilespmem:s16+$0x0] =	vst v20  }
0x40: {  	s22 =	sadd.s32 $0xA800, s0;
	s21 =	sor.u32 s31, s19;
	[tilespmem:s18+$0x0] =	vst v21  }
0x41: {  	s28 =	sor.u32 s31, s22;
	s29 =	sadd.s32 $0xB800, s0;
	[tilespmem:s21+$0x0] =	vst v22  }
0x42: {  	[dreg:$0xa] =	wrdreg s7;
	s7 =	sor.u32 s31, s29;
	[tilespmem:s28+$0x0] =	vst v23  }
0x43: {  	[dreg:$0xb] =	wrdreg s8;
	s8 =	sadd.s32 $0x3880, s0;
	[tilespmem:s7+$0x0] =	vst v27  }
0x44: {  	[dreg:$0xc] =	wrdreg s9;
	s9 =	sadd.s32 $0x4880, s0;
	s3 =	sor.u32 s31, s8;
	[tilespmem:s1+$0x2880] =	vst v28  }
0x45: {  	[dreg:$0xd] =	wrdreg s11;
	s11 =	sadd.s32 $0x5880, s0;
	s10 =	sor.u32 s31, s9;
	[tilespmem:s3+$0x0] =	vst v24  }
0x46: {  	[dreg:$0xe] =	wrdreg s13;
	s13 =	sadd.s32 $0x6880, s0;
	s12 =	sor.u32 s31, s11;
	[tilespmem:s10+$0x0] =	vst v25  }
0x47: {  	[dreg:$0xf] =	wrdreg s15;
	s15 =	sadd.s32 $0x7880, s0;
	s14 =	sor.u32 s31, s13;
	[tilespmem:s12+$0x0] =	vst v26  }
0x48: {  	[dreg:$0x10] =	wrdreg s17;
	s17 =	sadd.s32 $0x8880, s0;
	s16 =	sor.u32 s31, s15;
	[tilespmem:s14+$0x0] =	vst v33  }
0x49: {  	[dreg:$0x11] =	wrdreg s19;
	s19 =	sadd.s32 $0x9880, s0;
	s18 =	sor.u32 s31, s17;
	[tilespmem:s16+$0x0] =	vst v59  }
0x4a: {  	[dreg:$0x12] =	wrdreg s22;
	s22 =	sadd.s32 $0xA880, s0;
	v29 =	vadd.s32 $0x80, v13;
	s21 =	sor.u32 s31, s19;
	[tilespmem:s18+$0x0] =	vst v60  }
0x4b: {  	[dreg:$0x13] =	wrdreg s29;
	s29 =	sadd.s32 $0xB880, s0;
	s28 =	sor.u32 s31, s22;
	v33 =	vadd.s32 $0x100, v13;
	[tilespmem:s21+$0x0] =	vst v61  }
0x4c: {  	v34 =	vadd.s32 $0x180, v13;
	s7 =	sor.u32 s31, s29;
	[tilespmem:s28+$0x0] =	vst v62  }
0x4d: {  	v35 =	vadd.s32 $0x200, v13;
	[tilespmem:s7+$0x0] =	vst v63  }
0x4e: {  	v36 =	vadd.s32 $0x280, v13;
	v18 =	vld.idx.msk [tilespmem:v13+s4+$0x0], $0xffff  }
0x4f: {  	v37 =	vadd.s32 $0x300, v13;
	v14 =	vld.idx.msk [tilespmem:v29+s4+$0x0], $0xffff  }
0x50: {  	v38 =	vadd.s32 $0x380, v13;
	v15 =	vld.idx.msk [tilespmem:v33+s4+$0x0], $0xffff  }
0x51: {  	v39 =	vadd.s32 $0x400, v13;
	v16 =	vld.idx.msk [tilespmem:v34+s4+$0x0], $0xffff  }
0x52: {  	v17 =	vld.idx.msk [tilespmem:v35+s4+$0x0], $0xffff  }
0x53: {  	v40 =	vadd.s32 $0x80, v12;
	v19 =	vld.idx.msk [tilespmem:v36+s4+$0x0], $0xffff  }
0x54: {  	v41 =	vadd.s32 $0x100, v12;
	v20 =	vld.idx.msk [tilespmem:v37+s4+$0x0], $0xffff  }
0x55: {  	v42 =	vadd.s32 $0x180, v12;
	v21 =	vld.idx.msk [tilespmem:v38+s4+$0x0], $0xffff  }
0x56: {  	v43 =	vadd.s32 $0x200, v12;
	v22 =	vld.idx.msk [tilespmem:v39+s4+$0x0], $0xffff  }
0x57: {  	v44 =	vadd.s32 $0x280, v12;
	v27 =	vld.idx.msk [tilespmem:v12+s4+$0x0], $0xffff  }
0x58: {  	v45 =	vadd.s32 $0x300, v12;
	v23 =	vld.idx.msk [tilespmem:v40+s4+$0x0], $0xffff  }
0x59: {  	v46 =	vadd.s32 $0x380, v12;
	v24 =	vld.idx.msk [tilespmem:v41+s4+$0x0], $0xffff  }
0x5a: {  	v47 =	vadd.s32 $0x400, v12;
	v25 =	vld.idx.msk [tilespmem:v42+s4+$0x0], $0xffff  }
0x5b: {  	v13 =	vadd.s32 $0x480, v13;
	v26 =	vld.idx.msk [tilespmem:v43+s4+$0x0], $0xffff  }
0x5c: {  	v12 =	vadd.s32 $0x480, v12;
	v28 =	vld.idx.msk [tilespmem:v44+s4+$0x0], $0xffff  }
0x5d: {  	v29 =	vld.idx.msk [tilespmem:v45+s4+$0x0], $0xffff  }
0x5e: {  	v30 =	vld.idx.msk [tilespmem:v46+s4+$0x0], $0xffff  }
0x5f: {  	v31 =	vld.idx.msk [tilespmem:v47+s4+$0x0], $0xffff  }
0x60: {  	[dreg:$0x14] =	wrdreg s8;
	s8 =	sadd.s32 $0x3900, s0;
	v13 =	vld.idx.msk [tilespmem:v13+s4+$0x0], $0xffff  }
0x61: {  	[dreg:$0x15] =	wrdreg s9;
	s9 =	sadd.s32 $0x4900, s0;
	s3 =	sor.u32 s31, s8;
	v12 =	vld.idx.msk [tilespmem:v12+s4+$0x0], $0xffff;
	[tilespmem:s1+$0x2900] =	vst v18  }
0x62: {  	[dreg:$0x16] =	wrdreg s11;
	s11 =	sadd.s32 $0x5900, s0;
	s10 =	sor.u32 s31, s9;
	[tilespmem:s3+$0x0] =	vst v14  }
0x63: {  	[dreg:$0x17] =	wrdreg s13;
	s13 =	sadd.s32 $0x6900, s0;
	s12 =	sor.u32 s31, s11;
	[tilespmem:s10+$0x0] =	vst v15  }
0x64: {  	[dreg:$0x18] =	wrdreg s15;
	s15 =	sadd.s32 $0x7900, s0;
	s14 =	sor.u32 s31, s13;
	[tilespmem:s12+$0x0] =	vst v16  }
0x65: {  	[dreg:$0x19] =	wrdreg s17;
	s17 =	sadd.s32 $0x8900, s0;
	s16 =	sor.u32 s31, s15;
	[tilespmem:s14+$0x0] =	vst v17  }
0x66: {  	[dreg:$0x1a] =	wrdreg s19;
	s19 =	sadd.s32 $0x9900, s0;
	s18 =	sor.u32 s31, s17;
	[tilespmem:s16+$0x0] =	vst v19  }
0x67: {  	[dreg:$0x1b] =	wrdreg s22;
	s22 =	sadd.s32 $0xA900, s0;
	s21 =	sor.u32 s31, s19;
	[tilespmem:s18+$0x0] =	vst v20  }
0x68: {  	[dreg:$0x1c] =	wrdreg s29;
	s29 =	sadd.s32 $0xB900, s0;
	s28 =	sor.u32 s31, s22;
	[tilespmem:s21+$0x0] =	vst v21  }
0x69: {  	s5 =	sor.u32 s31, s29;
	[tilespmem:s28+$0x0] =	vst v22  }
0x6a: {  	[dreg:$0x1d] =	wrdreg s8;
	s7 =	sadd.s32 $0x3980, s0;
	[tilespmem:s5+$0x0] =	vst v13  }
0x6b: {  	[dreg:$0x1e] =	wrdreg s9;
	s9 =	sadd.s32 $0x4980, s0;
	s8 =	sor.u32 s31, s7;
	[tilespmem:s2+$0x2800] =	vst v27  }
0x6c: {  	[dreg:$0x1f] =	wrdreg s11;
	s11 =	sadd.s32 $0x5980, s0;
	s10 =	sor.u32 s31, s9;
	[tilespmem:s8+$0x0] =	vst v23  }
0x6d: {  	[smem:$0x7E2] =	sst s13;
	s13 =	sadd.s32 $0x6980, s0;
	s12 =	sor.u32 s31, s11;
	[tilespmem:s10+$0x0] =	vst v24  }
0x6e: {  	[smem:$0x7E3] =	sst s15;
	s15 =	sadd.s32 $0x7980, s0;
	s14 =	sor.u32 s31, s13;
	[tilespmem:s12+$0x0] =	vst v25  }
0x6f: {  	[smem:$0x7E4] =	sst s17;
	s17 =	sadd.s32 $0x8980, s0;
	s16 =	sor.u32 s31, s15;
	[tilespmem:s14+$0x0] =	vst v26  }
0x70: {  	[smem:$0x7E5] =	sst s19;
	s19 =	sadd.s32 $0x9980, s0;
	s18 =	sor.u32 s31, s17;
	[tilespmem:s16+$0x0] =	vst v28  }
0x71: {  	v48 =	vadd.s32 $0x80, v10;
	[smem:$0x7E6] =	sst s22;
	s22 =	sadd.s32 $0xA980, s0;
	s21 =	sor.u32 s31, s19;
	[tilespmem:s18+$0x0] =	vst v29  }
0x72: {  	v49 =	vadd.s32 $0x100, v10;
	[smem:$0x7E7] =	sst s29;
	s29 =	sadd.s32 $0xB980, s0;
	s28 =	sor.u32 s31, s22;
	[tilespmem:s21+$0x0] =	vst v30  }
0x73: {  	v50 =	vadd.s32 $0x180, v10;
	s3 =	sor.u32 s31, s29;
	[tilespmem:s28+$0x0] =	vst v31  }
0x74: {  	v51 =	vadd.s32 $0x200, v10;
	[tilespmem:s3+$0x0] =	vst v12  }
0x75: {  	v52 =	vadd.s32 $0x280, v10;
	v16 =	vld.idx.msk [tilespmem:v10+s4+$0x0], $0xffff  }
0x76: {  	v53 =	vadd.s32 $0x300, v10;
	v13 =	vld.idx.msk [tilespmem:v48+s4+$0x0], $0xffff  }
0x77: {  	v54 =	vadd.s32 $0x380, v10;
	v14 =	vld.idx.msk [tilespmem:v49+s4+$0x0], $0xffff  }
0x78: {  	v55 =	vadd.s32 $0x400, v10;
	v15 =	vld.idx.msk [tilespmem:v50+s4+$0x0], $0xffff  }
0x79: {  	v12 =	vld.idx.msk [tilespmem:v51+s4+$0x0], $0xffff  }
0x7a: {  	v56 =	vadd.s32 $0x80, v11;
	v17 =	vld.idx.msk [tilespmem:v52+s4+$0x0], $0xffff  }
0x7b: {  	v57 =	vadd.s32 $0x100, v11;
	v18 =	vld.idx.msk [tilespmem:v53+s4+$0x0], $0xffff  }
0x7c: {  	v58 =	vadd.s32 $0x180, v11;
	v19 =	vld.idx.msk [tilespmem:v54+s4+$0x0], $0xffff  }
0x7d: {  	v59 =	vadd.s32 $0x200, v11;
	v20 =	vld.idx.msk [tilespmem:v55+s4+$0x0], $0xffff  }
0x7e: {  	v60 =	vadd.s32 $0x280, v11;
	v25 =	vld.idx.msk [tilespmem:v11+s4+$0x0], $0xffff  }
0x7f: {  	v61 =	vadd.s32 $0x300, v11;
	v21 =	vld.idx.msk [tilespmem:v56+s4+$0x0], $0xffff  }
0x80: {  	v62 =	vadd.s32 $0x380, v11;
	v22 =	vld.idx.msk [tilespmem:v57+s4+$0x0], $0xffff  }
0x81: {  	v63 =	vadd.s32 $0x400, v11;
	v23 =	vld.idx.msk [tilespmem:v58+s4+$0x0], $0xffff  }
0x82: {  	v10 =	vadd.s32 $0x480, v10;
	v24 =	vld.idx.msk [tilespmem:v59+s4+$0x0], $0xffff  }
0x83: {  	v11 =	vadd.s32 $0x480, v11;
	v26 =	vld.idx.msk [tilespmem:v60+s4+$0x0], $0xffff  }
0x84: {  	v27 =	vld.idx.msk [tilespmem:v61+s4+$0x0], $0xffff  }
0x85: {  	v28 =	vld.idx.msk [tilespmem:v62+s4+$0x0], $0xffff  }
0x86: {  	v29 =	vld.idx.msk [tilespmem:v63+s4+$0x0], $0xffff  }
0x87: {  	s5 =	sadd.s32 $0x3A00, s0;
	v10 =	vld.idx.msk [tilespmem:v10+s4+$0x0], $0xffff  }
0x88: {  	[smem:$0x7E8] =	sst s7;
	s7 =	sadd.s32 $0x4A00, s0;
	s2 =	sor.u32 s31, s5;
	v11 =	vld.idx.msk [tilespmem:v11+s4+$0x0], $0xffff;
	[tilespmem:s1+$0x2A00] =	vst v16  }
0x89: {  	[smem:$0x7E9] =	sst s9;
	s9 =	sadd.s32 $0x5A00, s0;
	s8 =	sor.u32 s31, s7;
	[tilespmem:s2+$0x0] =	vst v13  }
0x8a: {  	[smem:$0x7EA] =	sst s11;
	s11 =	sadd.s32 $0x6A00, s0;
	s10 =	sor.u32 s31, s9;
	[tilespmem:s8+$0x0] =	vst v14  }
0x8b: {  	[smem:$0x7EB] =	sst s13;
	s13 =	sadd.s32 $0x7A00, s0;
	s12 =	sor.u32 s31, s11;
	[tilespmem:s10+$0x0] =	vst v15  }
0x8c: {  	[smem:$0x7EC] =	sst s15;
	s15 =	sadd.s32 $0x8A00, s0;
	s14 =	sor.u32 s31, s13;
	[tilespmem:s12+$0x0] =	vst v12  }
0x8d: {  	[smem:$0x7ED] =	sst s17;
	s17 =	sadd.s32 $0x9A00, s0;
	s16 =	sor.u32 s31, s15;
	[tilespmem:s14+$0x0] =	vst v17  }
0x8e: {  	[smem:$0x7EE] =	sst s19;
	s19 =	sadd.s32 $0xAA00, s0;
	s18 =	sor.u32 s31, s17;
	[tilespmem:s16+$0x0] =	vst v18  }
0x8f: {  	[smem:$0x7EF] =	sst s22;
	s22 =	sadd.s32 $0xBA00, s0;
	s21 =	sor.u32 s31, s19;
	[tilespmem:s18+$0x0] =	vst v19  }
0x90: {  	[smem:$0x7F0] =	sst s29;
	s28 =	sor.u32 s31, s22;
	[tilespmem:s21+$0x0] =	vst v20  }
0x91: {  	[smem:$0x7F2] =	sst s7;
	s29 =	sadd.s32 $0x3A80, s0;
	[tilespmem:s28+$0x0] =	vst v10  }
0x92: {  	[smem:$0x7F1] =	sst s5;
	s5 =	sadd.s32 $0x4A80, s0;
	s3 =	sor.u32 s31, s29;
	[tilespmem:s1+$0x2A80] =	vst v25  }
0x93: {  	[smem:$0x7FA] =	sst s29;
	s7 =	sor.u32 s31, s5;
	s8 =	sadd.s32 $0x5A80, s0;
	[tilespmem:s3+$0x0] =	vst v21  }
0x94: {  	[smem:$0x7F3] =	sst s9;
	s9 =	sor.u32 s31, s8;
	s10 =	sadd.s32 $0x6A80, s0;
	[tilespmem:s7+$0x0] =	vst v22  }
0x95: {  	[smem:$0x7F4] =	sst s11;
	s29 =	sadd.s32 $0x7A80, s0;
	s11 =	sor.u32 s31, s10;
	[tilespmem:s9+$0x0] =	vst v23  }
0x96: {  	[smem:$0x7F5] =	sst s13;
	s12 =	sor.u32 s31, s29;
	s28 =	sadd.s32 $0x8A80, s0;
	[tilespmem:s11+$0x0] =	vst v24  }
0x97: {  	[smem:$0x7F9] =	sst s22;
	s22 =	sadd.s32 $0x9A80, s0;
	s13 =	sor.u32 s31, s28;
	[tilespmem:s12+$0x0] =	vst v26  }
0x98: {  	v32 =	vadd.s32 $0x80, v9;
	[smem:$0x7F6] =	sst s15;
	s14 =	sor.u32 s31, s22;
	s21 =	sadd.s32 $0xAA80, s0;
	[tilespmem:s13+$0x0] =	vst v27  }
0x99: {  	v33 =	vadd.s32 $0x100, v9;
	[smem:$0x7F8] =	sst s19;
	s19 =	sadd.s32 $0xBA80, s0;
	s15 =	sor.u32 s31, s21;
	[tilespmem:s14+$0x0] =	vst v28  }
0x9a: {  	v34 =	vadd.s32 $0x180, v9;
	s16 =	sor.u32 s31, s19;
	[tilespmem:s15+$0x0] =	vst v29  }
0x9b: {  	v35 =	vadd.s32 $0x200, v9;
	[tilespmem:s16+$0x0] =	vst v11  }
0x9c: {  	v36 =	vadd.s32 $0x280, v9;
	v14 =	vld.idx.msk [tilespmem:v9+s4+$0x0], $0xffff  }
0x9d: {  	v37 =	vadd.s32 $0x300, v9;
	v10 =	vld.idx.msk [tilespmem:v32+s4+$0x0], $0xffff  }
0x9e: {  	v38 =	vadd.s32 $0x380, v9;
	v12 =	vld.idx.msk [tilespmem:v33+s4+$0x0], $0xffff  }
0x9f: {  	v39 =	vadd.s32 $0x400, v9;
	v13 =	vld.idx.msk [tilespmem:v34+s4+$0x0], $0xffff  }
0xa0: {  	v11 =	vld.idx.msk [tilespmem:v35+s4+$0x0], $0xffff  }
0xa1: {  	v40 =	vadd.s32 $0x80, v8;
	v15 =	vld.idx.msk [tilespmem:v36+s4+$0x0], $0xffff  }
0xa2: {  	v41 =	vadd.s32 $0x100, v8;
	v16 =	vld.idx.msk [tilespmem:v37+s4+$0x0], $0xffff  }
0xa3: {  	v42 =	vadd.s32 $0x180, v8;
	v17 =	vld.idx.msk [tilespmem:v38+s4+$0x0], $0xffff  }
0xa4: {  	v43 =	vadd.s32 $0x200, v8;
	v18 =	vld.idx.msk [tilespmem:v39+s4+$0x0], $0xffff  }
0xa5: {  	v44 =	vadd.s32 $0x280, v8;
	v23 =	vld.idx.msk [tilespmem:v8+s4+$0x0], $0xffff  }
0xa6: {  	v45 =	vadd.s32 $0x300, v8;
	v19 =	vld.idx.msk [tilespmem:v40+s4+$0x0], $0xffff  }
0xa7: {  	v46 =	vadd.s32 $0x380, v8;
	v20 =	vld.idx.msk [tilespmem:v41+s4+$0x0], $0xffff  }
0xa8: {  	v47 =	vadd.s32 $0x400, v8;
	v21 =	vld.idx.msk [tilespmem:v42+s4+$0x0], $0xffff  }
0xa9: {  	v9 =	vadd.s32 $0x480, v9;
	v22 =	vld.idx.msk [tilespmem:v43+s4+$0x0], $0xffff  }
0xaa: {  	v8 =	vadd.s32 $0x480, v8;
	v24 =	vld.idx.msk [tilespmem:v44+s4+$0x0], $0xffff  }
0xab: {  	v25 =	vld.idx.msk [tilespmem:v45+s4+$0x0], $0xffff  }
0xac: {  	v26 =	vld.idx.msk [tilespmem:v46+s4+$0x0], $0xffff  }
0xad: {  	v27 =	vld.idx.msk [tilespmem:v47+s4+$0x0], $0xffff  }
0xae: {  	s18 =	sadd.s32 $0x3B00, s0;
	v9 =	vld.idx.msk [tilespmem:v9+s4+$0x0], $0xffff  }
0xaf: {  	[smem:$0x7F7] =	sst s17;
	s17 =	sor.u32 s31, s18;
	v8 =	vld.idx.msk [tilespmem:v8+s4+$0x0], $0xffff;
	[tilespmem:s20+$0x2800] =	vst v14;
	s20 =	sadd.s32 $0x4B00, s0  }
0xb0: {  	[tilespmem:s17+$0x0] =	vst v10;
	s2 =	sor.u32 s31, s20;
	s17 =	sadd.s32 $0x5B00, s0  }
0xb1: {  	s16 =	sadd.s32 $0x6B00, s0;
	[tilespmem:s2+$0x0] =	vst v12;
	s3 =	sor.u32 s31, s17  }
0xb2: {  	[smem:$0x7FB] =	sst s5;
	s15 =	sadd.s32 $0x7B00, s0;
	s5 =	sor.u32 s31, s16;
	[tilespmem:s3+$0x0] =	vst v13  }
0xb3: {  	s14 =	sadd.s32 $0x8B00, s0;
	s7 =	sor.u32 s31, s15;
	[tilespmem:s5+$0x0] =	vst v11  }
0xb4: {  	[smem:$0x7FC] =	sst s8;
	s13 =	sadd.s32 $0x9B00, s0;
	s8 =	sor.u32 s31, s14;
	[tilespmem:s7+$0x0] =	vst v15  }
0xb5: {  	s12 =	sadd.s32 $0xAB00, s0;
	s9 =	sor.u32 s31, s13;
	[tilespmem:s8+$0x0] =	vst v16  }
0xb6: {  	[smem:$0x7FD] =	sst s10;
	s11 =	sadd.s32 $0xBB00, s0;
	s10 =	sor.u32 s31, s12;
	[tilespmem:s9+$0x0] =	vst v17  }
0xb7: {  	s2 =	sor.u32 s31, s11;
	[tilespmem:s10+$0x0] =	vst v18  }
0xb8: {  	s10 =	sadd.s32 $0x3B80, s0;
	[tilespmem:s2+$0x0] =	vst v9  }
0xb9: {  	s9 =	sadd.s32 $0x4B80, s0;
	s3 =	sor.u32 s31, s10;
	[tilespmem:s6+$0x2800] =	vst v23  }
0xba: {  	s8 =	sadd.s32 $0x5B80, s0;
	s5 =	sor.u32 s31, s9;
	[tilespmem:s3+$0x0] =	vst v19  }
0xbb: {  	s7 =	sadd.s32 $0x6B80, s0;
	s6 =	sor.u32 s31, s8;
	[tilespmem:s5+$0x0] =	vst v20  }
0xbc: {  	s2 =	sor.u32 s31, s7;
	[tilespmem:s6+$0x0] =	vst v21;
	s6 =	sadd.s32 $0x7B80, s0  }
0xbd: {  	s5 =	sadd.s32 $0x8B80, s0;
	[tilespmem:s2+$0x0] =	vst v22;
	s3 =	sor.u32 s31, s6  }
0xbe: {  	s2 =	sor.u32 s31, s5;
	[tilespmem:s3+$0x0] =	vst v24;
	s3 =	sadd.s32 $0x9B80, s0  }
0xbf: {  	v48 =	vadd.s32 $0x80, v7;
	[tilespmem:s2+$0x0] =	vst v25;
	s1 =	sor.u32 s31, s3;
	s2 =	sadd.s32 $0xAB80, s0  }
0xc0: {  	v49 =	vadd.s32 $0x100, v7;
	s0 =	sadd.s32 $0xBB80, s0;
	[tilespmem:s1+$0x0] =	vst v26;
	s1 =	sor.u32 s31, s2  }
0xc1: {  	v50 =	vadd.s32 $0x180, v7;
	s31 =	sor.u32 s31, s0;
	[tilespmem:s1+$0x0] =	vst v27  }
0xc2: {  	v51 =	vadd.s32 $0x200, v7;
	[tilespmem:s31+$0x0] =	vst v8  }
0xc3: {  	v52 =	vadd.s32 $0x280, v7;
	v12 =	vld.idx.msk [tilespmem:v7+s4+$0x0], $0xffff  }
0xc4: {  	v53 =	vadd.s32 $0x300, v7;
	v9 =	vld.idx.msk [tilespmem:v48+s4+$0x0], $0xffff  }
0xc5: {  	v54 =	vadd.s32 $0x380, v7;
	v10 =	vld.idx.msk [tilespmem:v49+s4+$0x0], $0xffff  }
0xc6: {  	v55 =	vadd.s32 $0x400, v7;
	v11 =	vld.idx.msk [tilespmem:v50+s4+$0x0], $0xffff  }
0xc7: {  	v8 =	vld.idx.msk [tilespmem:v51+s4+$0x0], $0xffff  }
0xc8: {  	v56 =	vadd.s32 $0x80, v6;
	v13 =	vld.idx.msk [tilespmem:v52+s4+$0x0], $0xffff  }
0xc9: {  	v57 =	vadd.s32 $0x100, v6;
	v14 =	vld.idx.msk [tilespmem:v53+s4+$0x0], $0xffff  }
0xca: {  	v58 =	vadd.s32 $0x180, v6;
	v15 =	vld.idx.msk [tilespmem:v54+s4+$0x0], $0xffff  }
0xcb: {  	v59 =	vadd.s32 $0x200, v6;
	v16 =	vld.idx.msk [tilespmem:v55+s4+$0x0], $0xffff  }
0xcc: {  	v60 =	vadd.s32 $0x280, v6;
	v21 =	vld.idx.msk [tilespmem:v6+s4+$0x0], $0xffff  }
0xcd: {  	v61 =	vadd.s32 $0x300, v6;
	v17 =	vld.idx.msk [tilespmem:v56+s4+$0x0], $0xffff  }
0xce: {  	v62 =	vadd.s32 $0x380, v6;
	v18 =	vld.idx.msk [tilespmem:v57+s4+$0x0], $0xffff  }
0xcf: {  	v63 =	vadd.s32 $0x400, v6;
	v19 =	vld.idx.msk [tilespmem:v58+s4+$0x0], $0xffff  }
0xd0: {  	v7 =	vadd.s32 $0x480, v7;
	v20 =	vld.idx.msk [tilespmem:v59+s4+$0x0], $0xffff  }
0xd1: {  	v6 =	vadd.s32 $0x480, v6;
	v22 =	vld.idx.msk [tilespmem:v60+s4+$0x0], $0xffff  }
0xd2: {  	v23 =	vld.idx.msk [tilespmem:v61+s4+$0x0], $0xffff  }
0xd3: {  	v24 =	vld.idx.msk [tilespmem:v62+s4+$0x0], $0xffff  }
0xd4: {  	v25 =	vld.idx.msk [tilespmem:v63+s4+$0x0], $0xffff  }
0xd5: {  	s31 =	rddreg [dreg:$0xb];
	v7 =	vld.idx.msk [tilespmem:v7+s4+$0x0], $0xffff  }
0xd6: {  	s1 =	sor.u32 s26, s31;
	s31 =	rddreg [dreg:$0xc];
	v6 =	vld.idx.msk [tilespmem:v6+s4+$0x0], $0xffff;
	[tilespmem:s30+$0x2800] =	vst v12  }
0xd7: {  	[tilespmem:s1+$0x0] =	vst v9;
	s1 =	sor.u32 s26, s31;
	s31 =	rddreg [dreg:$0xd]  }
0xd8: {  	[tilespmem:s1+$0x0] =	vst v10;
	s1 =	sor.u32 s26, s31;
	s31 =	rddreg [dreg:$0xe]  }
0xd9: {  	[tilespmem:s1+$0x0] =	vst v11;
	s1 =	sor.u32 s26, s31;
	s31 =	rddreg [dreg:$0xf]  }
0xda: {  	[tilespmem:s1+$0x0] =	vst v8;
	s1 =	sor.u32 s26, s31;
	s31 =	rddreg [dreg:$0x10]  }
0xdb: {  	[tilespmem:s1+$0x0] =	vst v13;
	s1 =	sor.u32 s26, s31;
	s31 =	rddreg [dreg:$0x11]  }
0xdc: {  	[tilespmem:s1+$0x0] =	vst v14;
	s1 =	sor.u32 s26, s31;
	s31 =	rddreg [dreg:$0x12]  }
0xdd: {  	[tilespmem:s1+$0x0] =	vst v15;
	s1 =	sor.u32 s26, s31;
	s31 =	rddreg [dreg:$0x13]  }
0xde: {  	[tilespmem:s1+$0x0] =	vst v16;
	s1 =	sor.u32 s26, s31  }
0xdf: {  	s31 =	rddreg [dreg:$0x14];
	[tilespmem:s1+$0x0] =	vst v7  }
0xe0: {  	s1 =	sor.u32 s26, s31;
	s31 =	rddreg [dreg:$0x15];
	[tilespmem:s30+$0x2880] =	vst v21  }
0xe1: {  	[tilespmem:s1+$0x0] =	vst v17;
	s1 =	sor.u32 s26, s31;
	s31 =	rddreg [dreg:$0x16]  }
0xe2: {  	[tilespmem:s1+$0x0] =	vst v18;
	s1 =	sor.u32 s26, s31;
	s31 =	rddreg [dreg:$0x17]  }
0xe3: {  	[tilespmem:s1+$0x0] =	vst v19;
	s1 =	sor.u32 s26, s31;
	s31 =	rddreg [dreg:$0x18]  }
0xe4: {  	[tilespmem:s1+$0x0] =	vst v20;
	s1 =	sor.u32 s26, s31;
	s31 =	rddreg [dreg:$0x19]  }
0xe5: {  	[tilespmem:s1+$0x0] =	vst v22;
	s1 =	sor.u32 s26, s31;
	s31 =	rddreg [dreg:$0x1a]  }
0xe6: {  	v16 =	vadd.s32 $0x80, v5;
	[tilespmem:s1+$0x0] =	vst v23;
	s1 =	sor.u32 s26, s31;
	s31 =	rddreg [dreg:$0x1b]  }
0xe7: {  	v17 =	vadd.s32 $0x100, v5;
	[tilespmem:s1+$0x0] =	vst v24;
	s1 =	sor.u32 s26, s31;
	s31 =	rddreg [dreg:$0x1c]  }
0xe8: {  	v18 =	vadd.s32 $0x180, v5;
	[tilespmem:s1+$0x0] =	vst v25;
	s1 =	sor.u32 s26, s31  }
0xe9: {  	v19 =	vadd.s32 $0x200, v5;
	[tilespmem:s1+$0x0] =	vst v6  }
0xea: {  	v20 =	vadd.s32 $0x280, v5;
	v10 =	vld.idx.msk [tilespmem:v5+s4+$0x0], $0xffff  }
0xeb: {  	v21 =	vadd.s32 $0x300, v5;
	v7 =	vld.idx.msk [tilespmem:v16+s4+$0x0], $0xffff  }
0xec: {  	v22 =	vadd.s32 $0x380, v5;
	v8 =	vld.idx.msk [tilespmem:v17+s4+$0x0], $0xffff  }
0xed: {  	v9 =	vld.idx.msk [tilespmem:v18+s4+$0x0], $0xffff  }
0xee: {  	v26 =	vadd.s32 $0x180, v4;
	v6 =	vld.idx.msk [tilespmem:v19+s4+$0x0], $0xffff  }
0xef: {  	v27 =	vadd.s32 $0x200, v4;
	v11 =	vld.idx.msk [tilespmem:v20+s4+$0x0], $0xffff  }
0xf0: {  	v28 =	vadd.s32 $0x280, v4;
	v12 =	vld.idx.msk [tilespmem:v21+s4+$0x0], $0xffff  }
0xf1: {  	v29 =	vadd.s32 $0x300, v4;
	v13 =	vld.idx.msk [tilespmem:v22+s4+$0x0], $0xffff  }
0xf2: {  	v30 =	vadd.s32 $0x380, v4;
	v19 =	vld.idx.msk [tilespmem:v4+s4+$0x0], $0xffff  }
0xf3: {  	v23 =	vadd.s32 $0x400, v5;
	v17 =	vld.idx.msk [tilespmem:v26+s4+$0x0], $0xffff  }
0xf4: {  	v31 =	vadd.s32 $0x400, v4;
	v18 =	vld.idx.msk [tilespmem:v27+s4+$0x0], $0xffff  }
0xf5: {  	v24 =	vadd.s32 $0x80, v4;
	v20 =	vld.idx.msk [tilespmem:v28+s4+$0x0], $0xffff  }
0xf6: {  	v25 =	vadd.s32 $0x100, v4;
	v21 =	vld.idx.msk [tilespmem:v29+s4+$0x0], $0xffff  }
0xf7: {  	v5 =	vadd.s32 $0x480, v5;
	v22 =	vld.idx.msk [tilespmem:v30+s4+$0x0], $0xffff  }
0xf8: {  	v4 =	vadd.s32 $0x480, v4;
	v14 =	vld.idx.msk [tilespmem:v23+s4+$0x0], $0xffff  }
0xf9: {  	v23 =	vld.idx.msk [tilespmem:v31+s4+$0x0], $0xffff  }
0xfa: {  	v15 =	vld.idx.msk [tilespmem:v24+s4+$0x0], $0xffff  }
0xfb: {  	v16 =	vld.idx.msk [tilespmem:v25+s4+$0x0], $0xffff  }
0xfc: {  	s31 =	rddreg [dreg:$0x1d];
	v5 =	vld.idx.msk [tilespmem:v5+s4+$0x0], $0xffff  }
0xfd: {  	s1 =	sor.u32 s26, s31;
	s31 =	rddreg [dreg:$0x1e];
	v4 =	vld.idx.msk [tilespmem:v4+s4+$0x0], $0xffff;
	[tilespmem:s30+$0x2900] =	vst v10  }
0xfe: {  	[tilespmem:s1+$0x0] =	vst v7;
	s1 =	sor.u32 s26, s31;
	s31 =	rddreg [dreg:$0x1f]  }
0xff: {  	[tilespmem:s1+$0x0] =	vst v8;
	s1 =	sor.u32 s26, s31;
	s31 =	sld [smem:$0x7E2];
	_ =	sdelay $0x2  }
0x100: {  	[tilespmem:s1+$0x0] =	vst v9;
	s1 =	sor.u32 s26, s31;
	s31 =	sld [smem:$0x7E3];
	_ =	sdelay $0x2  }
0x101: {  	[tilespmem:s1+$0x0] =	vst v6;
	s1 =	sor.u32 s26, s31;
	s31 =	sld [smem:$0x7E4];
	_ =	sdelay $0x2  }
0x102: {  	[tilespmem:s1+$0x0] =	vst v11;
	s1 =	sor.u32 s26, s31;
	s31 =	sld [smem:$0x7E5];
	_ =	sdelay $0x2  }
0x103: {  	[tilespmem:s1+$0x0] =	vst v12;
	s1 =	sor.u32 s26, s31;
	s31 =	sld [smem:$0x7E6];
	_ =	sdelay $0x2  }
0x104: {  	[tilespmem:s1+$0x0] =	vst v13;
	s1 =	sor.u32 s26, s31;
	s31 =	sld [smem:$0x7E7];
	_ =	sdelay $0x2  }
0x105: {  	[tilespmem:s1+$0x0] =	vst v14;
	s1 =	sor.u32 s26, s31;
	s31 =	sld [smem:$0x7E8];
	_ =	sdelay $0x2  }
0x106: {  	[tilespmem:s1+$0x0] =	vst v5;
	s1 =	sor.u32 s26, s31;
	s31 =	sld [smem:$0x7E9];
	_ =	sdelay $0x1  }
0x107: {  	[tilespmem:s30+$0x2980] =	vst v19  }
0x108: {  	[tilespmem:s1+$0x0] =	vst v15;
	s1 =	sor.u32 s26, s31;
	s31 =	sld [smem:$0x7EA];
	_ =	sdelay $0x2  }
0x109: {  	[tilespmem:s1+$0x0] =	vst v16;
	s1 =	sor.u32 s26, s31;
	s31 =	sld [smem:$0x7EB];
	_ =	sdelay $0x2  }
0x10a: {  	[tilespmem:s1+$0x0] =	vst v17;
	s1 =	sor.u32 s26, s31;
	s31 =	sld [smem:$0x7EC];
	_ =	sdelay $0x2  }
0x10b: {  	[tilespmem:s1+$0x0] =	vst v18;
	s1 =	sor.u32 s26, s31;
	s31 =	sld [smem:$0x7ED];
	_ =	sdelay $0x2  }
0x10c: {  	[tilespmem:s1+$0x0] =	vst v20;
	s1 =	sor.u32 s26, s31;
	s31 =	sld [smem:$0x7EE];
	_ =	sdelay $0x2  }
0x10d: {  	[tilespmem:s1+$0x0] =	vst v21;
	s1 =	sor.u32 s26, s31;
	s31 =	sld [smem:$0x7EF];
	_ =	sdelay $0x2  }
0x10e: {  	[tilespmem:s1+$0x0] =	vst v22;
	s1 =	sor.u32 s26, s31;
	s31 =	sld [smem:$0x7F0]  }
0x10f: {  	v32 =	vadd.s32 $0x80, v3  }
0x110: {  	v33 =	vadd.s32 $0x100, v3  }
0x111: {  	v34 =	vadd.s32 $0x180, v3;
	[tilespmem:s1+$0x0] =	vst v23;
	s1 =	sor.u32 s26, s31  }
0x112: {  	v35 =	vadd.s32 $0x200, v3;
	[tilespmem:s1+$0x0] =	vst v4  }
0x113: {  	v36 =	vadd.s32 $0x280, v3;
	v8 =	vld.idx.msk [tilespmem:v3+s4+$0x0], $0xffff  }
0x114: {  	v37 =	vadd.s32 $0x300, v3;
	v5 =	vld.idx.msk [tilespmem:v32+s4+$0x0], $0xffff  }
0x115: {  	v38 =	vadd.s32 $0x380, v3;
	v6 =	vld.idx.msk [tilespmem:v33+s4+$0x0], $0xffff  }
0x116: {  	v39 =	vadd.s32 $0x400, v3;
	v7 =	vld.idx.msk [tilespmem:v34+s4+$0x0], $0xffff  }
0x117: {  	v4 =	vld.idx.msk [tilespmem:v35+s4+$0x0], $0xffff  }
0x118: {  	v40 =	vadd.s32 $0x80, v2;
	v9 =	vld.idx.msk [tilespmem:v36+s4+$0x0], $0xffff  }
0x119: {  	v41 =	vadd.s32 $0x100, v2;
	v10 =	vld.idx.msk [tilespmem:v37+s4+$0x0], $0xffff  }
0x11a: {  	v42 =	vadd.s32 $0x180, v2;
	v11 =	vld.idx.msk [tilespmem:v38+s4+$0x0], $0xffff  }
0x11b: {  	v43 =	vadd.s32 $0x200, v2;
	v12 =	vld.idx.msk [tilespmem:v39+s4+$0x0], $0xffff  }
0x11c: {  	v44 =	vadd.s32 $0x280, v2;
	v17 =	vld.idx.msk [tilespmem:v2+s4+$0x0], $0xffff  }
0x11d: {  	v45 =	vadd.s32 $0x300, v2;
	v13 =	vld.idx.msk [tilespmem:v40+s4+$0x0], $0xffff  }
0x11e: {  	v46 =	vadd.s32 $0x380, v2;
	v14 =	vld.idx.msk [tilespmem:v41+s4+$0x0], $0xffff  }
0x11f: {  	v47 =	vadd.s32 $0x400, v2;
	v15 =	vld.idx.msk [tilespmem:v42+s4+$0x0], $0xffff  }
0x120: {  	v3 =	vadd.s32 $0x480, v3;
	v16 =	vld.idx.msk [tilespmem:v43+s4+$0x0], $0xffff  }
0x121: {  	s31 =	sld [smem:$0x7F1];
	v2 =	vadd.s32 $0x480, v2;
	v18 =	vld.idx.msk [tilespmem:v44+s4+$0x0], $0xffff  }
0x122: {  	v19 =	vld.idx.msk [tilespmem:v45+s4+$0x0], $0xffff  }
0x123: {  	v20 =	vld.idx.msk [tilespmem:v46+s4+$0x0], $0xffff  }
0x124: {  	v21 =	vld.idx.msk [tilespmem:v47+s4+$0x0], $0xffff;
	s1 =	sor.u32 s26, s31;
	s31 =	sld [smem:$0x7F2]  }
0x125: {  	v3 =	vld.idx.msk [tilespmem:v3+s4+$0x0], $0xffff  }
0x126: {  	v2 =	vld.idx.msk [tilespmem:v2+s4+$0x0], $0xffff;
	[tilespmem:s30+$0x2A00] =	vst v8  }
0x127: {  	[tilespmem:s1+$0x0] =	vst v5;
	s1 =	sor.u32 s26, s31;
	s31 =	sld [smem:$0x7F3];
	_ =	sdelay $0x2  }
0x128: {  	[tilespmem:s1+$0x0] =	vst v6;
	s1 =	sor.u32 s26, s31;
	s31 =	sld [smem:$0x7F4];
	_ =	sdelay $0x2  }
0x129: {  	[tilespmem:s1+$0x0] =	vst v7;
	s1 =	sor.u32 s26, s31;
	s31 =	sld [smem:$0x7F5];
	_ =	sdelay $0x2  }
0x12a: {  	[tilespmem:s1+$0x0] =	vst v4;
	s1 =	sor.u32 s26, s31;
	s31 =	sld [smem:$0x7F6];
	_ =	sdelay $0x2  }
0x12b: {  	[tilespmem:s1+$0x0] =	vst v9;
	s1 =	sor.u32 s26, s31;
	s31 =	sld [smem:$0x7F7];
	_ =	sdelay $0x2  }
0x12c: {  	[tilespmem:s1+$0x0] =	vst v10;
	s1 =	sor.u32 s26, s31;
	s31 =	sld [smem:$0x7F8];
	_ =	sdelay $0x2  }
0x12d: {  	[tilespmem:s1+$0x0] =	vst v11;
	s1 =	sor.u32 s26, s31;
	s31 =	sld [smem:$0x7F9];
	_ =	sdelay $0x2  }
0x12e: {  	[tilespmem:s1+$0x0] =	vst v12;
	s1 =	sor.u32 s26, s31  }
0x12f: {  	s31 =	sld [smem:$0x7FA];
	[tilespmem:s1+$0x0] =	vst v3  }
0x130: {  	[tilespmem:s30+$0x2A80] =	vst v17;
	s30 =	sld [smem:$0x7FB];
	_ =	sdelay $0x1  }
0x131: {  	s1 =	sor.u32 s26, s31;
	s31 =	sld [smem:$0x7FC]  }
0x132: {  	[tilespmem:s1+$0x0] =	vst v13;
	s1 =	sor.u32 s26, s30;
	s30 =	sld [smem:$0x7FD];
	_ =	sdelay $0x1  }
0x133: {  	[tilespmem:s1+$0x0] =	vst v14;
	s1 =	sor.u32 s26, s31  }
0x134: {  	[tilespmem:s1+$0x0] =	vst v15;
	s1 =	sor.u32 s26, s30  }
0x135: {  	s31 =	sor.u32 s26, s29;
	[tilespmem:s1+$0x0] =	vst v16  }
0x136: {  	s29 =	sor.u32 s26, s28;
	[tilespmem:s31+$0x0] =	vst v18  }
0x137: {  	v48 =	vadd.s32 $0x80, v1;
	s30 =	sor.u32 s26, s22;
	[tilespmem:s29+$0x0] =	vst v19  }
0x138: {  	v49 =	vadd.s32 $0x100, v1;
	s31 =	sor.u32 s26, s21;
	[tilespmem:s30+$0x0] =	vst v20  }
0x139: {  	s19 =	sor.u32 s26, s19;
	v50 =	vadd.s32 $0x180, v1;
	[tilespmem:s31+$0x0] =	vst v21  }
0x13a: {  	v51 =	vadd.s32 $0x200, v1;
	[tilespmem:s19+$0x0] =	vst v2  }
0x13b: {  	v52 =	vadd.s32 $0x280, v1;
	v6 =	vld.idx.msk [tilespmem:v1+s4+$0x0], $0xffff  }
0x13c: {  	v53 =	vadd.s32 $0x300, v1;
	v3 =	vld.idx.msk [tilespmem:v48+s4+$0x0], $0xffff  }
0x13d: {  	v54 =	vadd.s32 $0x380, v1;
	v4 =	vld.idx.msk [tilespmem:v49+s4+$0x0], $0xffff  }
0x13e: {  	v55 =	vadd.s32 $0x400, v1;
	v5 =	vld.idx.msk [tilespmem:v50+s4+$0x0], $0xffff  }
0x13f: {  	v2 =	vld.idx.msk [tilespmem:v51+s4+$0x0], $0xffff  }
0x140: {  	v56 =	vadd.s32 $0x80, v0;
	v7 =	vld.idx.msk [tilespmem:v52+s4+$0x0], $0xffff  }
0x141: {  	v57 =	vadd.s32 $0x100, v0;
	v8 =	vld.idx.msk [tilespmem:v53+s4+$0x0], $0xffff  }
0x142: {  	v58 =	vadd.s32 $0x180, v0;
	v9 =	vld.idx.msk [tilespmem:v54+s4+$0x0], $0xffff  }
0x143: {  	v59 =	vadd.s32 $0x200, v0;
	v10 =	vld.idx.msk [tilespmem:v55+s4+$0x0], $0xffff  }
0x144: {  	v60 =	vadd.s32 $0x280, v0;
	v15 =	vld.idx.msk [tilespmem:v0+s4+$0x0], $0xffff  }
0x145: {  	v61 =	vadd.s32 $0x300, v0;
	v11 =	vld.idx.msk [tilespmem:v56+s4+$0x0], $0xffff  }
0x146: {  	v62 =	vadd.s32 $0x380, v0;
	v12 =	vld.idx.msk [tilespmem:v57+s4+$0x0], $0xffff  }
0x147: {  	v63 =	vadd.s32 $0x400, v0;
	v13 =	vld.idx.msk [tilespmem:v58+s4+$0x0], $0xffff  }
0x148: {  	v1 =	vadd.s32 $0x480, v1;
	v14 =	vld.idx.msk [tilespmem:v59+s4+$0x0], $0xffff  }
0x149: {  	v0 =	vadd.s32 $0x480, v0;
	v16 =	vld.idx.msk [tilespmem:v60+s4+$0x0], $0xffff  }
0x14a: {  	v17 =	vld.idx.msk [tilespmem:v61+s4+$0x0], $0xffff  }
0x14b: {  	v18 =	vld.idx.msk [tilespmem:v62+s4+$0x0], $0xffff  }
0x14c: {  	v19 =	vld.idx.msk [tilespmem:v63+s4+$0x0], $0xffff  }
0x14d: {  	s21 =	rddreg [dreg:$0xa];
	v1 =	vld.idx.msk [tilespmem:v1+s4+$0x0], $0xffff  }
0x14e: {  	s22 =	sor.u32 s26, s18;
	v0 =	vld.idx.msk [tilespmem:v0+s4+$0x0], $0xffff;
	[tilespmem:s21+$0x2800] =	vst v6  }
0x14f: {  	s28 =	sor.u32 s26, s20;
	[tilespmem:s22+$0x0] =	vst v3  }
0x150: {  	s29 =	sor.u32 s26, s17;
	[tilespmem:s28+$0x0] =	vst v4  }
0x151: {  	s30 =	sor.u32 s26, s16;
	[tilespmem:s29+$0x0] =	vst v5  }
0x152: {  	s31 =	sor.u32 s26, s15;
	[tilespmem:s30+$0x0] =	vst v2  }
0x153: {  	s14 =	sor.u32 s26, s14;
	[tilespmem:s31+$0x0] =	vst v7  }
0x154: {  	s15 =	sor.u32 s26, s13;
	[tilespmem:s14+$0x0] =	vst v8  }
0x155: {  	s16 =	sor.u32 s26, s12;
	[tilespmem:s15+$0x0] =	vst v9  }
0x156: {  	s17 =	sor.u32 s26, s11;
	[tilespmem:s16+$0x0] =	vst v10  }
0x157: {  	s18 =	rddreg [dreg:$0x9];
	[tilespmem:s17+$0x0] =	vst v1  }
0x158: {  	s19 =	sor.u32 s26, s10;
	[tilespmem:s18+$0x2800] =	vst v15  }
0x159: {  	s20 =	sor.u32 s26, s9;
	[tilespmem:s19+$0x0] =	vst v11  }
0x15a: {  	s21 =	sor.u32 s26, s8;
	[tilespmem:s20+$0x0] =	vst v12  }
0x15b: {  	s22 =	sor.u32 s26, s7;
	[tilespmem:s21+$0x0] =	vst v13  }
0x15c: {  	p0 =	sne.s32 s25, $0x1E0;
	s28 =	sor.u32 s26, s6;
	[tilespmem:s22+$0x0] =	vst v14  }
.Ltmp0:
0x15d: {  	s29 =	sor.u32 s26, s5;
	[tilespmem:s28+$0x0] =	vst v16;
	(pc) =	sbr.rel @p0 .LBB2_3-.Ltmp0, $4  }
0x15e: {  	s30 =	sor.u32 s26, s3;
	[tilespmem:s29+$0x0] =	vst v17  }
0x15f: {  	s31 =	sor.u32 s26, s2;
	[tilespmem:s30+$0x0] =	vst v18  }
0x160: {  	s0 =	sor.u32 s26, s0;
	[tilespmem:s31+$0x0] =	vst v19  }
0x161: {  	s23 =	sadd.s32 $0x1, s23;
	s25 =	sadd.s32 $0x20, s25;
	s24 =	sadd.s32 $0x100, s24;
	[tilespmem:s0+$0x0] =	vst v0  }
0x162: {  	s0 =	rddreg [dreg:$0x2]  }
0x163: {  	s1 =	rddreg [dreg:$0x8]  }
0x164: {  	s13 =	simm.s32 $0x2800;
	s2 =	simm.s32 $0x1;
	s0 =	sadd.s32 s0, s1  }
0x165: {  	[hbm4b:s0+s4] =	stream.linear.scatter [tilespmem:s13], [sflag:$0x1], $0x1000, $0x38;
	[tilespmem:$0x16800] =	vst v63  }
0x166: {  	_ =	swait.ge [sflag:s2], $0x1000  }
0x167: {  	[sflag:s2] =	ssyncset.done $0x0  }
0x168: {  	s3 =	simm.s32 $0x3800;
	s14 =	sadd.s32 $0x64000, s0;
	[sflag:s2] =	ssyncadd.s32 $0xFFFFF000  }
0x169: {  	[hbm4b:s14+s4] =	stream.linear.scatter [tilespmem:s3], [sflag:$0x1], $0x1000, $0x38;
	[tilespmem:$0x16800] =	vst v63  }
0x16a: {  	_ =	swait.ge [sflag:s2], $0x1000  }
0x16b: {  	[sflag:s2] =	ssyncset.done $0x0  }
0x16c: {  	s16 =	simm.s32 $0x4800;
	s15 =	sadd.s32 $0xC8000, s0;
	[sflag:s2] =	ssyncadd.s32 $0xFFFFF000  }
0x16d: {  	[hbm4b:s15+s4] =	stream.linear.scatter [tilespmem:s16], [sflag:$0x1], $0x1000, $0x38;
	[tilespmem:$0x16800] =	vst v63  }
0x16e: {  	_ =	swait.ge [sflag:s2], $0x1000  }
0x16f: {  	[sflag:s2] =	ssyncset.done $0x0  }
0x170: {  	s18 =	simm.s32 $0x5800;
	s17 =	sadd.s32 $0x12C000, s0;
	[sflag:s2] =	ssyncadd.s32 $0xFFFFF000  }
0x171: {  	[hbm4b:s17+s4] =	stream.linear.scatter [tilespmem:s18], [sflag:$0x1], $0x1000, $0x38;
	[tilespmem:$0x16800] =	vst v63  }
0x172: {  	_ =	swait.ge [sflag:s2], $0x1000  }
0x173: {  	[sflag:s2] =	ssyncset.done $0x0  }
0x174: {  	s20 =	simm.s32 $0x6800;
	s19 =	sadd.s32 $0x190000, s0;
	[sflag:s2] =	ssyncadd.s32 $0xFFFFF000  }
0x175: {  	[hbm4b:s19+s4] =	stream.linear.scatter [tilespmem:s20], [sflag:$0x1], $0x1000, $0x38;
	[tilespmem:$0x16800] =	vst v63  }
0x176: {  	_ =	swait.ge [sflag:s2], $0x1000  }
0x177: {  	[sflag:s2] =	ssyncset.done $0x0  }
0x178: {  	s22 =	simm.s32 $0x7800;
	s21 =	sadd.s32 $0x1F4000, s0;
	[sflag:s2] =	ssyncadd.s32 $0xFFFFF000  }
0x179: {  	[hbm4b:s21+s4] =	stream.linear.scatter [tilespmem:s22], [sflag:$0x1], $0x1000, $0x38;
	[tilespmem:$0x16800] =	vst v63  }
0x17a: {  	_ =	swait.ge [sflag:s2], $0x1000  }
0x17b: {  	[sflag:s2] =	ssyncset.done $0x0  }
0x17c: {  	s24 =	simm.s32 $0x8800;
	s23 =	sadd.s32 $0x258000, s0;
	[sflag:s2] =	ssyncadd.s32 $0xFFFFF000  }
0x17d: {  	[hbm4b:s23+s4] =	stream.linear.scatter [tilespmem:s24], [sflag:$0x1], $0x1000, $0x38;
	[tilespmem:$0x16800] =	vst v63  }
0x17e: {  	_ =	swait.ge [sflag:s2], $0x1000  }
0x17f: {  	[sflag:s2] =	ssyncset.done $0x0  }
0x180: {  	s26 =	simm.s32 $0x9800;
	s25 =	sadd.s32 $0x2BC000, s0;
	[sflag:s2] =	ssyncadd.s32 $0xFFFFF000  }
0x181: {  	[hbm4b:s25+s4] =	stream.linear.scatter [tilespmem:s26], [sflag:$0x1], $0x1000, $0x38;
	[tilespmem:$0x16800] =	vst v63  }
0x182: {  	_ =	swait.ge [sflag:s2], $0x1000  }
0x183: {  	[sflag:s2] =	ssyncset.done $0x0  }
0x184: {  	s29 =	simm.s32 $0xA800;
	s28 =	sadd.s32 $0x320000, s0;
	[sflag:s2] =	ssyncadd.s32 $0xFFFFF000  }
0x185: {  	[hbm4b:s28+s4] =	stream.linear.scatter [tilespmem:s29], [sflag:$0x1], $0x1000, $0x38;
	[tilespmem:$0x16800] =	vst v63  }
0x186: {  	_ =	swait.ge [sflag:s2], $0x1000  }
0x187: {  	[sflag:s2] =	ssyncset.done $0x0  }
0x188: {  	s30 =	simm.s32 $0xB800;
	s0 =	sadd.s32 $0x384000, s0;
	[sflag:s2] =	ssyncadd.s32 $0xFFFFF000  }
0x189: {  	[hbm4b:s0+s4] =	stream.linear.scatter [tilespmem:s30], [sflag:$0x1], $0x1000, $0x38;
	[tilespmem:$0x16800] =	vst v63  }
0x18a: {  	_ =	swait.ge [sflag:s2], $0x1000  }
0x18b: {  	s31 =	rddreg [dreg:$0x7]  }
0x18c: {  	s0 =	sadd.s32 $0x1, s31  }
0x18d: {  	p0 =	sne.s32 s0, $0x19  }
.Ltmp1:
0x18e: {  	_ = 	snop;
	(pc) =	sbr.rel @p0 .LBB2_2-.Ltmp1, $3  }
0x18f: {  	_ =	sdelay $0x1  }
0x190: {  	[sflag:s2] =	ssyncset.done $0x0  }
0x191: {  	[sflag:s2] =	ssyncadd.s32 $0xFFFFF000  }
0x192: {  	s1 =	rddreg [dreg:$0x6]  }
0x193: {  	s0 =	rddreg [dreg:$0x5];
	s1 =	sadd.s32 $0x1, s1  }
0x194: {  	p0 =	sne.s32 s1, s0  }
.Ltmp2:
0x195: {  	_ = 	snop;
	(pc) =	sbr.rel @p0 .LBB2_1-.Ltmp2, $1  }
0x196: {  	_ =	sdelay $0x3  }
0x197: {  	_ =	sfence.sel $0x180000  }
0x198: {  	[bflag:$0x0] =	sbarrier.arrive $0xFFFF  }
0x199: {  	_ =	strace $0x90000047  }
0x19a: {  	s0 =	stileid.u32;
	[bflag:$0x2] =	sbarrier.arrive $0xFFFF  }
0x19b: {  	p0 =	sne.s32 s0, $0x0;
	s0 =	rddreg [dreg:$0x3]  }
0x19c: {  	s0 =	sadd.s32 @!p0 $0x100000, s0  }
0x19d: {  	[sflag:s0] =	ssyncadd.tile.s32 @!p0 $0x1;
	_ =	shalt  }
.Lfunc_end2:
_tile_overlayer_lowered:
.L_overlay_start_2:
0x19e: {  	(tag) =	ssettag $0x2  }
0x19f: {  	s0 =	rddreg [dreg:$0x0];
	s2 =	stileid.u32  }
0x1a0: {  	s1 =	rddreg [dreg:$0x1];
	p0 =	sne.s32 s2, $0x0  }
0x1a1: {  	s3 =	rddreg [dreg:$0x2];
	[bflag:$0x3] =	sbarrier.arrive $0xFFFF;
	s2 =	simm.s32 @!p0 $0x1C01  }
0x1a2: {  	[timem:s3], [sflag:s2] =	dma.local @!p0 [hbm:s0], s1  }
0x1a3: {  	s0 =	simm.s32 @!p0 $0x1  }
0x1a4: {  	_ =	swait.ge @!p0 [sflag:s0], s1  }
0x1a5: {  	s1 =	ssub.s32 @!p0 $0x0, s1;
	[sflag:s0] =	ssyncset.done @!p0 $0x0  }
0x1a6: {  	[sflag:s0] =	ssyncadd.s32 @!p0 s1  }
0x1a7: {  	[bflag:$0x3] =	sbarrier.arrive $0xFFFF  }
0x1a8: {  	_ =	shalt  }

</sc_bundles>
